<compile_context>
chip_gen: v7x
topology: tpu7x:2x2x1
jax: 0.10.2.dev20260603
libtpu: 0.0.44.dev20260713+nightly
codegen_flags: <defaults>
</compile_context>

<pallas_src>
import functools

import jax
import jax.numpy as jnp
import numpy as np
from jax import lax
from jax.experimental import pallas as pl
from jax.experimental.pallas import tpu as pltpu
from jax.experimental.pallas import tpu_sc as plsc

_TABLE_SIZES = [999983, 999979, 999961, 999959]
_V = int(sum(_TABLE_SIZES))
_EMBED_DIM = 16
_NUM_HEADS = 4
_OFFSETS = np.concatenate([[0], np.cumsum(_TABLE_SIZES[:-1])]).astype(np.int32)

_INFO = plsc.get_sparse_core_info()
_NC = _INFO.num_cores
_NS = _INFO.num_subcores
_NW = _NC * _NS
_L = _INFO.num_lanes

_MESH = plsc.VectorSubcoreMesh(core_axis_name="c", subcore_axis_name="s")


_VP = 4000000
_CW = 1920
_NBUF = 2
_FULL_ROUNDS = _V // (_NW * _CW)
_PIPE = (_FULL_ROUNDS // _NBUF) * _NBUF
_TAIL0 = _FULL_ROUNDS * _NW * _CW
_TAIL_CHUNKS = (_V - _TAIL0) // 128
_ALIGNED_END = _TAIL0 + _TAIL_CHUNKS * 128
_PATCH_ROWS = _V - _ALIGNED_END
_PATCH_PAD = 1024


@functools.partial(
    pl.kernel,
    mesh=_MESH,
    out_type=jax.ShapeDtypeStruct((_VP * _EMBED_DIM,), jnp.float32),
    scratch_types=(
        [pltpu.VMEM((_EMBED_DIM, _CW), jnp.float32)] * _NBUF
        + [pltpu.VMEM((_CW * _EMBED_DIM,), jnp.float32)] * _NBUF
        + [pltpu.VMEM((_PATCH_PAD,), jnp.float32)]
        + [pltpu.SemaphoreType.DMA] * (2 * _NBUF)
    ),
    compiler_params=pltpu.CompilerParams(needs_layout_passes=False),
)
def _relayout(wt_hbm, patch_hbm, out_hbm,
              in0, in1, ov0, ov1, patch_v, is0, is1, os0, os1):
    wid = lax.axis_index("s") * _NC + lax.axis_index("c")
    lanes = lax.iota(jnp.int32, _L)
    ins, ovs = (in0, in1), (ov0, ov1)
    isems, osems = (is0, is1), (os0, os1)

    def src(k):
        return wt_hbm.at[:, pl.ds((k * _NW + wid) * _CW, _CW)]

    def dst(k):
        return out_hbm.at[pl.ds((k * _NW + wid) * _CW * _EMBED_DIM,
                                _CW * _EMBED_DIM)]

    def transpose(in_v, out_v, width):
        idxs = tuple(lanes * _EMBED_DIM + d for d in range(_EMBED_DIM))

        def blk(t, _):
            dst = out_v.at[pl.ds(t * (_L * _EMBED_DIM), _L * _EMBED_DIM)]
            vecs = [in_v[d, pl.ds(t * _L, _L)] for d in range(_EMBED_DIM)]
            for d in range(_EMBED_DIM):
                plsc.store_scatter(dst, [idxs[d]], vecs[d])
            return 0

        lax.fori_loop(0, width // _L, blk, 0, unroll=2)

    for b in range(_NBUF):
        pltpu.async_copy(src(b), ins[b], isems[b])

    def pipe_body(gp, _):
        for b in range(_NBUF):
            k = gp * _NBUF + b
            pltpu.make_async_copy(src(k), ins[b], isems[b]).wait()

            @pl.when(k >= _NBUF)
            def _drain_out():
                pltpu.make_async_copy(ovs[b], dst(k - _NBUF), osems[b]).wait()

            transpose(ins[b], ovs[b], _CW)
            pltpu.async_copy(ovs[b], dst(k), osems[b])

            @pl.when(k + _NBUF < _PIPE)
            def _prefetch():
                pltpu.async_copy(src(k + _NBUF), ins[b], isems[b])

        return 0

    lax.fori_loop(0, _PIPE // _NBUF, pipe_body, 0)
    for b in range(_NBUF):
        pltpu.make_async_copy(ovs[b], dst(_PIPE - _NBUF + b), osems[b]).wait()

    def process(c0, width):
        pltpu.sync_copy(wt_hbm.at[:, pl.ds(c0, width)],
                        in0.at[:, pl.ds(0, width)])
        transpose(in0, ov0, width)
        pltpu.sync_copy(ov0.at[pl.ds(0, width * _EMBED_DIM)],
                        out_hbm.at[pl.ds(c0 * _EMBED_DIM, width * _EMBED_DIM)])

    for k in range(_PIPE, _FULL_ROUNDS):
        process((k * _NW + wid) * _CW, _CW)

    for r in range(_TAIL_CHUNKS // _NW):
        process(_TAIL0 + (r * _NW + wid) * 128, 128)

    @pl.when(wid < _TAIL_CHUNKS % _NW)
    def _tail_b():
        process(_TAIL0 + ((_TAIL_CHUNKS // _NW) * _NW + wid) * 128, 128)

    @pl.when(wid == _NW - 1)
    def _patch():
        pltpu.sync_copy(patch_hbm, patch_v)
        pltpu.sync_copy(patch_v,
                        out_hbm.at[pl.ds(_ALIGNED_END * _EMBED_DIM, _PATCH_PAD)])



def _make_sc_gather(n_rows: int, chunk: int):
    assert n_rows % _NW == 0
    per_w = n_rows // _NW
    assert per_w % chunk == 0
    n_chunks = per_w // chunk
    assert chunk % _L == 0

    @functools.partial(
        pl.kernel,
        mesh=_MESH,
        out_type=jax.ShapeDtypeStruct((n_rows, _EMBED_DIM), jnp.float32),
        scratch_types=[
            pltpu.VMEM((chunk,), jnp.int32),
            pltpu.VMEM((chunk, _EMBED_DIM), jnp.float32),
            pltpu.VMEM((_L,), jnp.int32),
            pltpu.SemaphoreType.DMA,
        ],
        compiler_params=pltpu.CompilerParams(use_tc_tiling_on_sc=False),
    )
    def sc_gather(ids_hbm, off_hbm, w_hbm, out_hbm, idx_v, rows_v, off_v, sem):
        wid = lax.axis_index("s") * _NC + lax.axis_index("c")
        base = wid * per_w
        pltpu.sync_copy(off_hbm, off_v)
        off = off_v[...]

        def chunk_body(c, _):
            cbase = base + c * chunk
            pltpu.sync_copy(ids_hbm.at[pl.ds(cbase, chunk)], idx_v)

            def add_body(i, _):
                sl = pl.ds(i * _L, _L)
                idx_v[sl] = idx_v[sl] + off
                return 0

            lax.fori_loop(0, chunk // _L, add_body, 0, unroll=8)
            pltpu.async_copy(w_hbm.at[idx_v], rows_v, sem).wait()
            pltpu.sync_copy(rows_v, out_hbm.at[pl.ds(cbase, chunk)])
            return 0

        lax.fori_loop(0, n_chunks, chunk_body, 0)

    return sc_gather


@jax.jit
def kernel(hash_ids, weight):
    B, T, H = hash_ids.shape
    n_rows = B * T * H
    ids_flat = hash_ids.reshape(n_rows)
    off_tile = jnp.asarray(np.tile(_OFFSETS, _L // _NUM_HEADS), dtype=jnp.int32)
    patch = lax.pad(weight[_ALIGNED_END:].reshape(-1),
                    jnp.float32(0),
                    [(0, _PATCH_PAD - _PATCH_ROWS * _EMBED_DIM, 0)])
    w_lin = _relayout(weight.T, patch)
    table = w_lin.reshape(_VP, _EMBED_DIM)
    out = _make_sc_gather(n_rows, 3200)(ids_flat, off_tile, table)
    return out.reshape(B, T, H * _EMBED_DIM)

# --- scband reference (transcript-rebuilt; emitter-appended) ---
"""Pipeline reference for scband-multi-head-embedding-42915313221886 (READ-ONLY COPY).

The authoritative reference and input builder live on the scoring server;
editing this copy changes nothing except your own understanding.
"""

import jax, jax.numpy as jnp
import numpy as np

TABLE_SIZES = [999983, 999979, 999961, 999959]
EMBED_DIM = 16
OFFSETS = np.concatenate([[0], np.cumsum(TABLE_SIZES[:-1])]).astype(np.int64)
TOTAL = int(sum(TABLE_SIZES))


def setup_inputs(seed: int = 0) -> dict:
    key = jax.random.key(seed)
    k1, k2 = jax.random.split(key)
    # per-head indices, before offset; max index < min(table_sizes) so all heads are in-range
    hash_ids = jax.random.randint(k1, (4096, 50, 4), 0, 999959, dtype=jnp.int32)
    # learned parameter: flattened embedding table shared by all heads
    weight = jax.random.normal(k2, (TOTAL, EMBED_DIM), dtype=jnp.float32) * 0.02
    return {"hash_ids": hash_ids, "weight": weight}


def reference(hash_ids, weight):
    # shift each head's indices by its table offset into the flattened table
    offsets = jnp.asarray(OFFSETS, dtype=hash_ids.dtype)
    shifted = hash_ids + offsets  # [B, T, H]
    out = jnp.take(weight, shifted, axis=0)  # [B, T, H, D]
    B, T, H, D = out.shape
    return out.reshape(B, T, H * D)

if __name__ == "__main__":
    import jax
    _d = setup_inputs()
    print(jax.jit(kernel)(*tuple(_d.values())))

</pallas_src>

<mosaic_0001>
#map = affine_map<(d0, d1) -> (0, 0)>
#map1 = affine_map<(d0, d1) -> (0)>
module attributes {stable_mosaic.version = 14 : i64} {
  func.func @_relayout(%arg0: i32, %arg1: i32, %arg2: memref<16x3999882xf32, #tpu.memory_space<hbm>>, %arg3: memref<1024xf32, #tpu.memory_space<hbm>>, %arg4: memref<64000000xf32, #tpu.memory_space<hbm>>, %arg5: memref<16x1920xf32, #tpu.memory_space<vmem>>, %arg6: memref<16x1920xf32, #tpu.memory_space<vmem>>, %arg7: memref<30720xf32, #tpu.memory_space<vmem>>, %arg8: memref<30720xf32, #tpu.memory_space<vmem>>, %arg9: memref<1024xf32, #tpu.memory_space<vmem>>, %arg10: memref<!tpu.dma_semaphore, #tpu.memory_space<semaphore_mem>>, %arg11: memref<!tpu.dma_semaphore, #tpu.memory_space<semaphore_mem>>, %arg12: memref<!tpu.dma_semaphore, #tpu.memory_space<semaphore_mem>>, %arg13: memref<!tpu.dma_semaphore, #tpu.memory_space<semaphore_mem>>) attributes {dimension_semantics = [#tpu.dimension_semantics<core_parallel>, #tpu.dimension_semantics<subcore_parallel>], iteration_bounds = array<i64: 2, 16>, scalar_prefetch = 0 : i64, scratch_operands = 9 : i64, tpu.core_type = #tpu.core_type<sc_vector_subcore>, window_params = [{transform_indices = #map}, {transform_indices = #map1}, {transform_indices = #map1}]} {
    %mul3A = arith.constant 2 : i32
    %mul3A_0 = arith.muli %arg1, %mul3A : i32
    %add3A = arith.addi %mul3A_0, %arg0 : i32
    %iota3A = tpu.iota {dimensions = array<i32: 0>} : vector<16xi32>
    %add3A_1 = arith.constant 0 : i32
    %add3A_2 = arith.addi %add3A_1, %add3A : i32
    %mul3A_3 = arith.constant 1920 : i32
    %mul3A_4 = arith.muli %add3A_2, %mul3A_3 : i32
    %dma_start3A = arith.constant 0 : i32
    %dma_start3A_5 = tpu.memref_slice %arg2[%dma_start3A, %mul3A_4] : memref<16x3999882xf32, #tpu.memory_space<hbm>> -> memref<16x1920xf32, #tpu.memory_space<hbm>>
    %dma_start3A_6 = arith.constant 0 : i32
    %dma_start3A_7 = tpu.memref_slice %arg2[%dma_start3A_6, %mul3A_4] : memref<16x3999882xf32, #tpu.memory_space<hbm>> -> memref<16x1920xf32, #tpu.memory_space<hbm>>
    tpu.enqueue_dma source(%dma_start3A_7 : memref<16x1920xf32, #tpu.memory_space<hbm>>) target(%arg5 : memref<16x1920xf32, #tpu.memory_space<vmem>>) target_semaphore(%arg10 : memref<!tpu.dma_semaphore, #tpu.memory_space<semaphore_mem>>)
    %add3A_8 = arith.constant 32 : i32
    %add3A_9 = arith.addi %add3A_8, %add3A : i32
    %mul3A_10 = arith.constant 1920 : i32
    %mul3A_11 = arith.muli %add3A_9, %mul3A_10 : i32
    %dma_start3A_12 = arith.constant 0 : i32
    %dma_start3A_13 = tpu.memref_slice %arg2[%dma_start3A_12, %mul3A_11] : memref<16x3999882xf32, #tpu.memory_space<hbm>> -> memref<16x1920xf32, #tpu.memory_space<hbm>>
    %dma_start3A_14 = arith.constant 0 : i32
    %dma_start3A_15 = tpu.memref_slice %arg2[%dma_start3A_14, %mul3A_11] : memref<16x3999882xf32, #tpu.memory_space<hbm>> -> memref<16x1920xf32, #tpu.memory_space<hbm>>
    tpu.enqueue_dma source(%dma_start3A_15 : memref<16x1920xf32, #tpu.memory_space<hbm>>) target(%arg6 : memref<16x1920xf32, #tpu.memory_space<vmem>>) target_semaphore(%arg11 : memref<!tpu.dma_semaphore, #tpu.memory_space<semaphore_mem>>)
    %scan3A = arith.constant 0 : i32
    %scan3A_16 = arith.constant 0 : i32
    %scan3A_17 = arith.constant 32 : i32
    %scan3A_18 = arith.addi %scan3A_16, %scan3A_17 : i32
    %scan3A_19 = arith.constant 1 : i32
    %scan3A_20 = scf.for %scan3A_263 = %scan3A_16 to %scan3A_18 step %scan3A_19 iter_args(%scan3A_264 = %scan3A) -> (i32)  : i32 {
      %mul3A_265 = arith.constant 2 : i32
      %mul3A_266 = arith.muli %scan3A_263, %mul3A_265 : i32
      %add3A_267 = arith.constant 0 : i32
      %add3A_268 = arith.addi %mul3A_266, %add3A_267 : i32
      %mul3A_269 = arith.constant 32 : i32
      %mul3A_270 = arith.muli %add3A_268, %mul3A_269 : i32
      %add3A_271 = arith.addi %mul3A_270, %add3A : i32
      %mul3A_272 = arith.constant 1920 : i32
      %mul3A_273 = arith.muli %add3A_271, %mul3A_272 : i32
      %dma_wait3A_274 = arith.constant 0 : i32
      %dma_wait3A_275 = tpu.memref_slice %arg2[%dma_wait3A_274, %mul3A_273] : memref<16x3999882xf32, #tpu.memory_space<hbm>> -> memref<16x1920xf32, #tpu.memory_space<hbm>>
      %dma_wait3A_276 = arith.constant 0 : i32
      %dma_wait3A_277 = tpu.memref_slice %arg2[%dma_wait3A_276, %mul3A_273] : memref<16x3999882xf32, #tpu.memory_space<hbm>> -> memref<16x1920xf32, #tpu.memory_space<hbm>>
      tpu.wait_dma2 semaphore(%arg10 : memref<!tpu.dma_semaphore, #tpu.memory_space<semaphore_mem>>) src(%dma_wait3A_277 : memref<16x1920xf32, #tpu.memory_space<hbm>>) dst(%arg5 : memref<16x1920xf32, #tpu.memory_space<vmem>>)
      %ge3A = arith.constant 2 : i32
      %ge3A_278 = arith.cmpi sge, %add3A_268, %ge3A : i32
      %convert_element_type3A_279 = arith.extui %ge3A_278 : i1 to i32
      %cond3A_280 = arith.constant 0 : i32
      %cond3A_281 = arith.cmpi ne, %convert_element_type3A_279, %cond3A_280 : i32
      scf.if %cond3A_281 {
        %sub3A = arith.constant 2 : i32
        %sub3A_539 = arith.subi %add3A_268, %sub3A : i32
        %mul3A_540 = arith.constant 32 : i32
        %mul3A_541 = arith.muli %sub3A_539, %mul3A_540 : i32
        %add3A_542 = arith.addi %mul3A_541, %add3A : i32
        %mul3A_543 = arith.constant 1920 : i32
        %mul3A_544 = arith.muli %add3A_542, %mul3A_543 : i32
        %mul3A_545 = arith.constant 16 : i32
        %mul3A_546 = arith.muli %mul3A_544, %mul3A_545 : i32
        %dma_wait3A_547 = tpu.memref_slice %arg4[%mul3A_546] : memref<64000000xf32, #tpu.memory_space<hbm>> -> memref<30720xf32, #tpu.memory_space<hbm>>
        %dma_wait3A_548 = tpu.memref_slice %arg4[%mul3A_546] : memref<64000000xf32, #tpu.memory_space<hbm>> -> memref<30720xf32, #tpu.memory_space<hbm>>
        tpu.wait_dma2 semaphore(%arg12 : memref<!tpu.dma_semaphore, #tpu.memory_space<semaphore_mem>>) src(%arg7 : memref<30720xf32, #tpu.memory_space<vmem>>) dst(%dma_wait3A_548 : memref<30720xf32, #tpu.memory_space<hbm>>)
      } else {
      }
      %mul3A_282 = arith.constant 16 : i32
      %mul3A_283 = vector.broadcast %mul3A_282 : i32 to vector<16xi32>
      %mul3A_284 = arith.muli %iota3A, %mul3A_283 : vector<16xi32>
      %add3A_285 = arith.constant 0 : i32
      %add3A_286 = vector.broadcast %add3A_285 : i32 to vector<16xi32>
      %add3A_287 = arith.addi %mul3A_284, %add3A_286 : vector<16xi32>
      %mul3A_288 = arith.constant 16 : i32
      %mul3A_289 = vector.broadcast %mul3A_288 : i32 to vector<16xi32>
      %mul3A_290 = arith.muli %iota3A, %mul3A_289 : vector<16xi32>
      %add3A_291 = arith.constant 1 : i32
      %add3A_292 = vector.broadcast %add3A_291 : i32 to vector<16xi32>
      %add3A_293 = arith.addi %mul3A_290, %add3A_292 : vector<16xi32>
      %mul3A_294 = arith.constant 16 : i32
      %mul3A_295 = vector.broadcast %mul3A_294 : i32 to vector<16xi32>
      %mul3A_296 = arith.muli %iota3A, %mul3A_295 : vector<16xi32>
      %add3A_297 = arith.constant 2 : i32
      %add3A_298 = vector.broadcast %add3A_297 : i32 to vector<16xi32>
      %add3A_299 = arith.addi %mul3A_296, %add3A_298 : vector<16xi32>
      %mul3A_300 = arith.constant 16 : i32
      %mul3A_301 = vector.broadcast %mul3A_300 : i32 to vector<16xi32>
      %mul3A_302 = arith.muli %iota3A, %mul3A_301 : vector<16xi32>
      %add3A_303 = arith.constant 3 : i32
      %add3A_304 = vector.broadcast %add3A_303 : i32 to vector<16xi32>
      %add3A_305 = arith.addi %mul3A_302, %add3A_304 : vector<16xi32>
      %mul3A_306 = arith.constant 16 : i32
      %mul3A_307 = vector.broadcast %mul3A_306 : i32 to vector<16xi32>
      %mul3A_308 = arith.muli %iota3A, %mul3A_307 : vector<16xi32>
      %add3A_309 = arith.constant 4 : i32
      %add3A_310 = vector.broadcast %add3A_309 : i32 to vector<16xi32>
      %add3A_311 = arith.addi %mul3A_308, %add3A_310 : vector<16xi32>
      %mul3A_312 = arith.constant 16 : i32
      %mul3A_313 = vector.broadcast %mul3A_312 : i32 to vector<16xi32>
      %mul3A_314 = arith.muli %iota3A, %mul3A_313 : vector<16xi32>
      %add3A_315 = arith.constant 5 : i32
      %add3A_316 = vector.broadcast %add3A_315 : i32 to vector<16xi32>
      %add3A_317 = arith.addi %mul3A_314, %add3A_316 : vector<16xi32>
      %mul3A_318 = arith.constant 16 : i32
      %mul3A_319 = vector.broadcast %mul3A_318 : i32 to vector<16xi32>
      %mul3A_320 = arith.muli %iota3A, %mul3A_319 : vector<16xi32>
      %add3A_321 = arith.constant 6 : i32
      %add3A_322 = vector.broadcast %add3A_321 : i32 to vector<16xi32>
      %add3A_323 = arith.addi %mul3A_320, %add3A_322 : vector<16xi32>
      %mul3A_324 = arith.constant 16 : i32
      %mul3A_325 = vector.broadcast %mul3A_324 : i32 to vector<16xi32>
      %mul3A_326 = arith.muli %iota3A, %mul3A_325 : vector<16xi32>
      %add3A_327 = arith.constant 7 : i32
      %add3A_328 = vector.broadcast %add3A_327 : i32 to vector<16xi32>
      %add3A_329 = arith.addi %mul3A_326, %add3A_328 : vector<16xi32>
      %mul3A_330 = arith.constant 16 : i32
      %mul3A_331 = vector.broadcast %mul3A_330 : i32 to vector<16xi32>
      %mul3A_332 = arith.muli %iota3A, %mul3A_331 : vector<16xi32>
      %add3A_333 = arith.constant 8 : i32
      %add3A_334 = vector.broadcast %add3A_333 : i32 to vector<16xi32>
      %add3A_335 = arith.addi %mul3A_332, %add3A_334 : vector<16xi32>
      %mul3A_336 = arith.constant 16 : i32
      %mul3A_337 = vector.broadcast %mul3A_336 : i32 to vector<16xi32>
      %mul3A_338 = arith.muli %iota3A, %mul3A_337 : vector<16xi32>
      %add3A_339 = arith.constant 9 : i32
      %add3A_340 = vector.broadcast %add3A_339 : i32 to vector<16xi32>
      %add3A_341 = arith.addi %mul3A_338, %add3A_340 : vector<16xi32>
      %mul3A_342 = arith.constant 16 : i32
      %mul3A_343 = vector.broadcast %mul3A_342 : i32 to vector<16xi32>
      %mul3A_344 = arith.muli %iota3A, %mul3A_343 : vector<16xi32>
      %add3A_345 = arith.constant 10 : i32
      %add3A_346 = vector.broadcast %add3A_345 : i32 to vector<16xi32>
      %add3A_347 = arith.addi %mul3A_344, %add3A_346 : vector<16xi32>
      %mul3A_348 = arith.constant 16 : i32
      %mul3A_349 = vector.broadcast %mul3A_348 : i32 to vector<16xi32>
      %mul3A_350 = arith.muli %iota3A, %mul3A_349 : vector<16xi32>
      %add3A_351 = arith.constant 11 : i32
      %add3A_352 = vector.broadcast %add3A_351 : i32 to vector<16xi32>
      %add3A_353 = arith.addi %mul3A_350, %add3A_352 : vector<16xi32>
      %mul3A_354 = arith.constant 16 : i32
      %mul3A_355 = vector.broadcast %mul3A_354 : i32 to vector<16xi32>
      %mul3A_356 = arith.muli %iota3A, %mul3A_355 : vector<16xi32>
      %add3A_357 = arith.constant 12 : i32
      %add3A_358 = vector.broadcast %add3A_357 : i32 to vector<16xi32>
      %add3A_359 = arith.addi %mul3A_356, %add3A_358 : vector<16xi32>
      %mul3A_360 = arith.constant 16 : i32
      %mul3A_361 = vector.broadcast %mul3A_360 : i32 to vector<16xi32>
      %mul3A_362 = arith.muli %iota3A, %mul3A_361 : vector<16xi32>
      %add3A_363 = arith.constant 13 : i32
      %add3A_364 = vector.broadcast %add3A_363 : i32 to vector<16xi32>
      %add3A_365 = arith.addi %mul3A_362, %add3A_364 : vector<16xi32>
      %mul3A_366 = arith.constant 16 : i32
      %mul3A_367 = vector.broadcast %mul3A_366 : i32 to vector<16xi32>
      %mul3A_368 = arith.muli %iota3A, %mul3A_367 : vector<16xi32>
      %add3A_369 = arith.constant 14 : i32
      %add3A_370 = vector.broadcast %add3A_369 : i32 to vector<16xi32>
      %add3A_371 = arith.addi %mul3A_368, %add3A_370 : vector<16xi32>
      %mul3A_372 = arith.constant 16 : i32
      %mul3A_373 = vector.broadcast %mul3A_372 : i32 to vector<16xi32>
      %mul3A_374 = arith.muli %iota3A, %mul3A_373 : vector<16xi32>
      %add3A_375 = arith.constant 15 : i32
      %add3A_376 = vector.broadcast %add3A_375 : i32 to vector<16xi32>
      %add3A_377 = arith.addi %mul3A_374, %add3A_376 : vector<16xi32>
      %scan3A_378 = arith.constant 0 : i32
      %scan3A_379 = arith.constant 0 : i32
      %scan3A_380 = arith.constant 120 : i32
      %scan3A_381 = arith.addi %scan3A_379, %scan3A_380 : i32
      %scan3A_382 = arith.constant 2 : i32
      %scan3A_383 = scf.for %scan3A_539 = %scan3A_379 to %scan3A_381 step %scan3A_382 iter_args(%scan3A_540 = %scan3A_378) -> (i32)  : i32 {
        %mul3A_541 = arith.constant 256 : i32
        %mul3A_542 = arith.muli %scan3A_539, %mul3A_541 : i32
        %mul3A_543 = arith.constant 16 : i32
        %mul3A_544 = arith.muli %scan3A_539, %mul3A_543 : i32
        %get3A = arith.constant 0 : i32
        %get3A_545 = arith.index_cast %get3A : i32 to index
        %get3A_546 = arith.index_cast %mul3A_544 : i32 to index
        %get3A_547 = tpu.vector_load %arg5[%get3A_545, %get3A_546] {strides = array<i32>} : memref<16x1920xf32, #tpu.memory_space<vmem>>, vector<16xf32>,
        %mul3A_548 = arith.constant 16 : i32
        %mul3A_549 = arith.muli %scan3A_539, %mul3A_548 : i32
        %get3A_550 = arith.constant 1 : i32
        %get3A_551 = arith.index_cast %get3A_550 : i32 to index
        %get3A_552 = arith.index_cast %mul3A_549 : i32 to index
        %get3A_553 = tpu.vector_load %arg5[%get3A_551, %get3A_552] {strides = array<i32>} : memref<16x1920xf32, #tpu.memory_space<vmem>>, vector<16xf32>,
        %mul3A_554 = arith.constant 16 : i32
        %mul3A_555 = arith.muli %scan3A_539, %mul3A_554 : i32
        %get3A_556 = arith.constant 2 : i32
        %get3A_557 = arith.index_cast %get3A_556 : i32 to index
        %get3A_558 = arith.index_cast %mul3A_555 : i32 to index
        %get3A_559 = tpu.vector_load %arg5[%get3A_557, %get3A_558] {strides = array<i32>} : memref<16x1920xf32, #tpu.memory_space<vmem>>, vector<16xf32>,
        %mul3A_560 = arith.constant 16 : i32
        %mul3A_561 = arith.muli %scan3A_539, %mul3A_560 : i32
        %get3A_562 = arith.constant 3 : i32
        %get3A_563 = arith.index_cast %get3A_562 : i32 to index
        %get3A_564 = arith.index_cast %mul3A_561 : i32 to index
        %get3A_565 = tpu.vector_load %arg5[%get3A_563, %get3A_564] {strides = array<i32>} : memref<16x1920xf32, #tpu.memory_space<vmem>>, vector<16xf32>,
        %mul3A_566 = arith.constant 16 : i32
        %mul3A_567 = arith.muli %scan3A_539, %mul3A_566 : i32
        %get3A_568 = arith.constant 4 : i32
        %get3A_569 = arith.index_cast %get3A_568 : i32 to index
        %get3A_570 = arith.index_cast %mul3A_567 : i32 to index
        %get3A_571 = tpu.vector_load %arg5[%get3A_569, %get3A_570] {strides = array<i32>} : memref<16x1920xf32, #tpu.memory_space<vmem>>, vector<16xf32>,
        %mul3A_572 = arith.constant 16 : i32
        %mul3A_573 = arith.muli %scan3A_539, %mul3A_572 : i32
        %get3A_574 = arith.constant 5 : i32
        %get3A_575 = arith.index_cast %get3A_574 : i32 to index
        %get3A_576 = arith.index_cast %mul3A_573 : i32 to index
        %get3A_577 = tpu.vector_load %arg5[%get3A_575, %get3A_576] {strides = array<i32>} : memref<16x1920xf32, #tpu.memory_space<vmem>>, vector<16xf32>,
        %mul3A_578 = arith.constant 16 : i32
        %mul3A_579 = arith.muli %scan3A_539, %mul3A_578 : i32
        %get3A_580 = arith.constant 6 : i32
        %get3A_581 = arith.index_cast %get3A_580 : i32 to index
        %get3A_582 = arith.index_cast %mul3A_579 : i32 to index
        %get3A_583 = tpu.vector_load %arg5[%get3A_581, %get3A_582] {strides = array<i32>} : memref<16x1920xf32, #tpu.memory_space<vmem>>, vector<16xf32>,
        %mul3A_584 = arith.constant 16 : i32
        %mul3A_585 = arith.muli %scan3A_539, %mul3A_584 : i32
        %get3A_586 = arith.constant 7 : i32
        %get3A_587 = arith.index_cast %get3A_586 : i32 to index
        %get3A_588 = arith.index_cast %mul3A_585 : i32 to index
        %get3A_589 = tpu.vector_load %arg5[%get3A_587, %get3A_588] {strides = array<i32>} : memref<16x1920xf32, #tpu.memory_space<vmem>>, vector<16xf32>,
        %mul3A_590 = arith.constant 16 : i32
        %mul3A_591 = arith.muli %scan3A_539, %mul3A_590 : i32
        %get3A_592 = arith.constant 8 : i32
        %get3A_593 = arith.index_cast %get3A_592 : i32 to index
        %get3A_594 = arith.index_cast %mul3A_591 : i32 to index
        %get3A_595 = tpu.vector_load %arg5[%get3A_593, %get3A_594] {strides = array<i32>} : memref<16x1920xf32, #tpu.memory_space<vmem>>, vector<16xf32>,
        %mul3A_596 = arith.constant 16 : i32
        %mul3A_597 = arith.muli %scan3A_539, %mul3A_596 : i32
        %get3A_598 = arith.constant 9 : i32
        %get3A_599 = arith.index_cast %get3A_598 : i32 to index
        %get3A_600 = arith.index_cast %mul3A_597 : i32 to index
        %get3A_601 = tpu.vector_load %arg5[%get3A_599, %get3A_600] {strides = array<i32>} : memref<16x1920xf32, #tpu.memory_space<vmem>>, vector<16xf32>,
        %mul3A_602 = arith.constant 16 : i32
        %mul3A_603 = arith.muli %scan3A_539, %mul3A_602 : i32
        %get3A_604 = arith.constant 10 : i32
        %get3A_605 = arith.index_cast %get3A_604 : i32 to index
        %get3A_606 = arith.index_cast %mul3A_603 : i32 to index
        %get3A_607 = tpu.vector_load %arg5[%get3A_605, %get3A_606] {strides = array<i32>} : memref<16x1920xf32, #tpu.memory_space<vmem>>, vector<16xf32>,
        %mul3A_608 = arith.constant 16 : i32
        %mul3A_609 = arith.muli %scan3A_539, %mul3A_608 : i32
        %get3A_610 = arith.constant 11 : i32
        %get3A_611 = arith.index_cast %get3A_610 : i32 to index
        %get3A_612 = arith.index_cast %mul3A_609 : i32 to index
        %get3A_613 = tpu.vector_load %arg5[%get3A_611, %get3A_612] {strides = array<i32>} : memref<16x1920xf32, #tpu.memory_space<vmem>>, vector<16xf32>,
        %mul3A_614 = arith.constant 16 : i32
        %mul3A_615 = arith.muli %scan3A_539, %mul3A_614 : i32
        %get3A_616 = arith.constant 12 : i32
        %get3A_617 = arith.index_cast %get3A_616 : i32 to index
        %get3A_618 = arith.index_cast %mul3A_615 : i32 to index
        %get3A_619 = tpu.vector_load %arg5[%get3A_617, %get3A_618] {strides = array<i32>} : memref<16x1920xf32, #tpu.memory_space<vmem>>, vector<16xf32>,
        %mul3A_620 = arith.constant 16 : i32
        %mul3A_621 = arith.muli %scan3A_539, %mul3A_620 : i32
        %get3A_622 = arith.constant 13 : i32
        %get3A_623 = arith.index_cast %get3A_622 : i32 to index
        %get3A_624 = arith.index_cast %mul3A_621 : i32 to index
        %get3A_625 = tpu.vector_load %arg5[%get3A_623, %get3A_624] {strides = array<i32>} : memref<16x1920xf32, #tpu.memory_space<vmem>>, vector<16xf32>,
        %mul3A_626 = arith.constant 16 : i32
        %mul3A_627 = arith.muli %scan3A_539, %mul3A_626 : i32
        %get3A_628 = arith.constant 14 : i32
        %get3A_629 = arith.index_cast %get3A_628 : i32 to index
        %get3A_630 = arith.index_cast %mul3A_627 : i32 to index
        %get3A_631 = tpu.vector_load %arg5[%get3A_629, %get3A_630] {strides = array<i32>} : memref<16x1920xf32, #tpu.memory_space<vmem>>, vector<16xf32>,
        %mul3A_632 = arith.constant 16 : i32
        %mul3A_633 = arith.muli %scan3A_539, %mul3A_632 : i32
        %get3A_634 = arith.constant 15 : i32
        %get3A_635 = arith.index_cast %get3A_634 : i32 to index
        %get3A_636 = arith.index_cast %mul3A_633 : i32 to index
        %get3A_637 = tpu.vector_load %arg5[%get3A_635, %get3A_636] {strides = array<i32>} : memref<16x1920xf32, #tpu.memory_space<vmem>>, vector<16xf32>,
        %scatter3A = tpu.memref_slice %arg7[%mul3A_542] : memref<30720xf32, #tpu.memory_space<vmem>> -> memref<256xf32, #tpu.memory_space<vmem>>
        tpu.vector_store_idx %scatter3A[%add3A_287], %get3A_547 : memref<256xf32, #tpu.memory_space<vmem>>[vector<16xi32>], vector<16xf32>,
        %scatter3A_638 = tpu.memref_slice %arg7[%mul3A_542] : memref<30720xf32, #tpu.memory_space<vmem>> -> memref<256xf32, #tpu.memory_space<vmem>>
        tpu.vector_store_idx %scatter3A_638[%add3A_293], %get3A_553 : memref<256xf32, #tpu.memory_space<vmem>>[vector<16xi32>], vector<16xf32>,
        %scatter3A_639 = tpu.memref_slice %arg7[%mul3A_542] : memref<30720xf32, #tpu.memory_space<vmem>> -> memref<256xf32, #tpu.memory_space<vmem>>
        tpu.vector_store_idx %scatter3A_639[%add3A_299], %get3A_559 : memref<256xf32, #tpu.memory_space<vmem>>[vector<16xi32>], vector<16xf32>,
        %scatter3A_640 = tpu.memref_slice %arg7[%mul3A_542] : memref<30720xf32, #tpu.memory_space<vmem>> -> memref<256xf32, #tpu.memory_space<vmem>>
        tpu.vector_store_idx %scatter3A_640[%add3A_305], %get3A_565 : memref<256xf32, #tpu.memory_space<vmem>>[vector<16xi32>], vector<16xf32>,
        %scatter3A_641 = tpu.memref_slice %arg7[%mul3A_542] : memref<30720xf32, #tpu.memory_space<vmem>> -> memref<256xf32, #tpu.memory_space<vmem>>
        tpu.vector_store_idx %scatter3A_641[%add3A_311], %get3A_571 : memref<256xf32, #tpu.memory_space<vmem>>[vector<16xi32>], vector<16xf32>,
        %scatter3A_642 = tpu.memref_slice %arg7[%mul3A_542] : memref<30720xf32, #tpu.memory_space<vmem>> -> memref<256xf32, #tpu.memory_space<vmem>>
        tpu.vector_store_idx %scatter3A_642[%add3A_317], %get3A_577 : memref<256xf32, #tpu.memory_space<vmem>>[vector<16xi32>], vector<16xf32>,
        %scatter3A_643 = tpu.memref_slice %arg7[%mul3A_542] : memref<30720xf32, #tpu.memory_space<vmem>> -> memref<256xf32, #tpu.memory_space<vmem>>
        tpu.vector_store_idx %scatter3A_643[%add3A_323], %get3A_583 : memref<256xf32, #tpu.memory_space<vmem>>[vector<16xi32>], vector<16xf32>,
        %scatter3A_644 = tpu.memref_slice %arg7[%mul3A_542] : memref<30720xf32, #tpu.memory_space<vmem>> -> memref<256xf32, #tpu.memory_space<vmem>>
        tpu.vector_store_idx %scatter3A_644[%add3A_329], %get3A_589 : memref<256xf32, #tpu.memory_space<vmem>>[vector<16xi32>], vector<16xf32>,
        %scatter3A_645 = tpu.memref_slice %arg7[%mul3A_542] : memref<30720xf32, #tpu.memory_space<vmem>> -> memref<256xf32, #tpu.memory_space<vmem>>
        tpu.vector_store_idx %scatter3A_645[%add3A_335], %get3A_595 : memref<256xf32, #tpu.memory_space<vmem>>[vector<16xi32>], vector<16xf32>,
        %scatter3A_646 = tpu.memref_slice %arg7[%mul3A_542] : memref<30720xf32, #tpu.memory_space<vmem>> -> memref<256xf32, #tpu.memory_space<vmem>>
        tpu.vector_store_idx %scatter3A_646[%add3A_341], %get3A_601 : memref<256xf32, #tpu.memory_space<vmem>>[vector<16xi32>], vector<16xf32>,
        %scatter3A_647 = tpu.memref_slice %arg7[%mul3A_542] : memref<30720xf32, #tpu.memory_space<vmem>> -> memref<256xf32, #tpu.memory_space<vmem>>
        tpu.vector_store_idx %scatter3A_647[%add3A_347], %get3A_607 : memref<256xf32, #tpu.memory_space<vmem>>[vector<16xi32>], vector<16xf32>,
        %scatter3A_648 = tpu.memref_slice %arg7[%mul3A_542] : memref<30720xf32, #tpu.memory_space<vmem>> -> memref<256xf32, #tpu.memory_space<vmem>>
        tpu.vector_store_idx %scatter3A_648[%add3A_353], %get3A_613 : memref<256xf32, #tpu.memory_space<vmem>>[vector<16xi32>], vector<16xf32>,
        %scatter3A_649 = tpu.memref_slice %arg7[%mul3A_542] : memref<30720xf32, #tpu.memory_space<vmem>> -> memref<256xf32, #tpu.memory_space<vmem>>
        tpu.vector_store_idx %scatter3A_649[%add3A_359], %get3A_619 : memref<256xf32, #tpu.memory_space<vmem>>[vector<16xi32>], vector<16xf32>,
        %scatter3A_650 = tpu.memref_slice %arg7[%mul3A_542] : memref<30720xf32, #tpu.memory_space<vmem>> -> memref<256xf32, #tpu.memory_space<vmem>>
        tpu.vector_store_idx %scatter3A_650[%add3A_365], %get3A_625 : memref<256xf32, #tpu.memory_space<vmem>>[vector<16xi32>], vector<16xf32>,
        %scatter3A_651 = tpu.memref_slice %arg7[%mul3A_542] : memref<30720xf32, #tpu.memory_space<vmem>> -> memref<256xf32, #tpu.memory_space<vmem>>
        tpu.vector_store_idx %scatter3A_651[%add3A_371], %get3A_631 : memref<256xf32, #tpu.memory_space<vmem>>[vector<16xi32>], vector<16xf32>,
        %scatter3A_652 = tpu.memref_slice %arg7[%mul3A_542] : memref<30720xf32, #tpu.memory_space<vmem>> -> memref<256xf32, #tpu.memory_space<vmem>>
        tpu.vector_store_idx %scatter3A_652[%add3A_377], %get3A_637 : memref<256xf32, #tpu.memory_space<vmem>>[vector<16xi32>], vector<16xf32>,
        %scan3A_653 = arith.constant 0 : i32
        %scan3A_654 = arith.constant 1 : i32
        %scan3A_655 = arith.addi %scan3A_539, %scan3A_654 : i32
        %mul3A_656 = arith.constant 256 : i32
        %mul3A_657 = arith.muli %scan3A_655, %mul3A_656 : i32
        %mul3A_658 = arith.constant 16 : i32
        %mul3A_659 = arith.muli %scan3A_655, %mul3A_658 : i32
        %get3A_660 = arith.constant 0 : i32
        %get3A_661 = arith.index_cast %get3A_660 : i32 to index
        %get3A_662 = arith.index_cast %mul3A_659 : i32 to index
        %get3A_663 = tpu.vector_load %arg5[%get3A_661, %get3A_662] {strides = array<i32>} : memref<16x1920xf32, #tpu.memory_space<vmem>>, vector<16xf32>,
        %mul3A_664 = arith.constant 16 : i32
        %mul3A_665 = arith.muli %scan3A_655, %mul3A_664 : i32
        %get3A_666 = arith.constant 1 : i32
        %get3A_667 = arith.index_cast %get3A_666 : i32 to index
        %get3A_668 = arith.index_cast %mul3A_665 : i32 to index
        %get3A_669 = tpu.vector_load %arg5[%get3A_667, %get3A_668] {strides = array<i32>} : memref<16x1920xf32, #tpu.memory_space<vmem>>, vector<16xf32>,
        %mul3A_670 = arith.constant 16 : i32
        %mul3A_671 = arith.muli %scan3A_655, %mul3A_670 : i32
        %get3A_672 = arith.constant 2 : i32
        %get3A_673 = arith.index_cast %get3A_672 : i32 to index
        %get3A_674 = arith.index_cast %mul3A_671 : i32 to index
        %get3A_675 = tpu.vector_load %arg5[%get3A_673, %get3A_674] {strides = array<i32>} : memref<16x1920xf32, #tpu.memory_space<vmem>>, vector<16xf32>,
        %mul3A_676 = arith.constant 16 : i32
        %mul3A_677 = arith.muli %scan3A_655, %mul3A_676 : i32
        %get3A_678 = arith.constant 3 : i32
        %get3A_679 = arith.index_cast %get3A_678 : i32 to index
        %get3A_680 = arith.index_cast %mul3A_677 : i32 to index
        %get3A_681 = tpu.vector_load %arg5[%get3A_679, %get3A_680] {strides = array<i32>} : memref<16x1920xf32, #tpu.memory_space<vmem>>, vector<16xf32>,
        %mul3A_682 = arith.constant 16 : i32
        %mul3A_683 = arith.muli %scan3A_655, %mul3A_682 : i32
        %get3A_684 = arith.constant 4 : i32
        %get3A_685 = arith.index_cast %get3A_684 : i32 to index
        %get3A_686 = arith.index_cast %mul3A_683 : i32 to index
        %get3A_687 = tpu.vector_load %arg5[%get3A_685, %get3A_686] {strides = array<i32>} : memref<16x1920xf32, #tpu.memory_space<vmem>>, vector<16xf32>,
        %mul3A_688 = arith.constant 16 : i32
        %mul3A_689 = arith.muli %scan3A_655, %mul3A_688 : i32
        %get3A_690 = arith.constant 5 : i32
        %get3A_691 = arith.index_cast %get3A_690 : i32 to index
        %get3A_692 = arith.index_cast %mul3A_689 : i32 to index
        %get3A_693 = tpu.vector_load %arg5[%get3A_691, %get3A_692] {strides = array<i32>} : memref<16x1920xf32, #tpu.memory_space<vmem>>, vector<16xf32>,
        %mul3A_694 = arith.constant 16 : i32
        %mul3A_695 = arith.muli %scan3A_655, %mul3A_694 : i32
        %get3A_696 = arith.constant 6 : i32
        %get3A_697 = arith.index_cast %get3A_696 : i32 to index
        %get3A_698 = arith.index_cast %mul3A_695 : i32 to index
        %get3A_699 = tpu.vector_load %arg5[%get3A_697, %get3A_698] {strides = array<i32>} : memref<16x1920xf32, #tpu.memory_space<vmem>>, vector<16xf32>,
        %mul3A_700 = arith.constant 16 : i32
        %mul3A_701 = arith.muli %scan3A_655, %mul3A_700 : i32
        %get3A_702 = arith.constant 7 : i32
        %get3A_703 = arith.index_cast %get3A_702 : i32 to index
        %get3A_704 = arith.index_cast %mul3A_701 : i32 to index
        %get3A_705 = tpu.vector_load %arg5[%get3A_703, %get3A_704] {strides = array<i32>} : memref<16x1920xf32, #tpu.memory_space<vmem>>, vector<16xf32>,
        %mul3A_706 = arith.constant 16 : i32
        %mul3A_707 = arith.muli %scan3A_655, %mul3A_706 : i32
        %get3A_708 = arith.constant 8 : i32
        %get3A_709 = arith.index_cast %get3A_708 : i32 to index
        %get3A_710 = arith.index_cast %mul3A_707 : i32 to index
        %get3A_711 = tpu.vector_load %arg5[%get3A_709, %get3A_710] {strides = array<i32>} : memref<16x1920xf32, #tpu.memory_space<vmem>>, vector<16xf32>,
        %mul3A_712 = arith.constant 16 : i32
        %mul3A_713 = arith.muli %scan3A_655, %mul3A_712 : i32
        %get3A_714 = arith.constant 9 : i32
        %get3A_715 = arith.index_cast %get3A_714 : i32 to index
        %get3A_716 = arith.index_cast %mul3A_713 : i32 to index
        %get3A_717 = tpu.vector_load %arg5[%get3A_715, %get3A_716] {strides = array<i32>} : memref<16x1920xf32, #tpu.memory_space<vmem>>, vector<16xf32>,
        %mul3A_718 = arith.constant 16 : i32
        %mul3A_719 = arith.muli %scan3A_655, %mul3A_718 : i32
        %get3A_720 = arith.constant 10 : i32
        %get3A_721 = arith.index_cast %get3A_720 : i32 to index
        %get3A_722 = arith.index_cast %mul3A_719 : i32 to index
        %get3A_723 = tpu.vector_load %arg5[%get3A_721, %get3A_722] {strides = array<i32>} : memref<16x1920xf32, #tpu.memory_space<vmem>>, vector<16xf32>,
        %mul3A_724 = arith.constant 16 : i32
        %mul3A_725 = arith.muli %scan3A_655, %mul3A_724 : i32
        %get3A_726 = arith.constant 11 : i32
        %get3A_727 = arith.index_cast %get3A_726 : i32 to index
        %get3A_728 = arith.index_cast %mul3A_725 : i32 to index
        %get3A_729 = tpu.vector_load %arg5[%get3A_727, %get3A_728] {strides = array<i32>} : memref<16x1920xf32, #tpu.memory_space<vmem>>, vector<16xf32>,
        %mul3A_730 = arith.constant 16 : i32
        %mul3A_731 = arith.muli %scan3A_655, %mul3A_730 : i32
        %get3A_732 = arith.constant 12 : i32
        %get3A_733 = arith.index_cast %get3A_732 : i32 to index
        %get3A_734 = arith.index_cast %mul3A_731 : i32 to index
        %get3A_735 = tpu.vector_load %arg5[%get3A_733, %get3A_734] {strides = array<i32>} : memref<16x1920xf32, #tpu.memory_space<vmem>>, vector<16xf32>,
        %mul3A_736 = arith.constant 16 : i32
        %mul3A_737 = arith.muli %scan3A_655, %mul3A_736 : i32
        %get3A_738 = arith.constant 13 : i32
        %get3A_739 = arith.index_cast %get3A_738 : i32 to index
        %get3A_740 = arith.index_cast %mul3A_737 : i32 to index
        %get3A_741 = tpu.vector_load %arg5[%get3A_739, %get3A_740] {strides = array<i32>} : memref<16x1920xf32, #tpu.memory_space<vmem>>, vector<16xf32>,
        %mul3A_742 = arith.constant 16 : i32
        %mul3A_743 = arith.muli %scan3A_655, %mul3A_742 : i32
        %get3A_744 = arith.constant 14 : i32
        %get3A_745 = arith.index_cast %get3A_744 : i32 to index
        %get3A_746 = arith.index_cast %mul3A_743 : i32 to index
        %get3A_747 = tpu.vector_load %arg5[%get3A_745, %get3A_746] {strides = array<i32>} : memref<16x1920xf32, #tpu.memory_space<vmem>>, vector<16xf32>,
        %mul3A_748 = arith.constant 16 : i32
        %mul3A_749 = arith.muli %scan3A_655, %mul3A_748 : i32
        %get3A_750 = arith.constant 15 : i32
        %get3A_751 = arith.index_cast %get3A_750 : i32 to index
        %get3A_752 = arith.index_cast %mul3A_749 : i32 to index
        %get3A_753 = tpu.vector_load %arg5[%get3A_751, %get3A_752] {strides = array<i32>} : memref<16x1920xf32, #tpu.memory_space<vmem>>, vector<16xf32>,
        %scatter3A_754 = tpu.memref_slice %arg7[%mul3A_657] : memref<30720xf32, #tpu.memory_space<vmem>> -> memref<256xf32, #tpu.memory_space<vmem>>
        tpu.vector_store_idx %scatter3A_754[%add3A_287], %get3A_663 : memref<256xf32, #tpu.memory_space<vmem>>[vector<16xi32>], vector<16xf32>,
        %scatter3A_755 = tpu.memref_slice %arg7[%mul3A_657] : memref<30720xf32, #tpu.memory_space<vmem>> -> memref<256xf32, #tpu.memory_space<vmem>>
        tpu.vector_store_idx %scatter3A_755[%add3A_293], %get3A_669 : memref<256xf32, #tpu.memory_space<vmem>>[vector<16xi32>], vector<16xf32>,
        %scatter3A_756 = tpu.memref_slice %arg7[%mul3A_657] : memref<30720xf32, #tpu.memory_space<vmem>> -> memref<256xf32, #tpu.memory_space<vmem>>
        tpu.vector_store_idx %scatter3A_756[%add3A_299], %get3A_675 : memref<256xf32, #tpu.memory_space<vmem>>[vector<16xi32>], vector<16xf32>,
        %scatter3A_757 = tpu.memref_slice %arg7[%mul3A_657] : memref<30720xf32, #tpu.memory_space<vmem>> -> memref<256xf32, #tpu.memory_space<vmem>>
        tpu.vector_store_idx %scatter3A_757[%add3A_305], %get3A_681 : memref<256xf32, #tpu.memory_space<vmem>>[vector<16xi32>], vector<16xf32>,
        %scatter3A_758 = tpu.memref_slice %arg7[%mul3A_657] : memref<30720xf32, #tpu.memory_space<vmem>> -> memref<256xf32, #tpu.memory_space<vmem>>
        tpu.vector_store_idx %scatter3A_758[%add3A_311], %get3A_687 : memref<256xf32, #tpu.memory_space<vmem>>[vector<16xi32>], vector<16xf32>,
        %scatter3A_759 = tpu.memref_slice %arg7[%mul3A_657] : memref<30720xf32, #tpu.memory_space<vmem>> -> memref<256xf32, #tpu.memory_space<vmem>>
        tpu.vector_store_idx %scatter3A_759[%add3A_317], %get3A_693 : memref<256xf32, #tpu.memory_space<vmem>>[vector<16xi32>], vector<16xf32>,
        %scatter3A_760 = tpu.memref_slice %arg7[%mul3A_657] : memref<30720xf32, #tpu.memory_space<vmem>> -> memref<256xf32, #tpu.memory_space<vmem>>
        tpu.vector_store_idx %scatter3A_760[%add3A_323], %get3A_699 : memref<256xf32, #tpu.memory_space<vmem>>[vector<16xi32>], vector<16xf32>,
        %scatter3A_761 = tpu.memref_slice %arg7[%mul3A_657] : memref<30720xf32, #tpu.memory_space<vmem>> -> memref<256xf32, #tpu.memory_space<vmem>>
        tpu.vector_store_idx %scatter3A_761[%add3A_329], %get3A_705 : memref<256xf32, #tpu.memory_space<vmem>>[vector<16xi32>], vector<16xf32>,
        %scatter3A_762 = tpu.memref_slice %arg7[%mul3A_657] : memref<30720xf32, #tpu.memory_space<vmem>> -> memref<256xf32, #tpu.memory_space<vmem>>
        tpu.vector_store_idx %scatter3A_762[%add3A_335], %get3A_711 : memref<256xf32, #tpu.memory_space<vmem>>[vector<16xi32>], vector<16xf32>,
        %scatter3A_763 = tpu.memref_slice %arg7[%mul3A_657] : memref<30720xf32, #tpu.memory_space<vmem>> -> memref<256xf32, #tpu.memory_space<vmem>>
        tpu.vector_store_idx %scatter3A_763[%add3A_341], %get3A_717 : memref<256xf32, #tpu.memory_space<vmem>>[vector<16xi32>], vector<16xf32>,
        %scatter3A_764 = tpu.memref_slice %arg7[%mul3A_657] : memref<30720xf32, #tpu.memory_space<vmem>> -> memref<256xf32, #tpu.memory_space<vmem>>
        tpu.vector_store_idx %scatter3A_764[%add3A_347], %get3A_723 : memref<256xf32, #tpu.memory_space<vmem>>[vector<16xi32>], vector<16xf32>,
        %scatter3A_765 = tpu.memref_slice %arg7[%mul3A_657] : memref<30720xf32, #tpu.memory_space<vmem>> -> memref<256xf32, #tpu.memory_space<vmem>>
        tpu.vector_store_idx %scatter3A_765[%add3A_353], %get3A_729 : memref<256xf32, #tpu.memory_space<vmem>>[vector<16xi32>], vector<16xf32>,
        %scatter3A_766 = tpu.memref_slice %arg7[%mul3A_657] : memref<30720xf32, #tpu.memory_space<vmem>> -> memref<256xf32, #tpu.memory_space<vmem>>
        tpu.vector_store_idx %scatter3A_766[%add3A_359], %get3A_735 : memref<256xf32, #tpu.memory_space<vmem>>[vector<16xi32>], vector<16xf32>,
        %scatter3A_767 = tpu.memref_slice %arg7[%mul3A_657] : memref<30720xf32, #tpu.memory_space<vmem>> -> memref<256xf32, #tpu.memory_space<vmem>>
        tpu.vector_store_idx %scatter3A_767[%add3A_365], %get3A_741 : memref<256xf32, #tpu.memory_space<vmem>>[vector<16xi32>], vector<16xf32>,
        %scatter3A_768 = tpu.memref_slice %arg7[%mul3A_657] : memref<30720xf32, #tpu.memory_space<vmem>> -> memref<256xf32, #tpu.memory_space<vmem>>
        tpu.vector_store_idx %scatter3A_768[%add3A_371], %get3A_747 : memref<256xf32, #tpu.memory_space<vmem>>[vector<16xi32>], vector<16xf32>,
        %scatter3A_769 = tpu.memref_slice %arg7[%mul3A_657] : memref<30720xf32, #tpu.memory_space<vmem>> -> memref<256xf32, #tpu.memory_space<vmem>>
        tpu.vector_store_idx %scatter3A_769[%add3A_377], %get3A_753 : memref<256xf32, #tpu.memory_space<vmem>>[vector<16xi32>], vector<16xf32>,
        %scan3A_770 = arith.constant 0 : i32
        scf.yield %scan3A_770 : i32
      }
      %scan3A_384 = arith.constant 120 : i32
      %mul3A_385 = arith.constant 32 : i32
      %mul3A_386 = arith.muli %add3A_268, %mul3A_385 : i32
      %add3A_387 = arith.addi %mul3A_386, %add3A : i32
      %mul3A_388 = arith.constant 1920 : i32
      %mul3A_389 = arith.muli %add3A_387, %mul3A_388 : i32
      %mul3A_390 = arith.constant 16 : i32
      %mul3A_391 = arith.muli %mul3A_389, %mul3A_390 : i32
      %dma_start3A_392 = tpu.memref_slice %arg4[%mul3A_391] : memref<64000000xf32, #tpu.memory_space<hbm>> -> memref<30720xf32, #tpu.memory_space<hbm>>
      %dma_start3A_393 = tpu.memref_slice %arg4[%mul3A_391] : memref<64000000xf32, #tpu.memory_space<hbm>> -> memref<30720xf32, #tpu.memory_space<hbm>>
      tpu.enqueue_dma source(%arg7 : memref<30720xf32, #tpu.memory_space<vmem>>) target(%dma_start3A_393 : memref<30720xf32, #tpu.memory_space<hbm>>) target_semaphore(%arg12 : memref<!tpu.dma_semaphore, #tpu.memory_space<semaphore_mem>>)
      %add3A_394 = arith.constant 2 : i32
      %add3A_395 = arith.addi %add3A_268, %add3A_394 : i32
      %lt3A_396 = arith.constant 64 : i32
      %lt3A_397 = arith.cmpi slt, %add3A_395, %lt3A_396 : i32
      %convert_element_type3A_398 = arith.extui %lt3A_397 : i1 to i32
      %cond3A_399 = arith.constant 0 : i32
      %cond3A_400 = arith.cmpi ne, %convert_element_type3A_398, %cond3A_399 : i32
      scf.if %cond3A_400 {
        %add3A_539 = arith.constant 2 : i32
        %add3A_540 = arith.addi %add3A_268, %add3A_539 : i32
        %mul3A_541 = arith.constant 32 : i32
        %mul3A_542 = arith.muli %add3A_540, %mul3A_541 : i32
        %add3A_543 = arith.addi %mul3A_542, %add3A : i32
        %mul3A_544 = arith.constant 1920 : i32
        %mul3A_545 = arith.muli %add3A_543, %mul3A_544 : i32
        %dma_start3A_546 = arith.constant 0 : i32
        %dma_start3A_547 = tpu.memref_slice %arg2[%dma_start3A_546, %mul3A_545] : memref<16x3999882xf32, #tpu.memory_space<hbm>> -> memref<16x1920xf32, #tpu.memory_space<hbm>>
        %dma_start3A_548 = arith.constant 0 : i32
        %dma_start3A_549 = tpu.memref_slice %arg2[%dma_start3A_548, %mul3A_545] : memref<16x3999882xf32, #tpu.memory_space<hbm>> -> memref<16x1920xf32, #tpu.memory_space<hbm>>
        tpu.enqueue_dma source(%dma_start3A_549 : memref<16x1920xf32, #tpu.memory_space<hbm>>) target(%arg5 : memref<16x1920xf32, #tpu.memory_space<vmem>>) target_semaphore(%arg10 : memref<!tpu.dma_semaphore, #tpu.memory_space<semaphore_mem>>)
      } else {
      }
      %mul3A_401 = arith.constant 2 : i32
      %mul3A_402 = arith.muli %scan3A_263, %mul3A_401 : i32
      %add3A_403 = arith.constant 1 : i32
      %add3A_404 = arith.addi %mul3A_402, %add3A_403 : i32
      %mul3A_405 = arith.constant 32 : i32
      %mul3A_406 = arith.muli %add3A_404, %mul3A_405 : i32
      %add3A_407 = arith.addi %mul3A_406, %add3A : i32
      %mul3A_408 = arith.constant 1920 : i32
      %mul3A_409 = arith.muli %add3A_407, %mul3A_408 : i32
      %dma_wait3A_410 = arith.constant 0 : i32
      %dma_wait3A_411 = tpu.memref_slice %arg2[%dma_wait3A_410, %mul3A_409] : memref<16x3999882xf32, #tpu.memory_space<hbm>> -> memref<16x1920xf32, #tpu.memory_space<hbm>>
      %dma_wait3A_412 = arith.constant 0 : i32
      %dma_wait3A_413 = tpu.memref_slice %arg2[%dma_wait3A_412, %mul3A_409] : memref<16x3999882xf32, #tpu.memory_space<hbm>> -> memref<16x1920xf32, #tpu.memory_space<hbm>>
      tpu.wait_dma2 semaphore(%arg11 : memref<!tpu.dma_semaphore, #tpu.memory_space<semaphore_mem>>) src(%dma_wait3A_413 : memref<16x1920xf32, #tpu.memory_space<hbm>>) dst(%arg6 : memref<16x1920xf32, #tpu.memory_space<vmem>>)
      %ge3A_414 = arith.constant 2 : i32
      %ge3A_415 = arith.cmpi sge, %add3A_404, %ge3A_414 : i32
      %convert_element_type3A_416 = arith.extui %ge3A_415 : i1 to i32
      %cond3A_417 = arith.constant 0 : i32
      %cond3A_418 = arith.cmpi ne, %convert_element_type3A_416, %cond3A_417 : i32
      scf.if %cond3A_418 {
        %sub3A = arith.constant 2 : i32
        %sub3A_539 = arith.subi %add3A_404, %sub3A : i32
        %mul3A_540 = arith.constant 32 : i32
        %mul3A_541 = arith.muli %sub3A_539, %mul3A_540 : i32
        %add3A_542 = arith.addi %mul3A_541, %add3A : i32
        %mul3A_543 = arith.constant 1920 : i32
        %mul3A_544 = arith.muli %add3A_542, %mul3A_543 : i32
        %mul3A_545 = arith.constant 16 : i32
        %mul3A_546 = arith.muli %mul3A_544, %mul3A_545 : i32
        %dma_wait3A_547 = tpu.memref_slice %arg4[%mul3A_546] : memref<64000000xf32, #tpu.memory_space<hbm>> -> memref<30720xf32, #tpu.memory_space<hbm>>
        %dma_wait3A_548 = tpu.memref_slice %arg4[%mul3A_546] : memref<64000000xf32, #tpu.memory_space<hbm>> -> memref<30720xf32, #tpu.memory_space<hbm>>
        tpu.wait_dma2 semaphore(%arg13 : memref<!tpu.dma_semaphore, #tpu.memory_space<semaphore_mem>>) src(%arg8 : memref<30720xf32, #tpu.memory_space<vmem>>) dst(%dma_wait3A_548 : memref<30720xf32, #tpu.memory_space<hbm>>)
      } else {
      }
      %mul3A_419 = arith.constant 16 : i32
      %mul3A_420 = vector.broadcast %mul3A_419 : i32 to vector<16xi32>
      %mul3A_421 = arith.muli %iota3A, %mul3A_420 : vector<16xi32>
      %add3A_422 = arith.constant 0 : i32
      %add3A_423 = vector.broadcast %add3A_422 : i32 to vector<16xi32>
      %add3A_424 = arith.addi %mul3A_421, %add3A_423 : vector<16xi32>
      %mul3A_425 = arith.constant 16 : i32
      %mul3A_426 = vector.broadcast %mul3A_425 : i32 to vector<16xi32>
      %mul3A_427 = arith.muli %iota3A, %mul3A_426 : vector<16xi32>
      %add3A_428 = arith.constant 1 : i32
      %add3A_429 = vector.broadcast %add3A_428 : i32 to vector<16xi32>
      %add3A_430 = arith.addi %mul3A_427, %add3A_429 : vector<16xi32>
      %mul3A_431 = arith.constant 16 : i32
      %mul3A_432 = vector.broadcast %mul3A_431 : i32 to vector<16xi32>
      %mul3A_433 = arith.muli %iota3A, %mul3A_432 : vector<16xi32>
      %add3A_434 = arith.constant 2 : i32
      %add3A_435 = vector.broadcast %add3A_434 : i32 to vector<16xi32>
      %add3A_436 = arith.addi %mul3A_433, %add3A_435 : vector<16xi32>
      %mul3A_437 = arith.constant 16 : i32
      %mul3A_438 = vector.broadcast %mul3A_437 : i32 to vector<16xi32>
      %mul3A_439 = arith.muli %iota3A, %mul3A_438 : vector<16xi32>
      %add3A_440 = arith.constant 3 : i32
      %add3A_441 = vector.broadcast %add3A_440 : i32 to vector<16xi32>
      %add3A_442 = arith.addi %mul3A_439, %add3A_441 : vector<16xi32>
      %mul3A_443 = arith.constant 16 : i32
      %mul3A_444 = vector.broadcast %mul3A_443 : i32 to vector<16xi32>
      %mul3A_445 = arith.muli %iota3A, %mul3A_444 : vector<16xi32>
      %add3A_446 = arith.constant 4 : i32
      %add3A_447 = vector.broadcast %add3A_446 : i32 to vector<16xi32>
      %add3A_448 = arith.addi %mul3A_445, %add3A_447 : vector<16xi32>
      %mul3A_449 = arith.constant 16 : i32
      %mul3A_450 = vector.broadcast %mul3A_449 : i32 to vector<16xi32>
      %mul3A_451 = arith.muli %iota3A, %mul3A_450 : vector<16xi32>
      %add3A_452 = arith.constant 5 : i32
      %add3A_453 = vector.broadcast %add3A_452 : i32 to vector<16xi32>
      %add3A_454 = arith.addi %mul3A_451, %add3A_453 : vector<16xi32>
      %mul3A_455 = arith.constant 16 : i32
      %mul3A_456 = vector.broadcast %mul3A_455 : i32 to vector<16xi32>
      %mul3A_457 = arith.muli %iota3A, %mul3A_456 : vector<16xi32>
      %add3A_458 = arith.constant 6 : i32
      %add3A_459 = vector.broadcast %add3A_458 : i32 to vector<16xi32>
      %add3A_460 = arith.addi %mul3A_457, %add3A_459 : vector<16xi32>
      %mul3A_461 = arith.constant 16 : i32
      %mul3A_462 = vector.broadcast %mul3A_461 : i32 to vector<16xi32>
      %mul3A_463 = arith.muli %iota3A, %mul3A_462 : vector<16xi32>
      %add3A_464 = arith.constant 7 : i32
      %add3A_465 = vector.broadcast %add3A_464 : i32 to vector<16xi32>
      %add3A_466 = arith.addi %mul3A_463, %add3A_465 : vector<16xi32>
      %mul3A_467 = arith.constant 16 : i32
      %mul3A_468 = vector.broadcast %mul3A_467 : i32 to vector<16xi32>
      %mul3A_469 = arith.muli %iota3A, %mul3A_468 : vector<16xi32>
      %add3A_470 = arith.constant 8 : i32
      %add3A_471 = vector.broadcast %add3A_470 : i32 to vector<16xi32>
      %add3A_472 = arith.addi %mul3A_469, %add3A_471 : vector<16xi32>
      %mul3A_473 = arith.constant 16 : i32
      %mul3A_474 = vector.broadcast %mul3A_473 : i32 to vector<16xi32>
      %mul3A_475 = arith.muli %iota3A, %mul3A_474 : vector<16xi32>
      %add3A_476 = arith.constant 9 : i32
      %add3A_477 = vector.broadcast %add3A_476 : i32 to vector<16xi32>
      %add3A_478 = arith.addi %mul3A_475, %add3A_477 : vector<16xi32>
      %mul3A_479 = arith.constant 16 : i32
      %mul3A_480 = vector.broadcast %mul3A_479 : i32 to vector<16xi32>
      %mul3A_481 = arith.muli %iota3A, %mul3A_480 : vector<16xi32>
      %add3A_482 = arith.constant 10 : i32
      %add3A_483 = vector.broadcast %add3A_482 : i32 to vector<16xi32>
      %add3A_484 = arith.addi %mul3A_481, %add3A_483 : vector<16xi32>
      %mul3A_485 = arith.constant 16 : i32
      %mul3A_486 = vector.broadcast %mul3A_485 : i32 to vector<16xi32>
      %mul3A_487 = arith.muli %iota3A, %mul3A_486 : vector<16xi32>
      %add3A_488 = arith.constant 11 : i32
      %add3A_489 = vector.broadcast %add3A_488 : i32 to vector<16xi32>
      %add3A_490 = arith.addi %mul3A_487, %add3A_489 : vector<16xi32>
      %mul3A_491 = arith.constant 16 : i32
      %mul3A_492 = vector.broadcast %mul3A_491 : i32 to vector<16xi32>
      %mul3A_493 = arith.muli %iota3A, %mul3A_492 : vector<16xi32>
      %add3A_494 = arith.constant 12 : i32
      %add3A_495 = vector.broadcast %add3A_494 : i32 to vector<16xi32>
      %add3A_496 = arith.addi %mul3A_493, %add3A_495 : vector<16xi32>
      %mul3A_497 = arith.constant 16 : i32
      %mul3A_498 = vector.broadcast %mul3A_497 : i32 to vector<16xi32>
      %mul3A_499 = arith.muli %iota3A, %mul3A_498 : vector<16xi32>
      %add3A_500 = arith.constant 13 : i32
      %add3A_501 = vector.broadcast %add3A_500 : i32 to vector<16xi32>
      %add3A_502 = arith.addi %mul3A_499, %add3A_501 : vector<16xi32>
      %mul3A_503 = arith.constant 16 : i32
      %mul3A_504 = vector.broadcast %mul3A_503 : i32 to vector<16xi32>
      %mul3A_505 = arith.muli %iota3A, %mul3A_504 : vector<16xi32>
      %add3A_506 = arith.constant 14 : i32
      %add3A_507 = vector.broadcast %add3A_506 : i32 to vector<16xi32>
      %add3A_508 = arith.addi %mul3A_505, %add3A_507 : vector<16xi32>
      %mul3A_509 = arith.constant 16 : i32
      %mul3A_510 = vector.broadcast %mul3A_509 : i32 to vector<16xi32>
      %mul3A_511 = arith.muli %iota3A, %mul3A_510 : vector<16xi32>
      %add3A_512 = arith.constant 15 : i32
      %add3A_513 = vector.broadcast %add3A_512 : i32 to vector<16xi32>
      %add3A_514 = arith.addi %mul3A_511, %add3A_513 : vector<16xi32>
      %scan3A_515 = arith.constant 0 : i32
      %scan3A_516 = arith.constant 0 : i32
      %scan3A_517 = arith.constant 120 : i32
      %scan3A_518 = arith.addi %scan3A_516, %scan3A_517 : i32
      %scan3A_519 = arith.constant 2 : i32
      %scan3A_520 = scf.for %scan3A_539 = %scan3A_516 to %scan3A_518 step %scan3A_519 iter_args(%scan3A_540 = %scan3A_515) -> (i32)  : i32 {
        %mul3A_541 = arith.constant 256 : i32
        %mul3A_542 = arith.muli %scan3A_539, %mul3A_541 : i32
        %mul3A_543 = arith.constant 16 : i32
        %mul3A_544 = arith.muli %scan3A_539, %mul3A_543 : i32
        %get3A = arith.constant 0 : i32
        %get3A_545 = arith.index_cast %get3A : i32 to index
        %get3A_546 = arith.index_cast %mul3A_544 : i32 to index
        %get3A_547 = tpu.vector_load %arg6[%get3A_545, %get3A_546] {strides = array<i32>} : memref<16x1920xf32, #tpu.memory_space<vmem>>, vector<16xf32>,
        %mul3A_548 = arith.constant 16 : i32
        %mul3A_549 = arith.muli %scan3A_539, %mul3A_548 : i32
        %get3A_550 = arith.constant 1 : i32
        %get3A_551 = arith.index_cast %get3A_550 : i32 to index
        %get3A_552 = arith.index_cast %mul3A_549 : i32 to index
        %get3A_553 = tpu.vector_load %arg6[%get3A_551, %get3A_552] {strides = array<i32>} : memref<16x1920xf32, #tpu.memory_space<vmem>>, vector<16xf32>,
        %mul3A_554 = arith.constant 16 : i32
        %mul3A_555 = arith.muli %scan3A_539, %mul3A_554 : i32
        %get3A_556 = arith.constant 2 : i32
        %get3A_557 = arith.index_cast %get3A_556 : i32 to index
        %get3A_558 = arith.index_cast %mul3A_555 : i32 to index
        %get3A_559 = tpu.vector_load %arg6[%get3A_557, %get3A_558] {strides = array<i32>} : memref<16x1920xf32, #tpu.memory_space<vmem>>, vector<16xf32>,
        %mul3A_560 = arith.constant 16 : i32
        %mul3A_561 = arith.muli %scan3A_539, %mul3A_560 : i32
        %get3A_562 = arith.constant 3 : i32
        %get3A_563 = arith.index_cast %get3A_562 : i32 to index
        %get3A_564 = arith.index_cast %mul3A_561 : i32 to index
        %get3A_565 = tpu.vector_load %arg6[%get3A_563, %get3A_564] {strides = array<i32>} : memref<16x1920xf32, #tpu.memory_space<vmem>>, vector<16xf32>,
        %mul3A_566 = arith.constant 16 : i32
        %mul3A_567 = arith.muli %scan3A_539, %mul3A_566 : i32
        %get3A_568 = arith.constant 4 : i32
        %get3A_569 = arith.index_cast %get3A_568 : i32 to index
        %get3A_570 = arith.index_cast %mul3A_567 : i32 to index
        %get3A_571 = tpu.vector_load %arg6[%get3A_569, %get3A_570] {strides = array<i32>} : memref<16x1920xf32, #tpu.memory_space<vmem>>, vector<16xf32>,
        %mul3A_572 = arith.constant 16 : i32
        %mul3A_573 = arith.muli %scan3A_539, %mul3A_572 : i32
        %get3A_574 = arith.constant 5 : i32
        %get3A_575 = arith.index_cast %get3A_574 : i32 to index
        %get3A_576 = arith.index_cast %mul3A_573 : i32 to index
        %get3A_577 = tpu.vector_load %arg6[%get3A_575, %get3A_576] {strides = array<i32>} : memref<16x1920xf32, #tpu.memory_space<vmem>>, vector<16xf32>,
        %mul3A_578 = arith.constant 16 : i32
        %mul3A_579 = arith.muli %scan3A_539, %mul3A_578 : i32
        %get3A_580 = arith.constant 6 : i32
        %get3A_581 = arith.index_cast %get3A_580 : i32 to index
        %get3A_582 = arith.index_cast %mul3A_579 : i32 to index
        %get3A_583 = tpu.vector_load %arg6[%get3A_581, %get3A_582] {strides = array<i32>} : memref<16x1920xf32, #tpu.memory_space<vmem>>, vector<16xf32>,
        %mul3A_584 = arith.constant 16 : i32
        %mul3A_585 = arith.muli %scan3A_539, %mul3A_584 : i32
        %get3A_586 = arith.constant 7 : i32
        %get3A_587 = arith.index_cast %get3A_586 : i32 to index
        %get3A_588 = arith.index_cast %mul3A_585 : i32 to index
        %get3A_589 = tpu.vector_load %arg6[%get3A_587, %get3A_588] {strides = array<i32>} : memref<16x1920xf32, #tpu.memory_space<vmem>>, vector<16xf32>,
        %mul3A_590 = arith.constant 16 : i32
        %mul3A_591 = arith.muli %scan3A_539, %mul3A_590 : i32
        %get3A_592 = arith.constant 8 : i32
        %get3A_593 = arith.index_cast %get3A_592 : i32 to index
        %get3A_594 = arith.index_cast %mul3A_591 : i32 to index
        %get3A_595 = tpu.vector_load %arg6[%get3A_593, %get3A_594] {strides = array<i32>} : memref<16x1920xf32, #tpu.memory_space<vmem>>, vector<16xf32>,
        %mul3A_596 = arith.constant 16 : i32
        %mul3A_597 = arith.muli %scan3A_539, %mul3A_596 : i32
        %get3A_598 = arith.constant 9 : i32
        %get3A_599 = arith.index_cast %get3A_598 : i32 to index
        %get3A_600 = arith.index_cast %mul3A_597 : i32 to index
        %get3A_601 = tpu.vector_load %arg6[%get3A_599, %get3A_600] {strides = array<i32>} : memref<16x1920xf32, #tpu.memory_space<vmem>>, vector<16xf32>,
        %mul3A_602 = arith.constant 16 : i32
        %mul3A_603 = arith.muli %scan3A_539, %mul3A_602 : i32
        %get3A_604 = arith.constant 10 : i32
        %get3A_605 = arith.index_cast %get3A_604 : i32 to index
        %get3A_606 = arith.index_cast %mul3A_603 : i32 to index
        %get3A_607 = tpu.vector_load %arg6[%get3A_605, %get3A_606] {strides = array<i32>} : memref<16x1920xf32, #tpu.memory_space<vmem>>, vector<16xf32>,
        %mul3A_608 = arith.constant 16 : i32
        %mul3A_609 = arith.muli %scan3A_539, %mul3A_608 : i32
        %get3A_610 = arith.constant 11 : i32
        %get3A_611 = arith.index_cast %get3A_610 : i32 to index
        %get3A_612 = arith.index_cast %mul3A_609 : i32 to index
        %get3A_613 = tpu.vector_load %arg6[%get3A_611, %get3A_612] {strides = array<i32>} : memref<16x1920xf32, #tpu.memory_space<vmem>>, vector<16xf32>,
        %mul3A_614 = arith.constant 16 : i32
        %mul3A_615 = arith.muli %scan3A_539, %mul3A_614 : i32
        %get3A_616 = arith.constant 12 : i32
        %get3A_617 = arith.index_cast %get3A_616 : i32 to index
        %get3A_618 = arith.index_cast %mul3A_615 : i32 to index
        %get3A_619 = tpu.vector_load %arg6[%get3A_617, %get3A_618] {strides = array<i32>} : memref<16x1920xf32, #tpu.memory_space<vmem>>, vector<16xf32>,
        %mul3A_620 = arith.constant 16 : i32
        %mul3A_621 = arith.muli %scan3A_539, %mul3A_620 : i32
        %get3A_622 = arith.constant 13 : i32
        %get3A_623 = arith.index_cast %get3A_622 : i32 to index
        %get3A_624 = arith.index_cast %mul3A_621 : i32 to index
        %get3A_625 = tpu.vector_load %arg6[%get3A_623, %get3A_624] {strides = array<i32>} : memref<16x1920xf32, #tpu.memory_space<vmem>>, vector<16xf32>,
        %mul3A_626 = arith.constant 16 : i32
        %mul3A_627 = arith.muli %scan3A_539, %mul3A_626 : i32
        %get3A_628 = arith.constant 14 : i32
        %get3A_629 = arith.index_cast %get3A_628 : i32 to index
        %get3A_630 = arith.index_cast %mul3A_627 : i32 to index
        %get3A_631 = tpu.vector_load %arg6[%get3A_629, %get3A_630] {strides = array<i32>} : memref<16x1920xf32, #tpu.memory_space<vmem>>, vector<16xf32>,
        %mul3A_632 = arith.constant 16 : i32
        %mul3A_633 = arith.muli %scan3A_539, %mul3A_632 : i32
        %get3A_634 = arith.constant 15 : i32
        %get3A_635 = arith.index_cast %get3A_634 : i32 to index
        %get3A_636 = arith.index_cast %mul3A_633 : i32 to index
        %get3A_637 = tpu.vector_load %arg6[%get3A_635, %get3A_636] {strides = array<i32>} : memref<16x1920xf32, #tpu.memory_space<vmem>>, vector<16xf32>,
        %scatter3A = tpu.memref_slice %arg8[%mul3A_542] : memref<30720xf32, #tpu.memory_space<vmem>> -> memref<256xf32, #tpu.memory_space<vmem>>
        tpu.vector_store_idx %scatter3A[%add3A_424], %get3A_547 : memref<256xf32, #tpu.memory_space<vmem>>[vector<16xi32>], vector<16xf32>,
        %scatter3A_638 = tpu.memref_slice %arg8[%mul3A_542] : memref<30720xf32, #tpu.memory_space<vmem>> -> memref<256xf32, #tpu.memory_space<vmem>>
        tpu.vector_store_idx %scatter3A_638[%add3A_430], %get3A_553 : memref<256xf32, #tpu.memory_space<vmem>>[vector<16xi32>], vector<16xf32>,
        %scatter3A_639 = tpu.memref_slice %arg8[%mul3A_542] : memref<30720xf32, #tpu.memory_space<vmem>> -> memref<256xf32, #tpu.memory_space<vmem>>
        tpu.vector_store_idx %scatter3A_639[%add3A_436], %get3A_559 : memref<256xf32, #tpu.memory_space<vmem>>[vector<16xi32>], vector<16xf32>,
        %scatter3A_640 = tpu.memref_slice %arg8[%mul3A_542] : memref<30720xf32, #tpu.memory_space<vmem>> -> memref<256xf32, #tpu.memory_space<vmem>>
        tpu.vector_store_idx %scatter3A_640[%add3A_442], %get3A_565 : memref<256xf32, #tpu.memory_space<vmem>>[vector<16xi32>], vector<16xf32>,
        %scatter3A_641 = tpu.memref_slice %arg8[%mul3A_542] : memref<30720xf32, #tpu.memory_space<vmem>> -> memref<256xf32, #tpu.memory_space<vmem>>
        tpu.vector_store_idx %scatter3A_641[%add3A_448], %get3A_571 : memref<256xf32, #tpu.memory_space<vmem>>[vector<16xi32>], vector<16xf32>,
        %scatter3A_642 = tpu.memref_slice %arg8[%mul3A_542] : memref<30720xf32, #tpu.memory_space<vmem>> -> memref<256xf32, #tpu.memory_space<vmem>>
        tpu.vector_store_idx %scatter3A_642[%add3A_454], %get3A_577 : memref<256xf32, #tpu.memory_space<vmem>>[vector<16xi32>], vector<16xf32>,
        %scatter3A_643 = tpu.memref_slice %arg8[%mul3A_542] : memref<30720xf32, #tpu.memory_space<vmem>> -> memref<256xf32, #tpu.memory_space<vmem>>
        tpu.vector_store_idx %scatter3A_643[%add3A_460], %get3A_583 : memref<256xf32, #tpu.memory_space<vmem>>[vector<16xi32>], vector<16xf32>,
        %scatter3A_644 = tpu.memref_slice %arg8[%mul3A_542] : memref<30720xf32, #tpu.memory_space<vmem>> -> memref<256xf32, #tpu.memory_space<vmem>>
        tpu.vector_store_idx %scatter3A_644[%add3A_466], %get3A_589 : memref<256xf32, #tpu.memory_space<vmem>>[vector<16xi32>], vector<16xf32>,
        %scatter3A_645 = tpu.memref_slice %arg8[%mul3A_542] : memref<30720xf32, #tpu.memory_space<vmem>> -> memref<256xf32, #tpu.memory_space<vmem>>
        tpu.vector_store_idx %scatter3A_645[%add3A_472], %get3A_595 : memref<256xf32, #tpu.memory_space<vmem>>[vector<16xi32>], vector<16xf32>,
        %scatter3A_646 = tpu.memref_slice %arg8[%mul3A_542] : memref<30720xf32, #tpu.memory_space<vmem>> -> memref<256xf32, #tpu.memory_space<vmem>>
        tpu.vector_store_idx %scatter3A_646[%add3A_478], %get3A_601 : memref<256xf32, #tpu.memory_space<vmem>>[vector<16xi32>], vector<16xf32>,
        %scatter3A_647 = tpu.memref_slice %arg8[%mul3A_542] : memref<30720xf32, #tpu.memory_space<vmem>> -> memref<256xf32, #tpu.memory_space<vmem>>
        tpu.vector_store_idx %scatter3A_647[%add3A_484], %get3A_607 : memref<256xf32, #tpu.memory_space<vmem>>[vector<16xi32>], vector<16xf32>,
        %scatter3A_648 = tpu.memref_slice %arg8[%mul3A_542] : memref<30720xf32, #tpu.memory_space<vmem>> -> memref<256xf32, #tpu.memory_space<vmem>>
        tpu.vector_store_idx %scatter3A_648[%add3A_490], %get3A_613 : memref<256xf32, #tpu.memory_space<vmem>>[vector<16xi32>], vector<16xf32>,
        %scatter3A_649 = tpu.memref_slice %arg8[%mul3A_542] : memref<30720xf32, #tpu.memory_space<vmem>> -> memref<256xf32, #tpu.memory_space<vmem>>
        tpu.vector_store_idx %scatter3A_649[%add3A_496], %get3A_619 : memref<256xf32, #tpu.memory_space<vmem>>[vector<16xi32>], vector<16xf32>,
        %scatter3A_650 = tpu.memref_slice %arg8[%mul3A_542] : memref<30720xf32, #tpu.memory_space<vmem>> -> memref<256xf32, #tpu.memory_space<vmem>>
        tpu.vector_store_idx %scatter3A_650[%add3A_502], %get3A_625 : memref<256xf32, #tpu.memory_space<vmem>>[vector<16xi32>], vector<16xf32>,
        %scatter3A_651 = tpu.memref_slice %arg8[%mul3A_542] : memref<30720xf32, #tpu.memory_space<vmem>> -> memref<256xf32, #tpu.memory_space<vmem>>
        tpu.vector_store_idx %scatter3A_651[%add3A_508], %get3A_631 : memref<256xf32, #tpu.memory_space<vmem>>[vector<16xi32>], vector<16xf32>,
        %scatter3A_652 = tpu.memref_slice %arg8[%mul3A_542] : memref<30720xf32, #tpu.memory_space<vmem>> -> memref<256xf32, #tpu.memory_space<vmem>>
        tpu.vector_store_idx %scatter3A_652[%add3A_514], %get3A_637 : memref<256xf32, #tpu.memory_space<vmem>>[vector<16xi32>], vector<16xf32>,
        %scan3A_653 = arith.constant 0 : i32
        %scan3A_654 = arith.constant 1 : i32
        %scan3A_655 = arith.addi %scan3A_539, %scan3A_654 : i32
        %mul3A_656 = arith.constant 256 : i32
        %mul3A_657 = arith.muli %scan3A_655, %mul3A_656 : i32
        %mul3A_658 = arith.constant 16 : i32
        %mul3A_659 = arith.muli %scan3A_655, %mul3A_658 : i32
        %get3A_660 = arith.constant 0 : i32
        %get3A_661 = arith.index_cast %get3A_660 : i32 to index
        %get3A_662 = arith.index_cast %mul3A_659 : i32 to index
        %get3A_663 = tpu.vector_load %arg6[%get3A_661, %get3A_662] {strides = array<i32>} : memref<16x1920xf32, #tpu.memory_space<vmem>>, vector<16xf32>,
        %mul3A_664 = arith.constant 16 : i32
        %mul3A_665 = arith.muli %scan3A_655, %mul3A_664 : i32
        %get3A_666 = arith.constant 1 : i32
        %get3A_667 = arith.index_cast %get3A_666 : i32 to index
        %get3A_668 = arith.index_cast %mul3A_665 : i32 to index
        %get3A_669 = tpu.vector_load %arg6[%get3A_667, %get3A_668] {strides = array<i32>} : memref<16x1920xf32, #tpu.memory_space<vmem>>, vector<16xf32>,
        %mul3A_670 = arith.constant 16 : i32
        %mul3A_671 = arith.muli %scan3A_655, %mul3A_670 : i32
        %get3A_672 = arith.constant 2 : i32
        %get3A_673 = arith.index_cast %get3A_672 : i32 to index
        %get3A_674 = arith.index_cast %mul3A_671 : i32 to index
        %get3A_675 = tpu.vector_load %arg6[%get3A_673, %get3A_674] {strides = array<i32>} : memref<16x1920xf32, #tpu.memory_space<vmem>>, vector<16xf32>,
        %mul3A_676 = arith.constant 16 : i32
        %mul3A_677 = arith.muli %scan3A_655, %mul3A_676 : i32
        %get3A_678 = arith.constant 3 : i32
        %get3A_679 = arith.index_cast %get3A_678 : i32 to index
        %get3A_680 = arith.index_cast %mul3A_677 : i32 to index
        %get3A_681 = tpu.vector_load %arg6[%get3A_679, %get3A_680] {strides = array<i32>} : memref<16x1920xf32, #tpu.memory_space<vmem>>, vector<16xf32>,
        %mul3A_682 = arith.constant 16 : i32
        %mul3A_683 = arith.muli %scan3A_655, %mul3A_682 : i32
        %get3A_684 = arith.constant 4 : i32
        %get3A_685 = arith.index_cast %get3A_684 : i32 to index
        %get3A_686 = arith.index_cast %mul3A_683 : i32 to index
        %get3A_687 = tpu.vector_load %arg6[%get3A_685, %get3A_686] {strides = array<i32>} : memref<16x1920xf32, #tpu.memory_space<vmem>>, vector<16xf32>,
        %mul3A_688 = arith.constant 16 : i32
        %mul3A_689 = arith.muli %scan3A_655, %mul3A_688 : i32
        %get3A_690 = arith.constant 5 : i32
        %get3A_691 = arith.index_cast %get3A_690 : i32 to index
        %get3A_692 = arith.index_cast %mul3A_689 : i32 to index
        %get3A_693 = tpu.vector_load %arg6[%get3A_691, %get3A_692] {strides = array<i32>} : memref<16x1920xf32, #tpu.memory_space<vmem>>, vector<16xf32>,
        %mul3A_694 = arith.constant 16 : i32
        %mul3A_695 = arith.muli %scan3A_655, %mul3A_694 : i32
        %get3A_696 = arith.constant 6 : i32
        %get3A_697 = arith.index_cast %get3A_696 : i32 to index
        %get3A_698 = arith.index_cast %mul3A_695 : i32 to index
        %get3A_699 = tpu.vector_load %arg6[%get3A_697, %get3A_698] {strides = array<i32>} : memref<16x1920xf32, #tpu.memory_space<vmem>>, vector<16xf32>,
        %mul3A_700 = arith.constant 16 : i32
        %mul3A_701 = arith.muli %scan3A_655, %mul3A_700 : i32
        %get3A_702 = arith.constant 7 : i32
        %get3A_703 = arith.index_cast %get3A_702 : i32 to index
        %get3A_704 = arith.index_cast %mul3A_701 : i32 to index
        %get3A_705 = tpu.vector_load %arg6[%get3A_703, %get3A_704] {strides = array<i32>} : memref<16x1920xf32, #tpu.memory_space<vmem>>, vector<16xf32>,
        %mul3A_706 = arith.constant 16 : i32
        %mul3A_707 = arith.muli %scan3A_655, %mul3A_706 : i32
        %get3A_708 = arith.constant 8 : i32
        %get3A_709 = arith.index_cast %get3A_708 : i32 to index
        %get3A_710 = arith.index_cast %mul3A_707 : i32 to index
        %get3A_711 = tpu.vector_load %arg6[%get3A_709, %get3A_710] {strides = array<i32>} : memref<16x1920xf32, #tpu.memory_space<vmem>>, vector<16xf32>,
        %mul3A_712 = arith.constant 16 : i32
        %mul3A_713 = arith.muli %scan3A_655, %mul3A_712 : i32
        %get3A_714 = arith.constant 9 : i32
        %get3A_715 = arith.index_cast %get3A_714 : i32 to index
        %get3A_716 = arith.index_cast %mul3A_713 : i32 to index
        %get3A_717 = tpu.vector_load %arg6[%get3A_715, %get3A_716] {strides = array<i32>} : memref<16x1920xf32, #tpu.memory_space<vmem>>, vector<16xf32>,
        %mul3A_718 = arith.constant 16 : i32
        %mul3A_719 = arith.muli %scan3A_655, %mul3A_718 : i32
        %get3A_720 = arith.constant 10 : i32
        %get3A_721 = arith.index_cast %get3A_720 : i32 to index
        %get3A_722 = arith.index_cast %mul3A_719 : i32 to index
        %get3A_723 = tpu.vector_load %arg6[%get3A_721, %get3A_722] {strides = array<i32>} : memref<16x1920xf32, #tpu.memory_space<vmem>>, vector<16xf32>,
        %mul3A_724 = arith.constant 16 : i32
        %mul3A_725 = arith.muli %scan3A_655, %mul3A_724 : i32
        %get3A_726 = arith.constant 11 : i32
        %get3A_727 = arith.index_cast %get3A_726 : i32 to index
        %get3A_728 = arith.index_cast %mul3A_725 : i32 to index
        %get3A_729 = tpu.vector_load %arg6[%get3A_727, %get3A_728] {strides = array<i32>} : memref<16x1920xf32, #tpu.memory_space<vmem>>, vector<16xf32>,
        %mul3A_730 = arith.constant 16 : i32
        %mul3A_731 = arith.muli %scan3A_655, %mul3A_730 : i32
        %get3A_732 = arith.constant 12 : i32
        %get3A_733 = arith.index_cast %get3A_732 : i32 to index
        %get3A_734 = arith.index_cast %mul3A_731 : i32 to index
        %get3A_735 = tpu.vector_load %arg6[%get3A_733, %get3A_734] {strides = array<i32>} : memref<16x1920xf32, #tpu.memory_space<vmem>>, vector<16xf32>,
        %mul3A_736 = arith.constant 16 : i32
        %mul3A_737 = arith.muli %scan3A_655, %mul3A_736 : i32
        %get3A_738 = arith.constant 13 : i32
        %get3A_739 = arith.index_cast %get3A_738 : i32 to index
        %get3A_740 = arith.index_cast %mul3A_737 : i32 to index
        %get3A_741 = tpu.vector_load %arg6[%get3A_739, %get3A_740] {strides = array<i32>} : memref<16x1920xf32, #tpu.memory_space<vmem>>, vector<16xf32>,
        %mul3A_742 = arith.constant 16 : i32
        %mul3A_743 = arith.muli %scan3A_655, %mul3A_742 : i32
        %get3A_744 = arith.constant 14 : i32
        %get3A_745 = arith.index_cast %get3A_744 : i32 to index
        %get3A_746 = arith.index_cast %mul3A_743 : i32 to index
        %get3A_747 = tpu.vector_load %arg6[%get3A_745, %get3A_746] {strides = array<i32>} : memref<16x1920xf32, #tpu.memory_space<vmem>>, vector<16xf32>,
        %mul3A_748 = arith.constant 16 : i32
        %mul3A_749 = arith.muli %scan3A_655, %mul3A_748 : i32
        %get3A_750 = arith.constant 15 : i32
        %get3A_751 = arith.index_cast %get3A_750 : i32 to index
        %get3A_752 = arith.index_cast %mul3A_749 : i32 to index
        %get3A_753 = tpu.vector_load %arg6[%get3A_751, %get3A_752] {strides = array<i32>} : memref<16x1920xf32, #tpu.memory_space<vmem>>, vector<16xf32>,
        %scatter3A_754 = tpu.memref_slice %arg8[%mul3A_657] : memref<30720xf32, #tpu.memory_space<vmem>> -> memref<256xf32, #tpu.memory_space<vmem>>
        tpu.vector_store_idx %scatter3A_754[%add3A_424], %get3A_663 : memref<256xf32, #tpu.memory_space<vmem>>[vector<16xi32>], vector<16xf32>,
        %scatter3A_755 = tpu.memref_slice %arg8[%mul3A_657] : memref<30720xf32, #tpu.memory_space<vmem>> -> memref<256xf32, #tpu.memory_space<vmem>>
        tpu.vector_store_idx %scatter3A_755[%add3A_430], %get3A_669 : memref<256xf32, #tpu.memory_space<vmem>>[vector<16xi32>], vector<16xf32>,
        %scatter3A_756 = tpu.memref_slice %arg8[%mul3A_657] : memref<30720xf32, #tpu.memory_space<vmem>> -> memref<256xf32, #tpu.memory_space<vmem>>
        tpu.vector_store_idx %scatter3A_756[%add3A_436], %get3A_675 : memref<256xf32, #tpu.memory_space<vmem>>[vector<16xi32>], vector<16xf32>,
        %scatter3A_757 = tpu.memref_slice %arg8[%mul3A_657] : memref<30720xf32, #tpu.memory_space<vmem>> -> memref<256xf32, #tpu.memory_space<vmem>>
        tpu.vector_store_idx %scatter3A_757[%add3A_442], %get3A_681 : memref<256xf32, #tpu.memory_space<vmem>>[vector<16xi32>], vector<16xf32>,
        %scatter3A_758 = tpu.memref_slice %arg8[%mul3A_657] : memref<30720xf32, #tpu.memory_space<vmem>> -> memref<256xf32, #tpu.memory_space<vmem>>
        tpu.vector_store_idx %scatter3A_758[%add3A_448], %get3A_687 : memref<256xf32, #tpu.memory_space<vmem>>[vector<16xi32>], vector<16xf32>,
        %scatter3A_759 = tpu.memref_slice %arg8[%mul3A_657] : memref<30720xf32, #tpu.memory_space<vmem>> -> memref<256xf32, #tpu.memory_space<vmem>>
        tpu.vector_store_idx %scatter3A_759[%add3A_454], %get3A_693 : memref<256xf32, #tpu.memory_space<vmem>>[vector<16xi32>], vector<16xf32>,
        %scatter3A_760 = tpu.memref_slice %arg8[%mul3A_657] : memref<30720xf32, #tpu.memory_space<vmem>> -> memref<256xf32, #tpu.memory_space<vmem>>
        tpu.vector_store_idx %scatter3A_760[%add3A_460], %get3A_699 : memref<256xf32, #tpu.memory_space<vmem>>[vector<16xi32>], vector<16xf32>,
        %scatter3A_761 = tpu.memref_slice %arg8[%mul3A_657] : memref<30720xf32, #tpu.memory_space<vmem>> -> memref<256xf32, #tpu.memory_space<vmem>>
        tpu.vector_store_idx %scatter3A_761[%add3A_466], %get3A_705 : memref<256xf32, #tpu.memory_space<vmem>>[vector<16xi32>], vector<16xf32>,
        %scatter3A_762 = tpu.memref_slice %arg8[%mul3A_657] : memref<30720xf32, #tpu.memory_space<vmem>> -> memref<256xf32, #tpu.memory_space<vmem>>
        tpu.vector_store_idx %scatter3A_762[%add3A_472], %get3A_711 : memref<256xf32, #tpu.memory_space<vmem>>[vector<16xi32>], vector<16xf32>,
        %scatter3A_763 = tpu.memref_slice %arg8[%mul3A_657] : memref<30720xf32, #tpu.memory_space<vmem>> -> memref<256xf32, #tpu.memory_space<vmem>>
        tpu.vector_store_idx %scatter3A_763[%add3A_478], %get3A_717 : memref<256xf32, #tpu.memory_space<vmem>>[vector<16xi32>], vector<16xf32>,
        %scatter3A_764 = tpu.memref_slice %arg8[%mul3A_657] : memref<30720xf32, #tpu.memory_space<vmem>> -> memref<256xf32, #tpu.memory_space<vmem>>
        tpu.vector_store_idx %scatter3A_764[%add3A_484], %get3A_723 : memref<256xf32, #tpu.memory_space<vmem>>[vector<16xi32>], vector<16xf32>,
        %scatter3A_765 = tpu.memref_slice %arg8[%mul3A_657] : memref<30720xf32, #tpu.memory_space<vmem>> -> memref<256xf32, #tpu.memory_space<vmem>>
        tpu.vector_store_idx %scatter3A_765[%add3A_490], %get3A_729 : memref<256xf32, #tpu.memory_space<vmem>>[vector<16xi32>], vector<16xf32>,
        %scatter3A_766 = tpu.memref_slice %arg8[%mul3A_657] : memref<30720xf32, #tpu.memory_space<vmem>> -> memref<256xf32, #tpu.memory_space<vmem>>
        tpu.vector_store_idx %scatter3A_766[%add3A_496], %get3A_735 : memref<256xf32, #tpu.memory_space<vmem>>[vector<16xi32>], vector<16xf32>,
        %scatter3A_767 = tpu.memref_slice %arg8[%mul3A_657] : memref<30720xf32, #tpu.memory_space<vmem>> -> memref<256xf32, #tpu.memory_space<vmem>>
        tpu.vector_store_idx %scatter3A_767[%add3A_502], %get3A_741 : memref<256xf32, #tpu.memory_space<vmem>>[vector<16xi32>], vector<16xf32>,
        %scatter3A_768 = tpu.memref_slice %arg8[%mul3A_657] : memref<30720xf32, #tpu.memory_space<vmem>> -> memref<256xf32, #tpu.memory_space<vmem>>
        tpu.vector_store_idx %scatter3A_768[%add3A_508], %get3A_747 : memref<256xf32, #tpu.memory_space<vmem>>[vector<16xi32>], vector<16xf32>,
        %scatter3A_769 = tpu.memref_slice %arg8[%mul3A_657] : memref<30720xf32, #tpu.memory_space<vmem>> -> memref<256xf32, #tpu.memory_space<vmem>>
        tpu.vector_store_idx %scatter3A_769[%add3A_514], %get3A_753 : memref<256xf32, #tpu.memory_space<vmem>>[vector<16xi32>], vector<16xf32>,
        %scan3A_770 = arith.constant 0 : i32
        scf.yield %scan3A_770 : i32
      }
      %scan3A_521 = arith.constant 120 : i32
      %mul3A_522 = arith.constant 32 : i32
      %mul3A_523 = arith.muli %add3A_404, %mul3A_522 : i32
      %add3A_524 = arith.addi %mul3A_523, %add3A : i32
      %mul3A_525 = arith.constant 1920 : i32
      %mul3A_526 = arith.muli %add3A_524, %mul3A_525 : i32
      %mul3A_527 = arith.constant 16 : i32
      %mul3A_528 = arith.muli %mul3A_526, %mul3A_527 : i32
      %dma_start3A_529 = tpu.memref_slice %arg4[%mul3A_528] : memref<64000000xf32, #tpu.memory_space<hbm>> -> memref<30720xf32, #tpu.memory_space<hbm>>
      %dma_start3A_530 = tpu.memref_slice %arg4[%mul3A_528] : memref<64000000xf32, #tpu.memory_space<hbm>> -> memref<30720xf32, #tpu.memory_space<hbm>>
      tpu.enqueue_dma source(%arg8 : memref<30720xf32, #tpu.memory_space<vmem>>) target(%dma_start3A_530 : memref<30720xf32, #tpu.memory_space<hbm>>) target_semaphore(%arg13 : memref<!tpu.dma_semaphore, #tpu.memory_space<semaphore_mem>>)
      %add3A_531 = arith.constant 2 : i32
      %add3A_532 = arith.addi %add3A_404, %add3A_531 : i32
      %lt3A_533 = arith.constant 64 : i32
      %lt3A_534 = arith.cmpi slt, %add3A_532, %lt3A_533 : i32
      %convert_element_type3A_535 = arith.extui %lt3A_534 : i1 to i32
      %cond3A_536 = arith.constant 0 : i32
      %cond3A_537 = arith.cmpi ne, %convert_element_type3A_535, %cond3A_536 : i32
      scf.if %cond3A_537 {
        %add3A_539 = arith.constant 2 : i32
        %add3A_540 = arith.addi %add3A_404, %add3A_539 : i32
        %mul3A_541 = arith.constant 32 : i32
        %mul3A_542 = arith.muli %add3A_540, %mul3A_541 : i32
        %add3A_543 = arith.addi %mul3A_542, %add3A : i32
        %mul3A_544 = arith.constant 1920 : i32
        %mul3A_545 = arith.muli %add3A_543, %mul3A_544 : i32
        %dma_start3A_546 = arith.constant 0 : i32
        %dma_start3A_547 = tpu.memref_slice %arg2[%dma_start3A_546, %mul3A_545] : memref<16x3999882xf32, #tpu.memory_space<hbm>> -> memref<16x1920xf32, #tpu.memory_space<hbm>>
        %dma_start3A_548 = arith.constant 0 : i32
        %dma_start3A_549 = tpu.memref_slice %arg2[%dma_start3A_548, %mul3A_545] : memref<16x3999882xf32, #tpu.memory_space<hbm>> -> memref<16x1920xf32, #tpu.memory_space<hbm>>
        tpu.enqueue_dma source(%dma_start3A_549 : memref<16x1920xf32, #tpu.memory_space<hbm>>) target(%arg6 : memref<16x1920xf32, #tpu.memory_space<vmem>>) target_semaphore(%arg11 : memref<!tpu.dma_semaphore, #tpu.memory_space<semaphore_mem>>)
      } else {
      }
      %scan3A_538 = arith.constant 0 : i32
      scf.yield %scan3A_538 : i32
    }
    %scan3A_21 = arith.constant 32 : i32
    %add3A_22 = arith.constant 1984 : i32
    %add3A_23 = arith.addi %add3A_22, %add3A : i32
    %mul3A_24 = arith.constant 1920 : i32
    %mul3A_25 = arith.muli %add3A_23, %mul3A_24 : i32
    %mul3A_26 = arith.constant 16 : i32
    %mul3A_27 = arith.muli %mul3A_25, %mul3A_26 : i32
    %dma_wait3A = tpu.memref_slice %arg4[%mul3A_27] : memref<64000000xf32, #tpu.memory_space<hbm>> -> memref<30720xf32, #tpu.memory_space<hbm>>
    %dma_wait3A_28 = tpu.memref_slice %arg4[%mul3A_27] : memref<64000000xf32, #tpu.memory_space<hbm>> -> memref<30720xf32, #tpu.memory_space<hbm>>
    tpu.wait_dma2 semaphore(%arg12 : memref<!tpu.dma_semaphore, #tpu.memory_space<semaphore_mem>>) src(%arg7 : memref<30720xf32, #tpu.memory_space<vmem>>) dst(%dma_wait3A_28 : memref<30720xf32, #tpu.memory_space<hbm>>)
    %add3A_29 = arith.constant 2016 : i32
    %add3A_30 = arith.addi %add3A_29, %add3A : i32
    %mul3A_31 = arith.constant 1920 : i32
    %mul3A_32 = arith.muli %add3A_30, %mul3A_31 : i32
    %mul3A_33 = arith.constant 16 : i32
    %mul3A_34 = arith.muli %mul3A_32, %mul3A_33 : i32
    %dma_wait3A_35 = tpu.memref_slice %arg4[%mul3A_34] : memref<64000000xf32, #tpu.memory_space<hbm>> -> memref<30720xf32, #tpu.memory_space<hbm>>
    %dma_wait3A_36 = tpu.memref_slice %arg4[%mul3A_34] : memref<64000000xf32, #tpu.memory_space<hbm>> -> memref<30720xf32, #tpu.memory_space<hbm>>
    tpu.wait_dma2 semaphore(%arg13 : memref<!tpu.dma_semaphore, #tpu.memory_space<semaphore_mem>>) src(%arg8 : memref<30720xf32, #tpu.memory_space<vmem>>) dst(%dma_wait3A_36 : memref<30720xf32, #tpu.memory_space<hbm>>)
    %add3A_37 = arith.constant 2048 : i32
    %add3A_38 = arith.addi %add3A_37, %add3A : i32
    %mul3A_39 = arith.constant 1920 : i32
    %mul3A_40 = arith.muli %add3A_38, %mul3A_39 : i32
    "tpu.region"() ({
      %run_scoped3A = tpu.sem_alloc : memref<!tpu.dma_semaphore, #tpu.memory_space<semaphore_mem>>
      %dma_start3A_263 = arith.constant 0 : i32
      %dma_start3A_264 = arith.constant 0 : i32
      %dma_start3A_265 = tpu.memref_slice %arg5[%dma_start3A_263, %dma_start3A_264] : memref<16x1920xf32, #tpu.memory_space<vmem>> -> memref<16x1920xf32, #tpu.memory_space<vmem>>
      %dma_start3A_266 = arith.constant 0 : i32
      %dma_start3A_267 = tpu.memref_slice %arg2[%dma_start3A_266, %mul3A_40] : memref<16x3999882xf32, #tpu.memory_space<hbm>> -> memref<16x1920xf32, #tpu.memory_space<hbm>>
      %dma_start3A_268 = arith.constant 0 : i32
      %dma_start3A_269 = arith.constant 0 : i32
      %dma_start3A_270 = tpu.memref_slice %arg5[%dma_start3A_268, %dma_start3A_269] : memref<16x1920xf32, #tpu.memory_space<vmem>> -> memref<16x1920xf32, #tpu.memory_space<vmem>>
      %dma_start3A_271 = arith.constant 0 : i32
      %dma_start3A_272 = tpu.memref_slice %arg2[%dma_start3A_271, %mul3A_40] : memref<16x3999882xf32, #tpu.memory_space<hbm>> -> memref<16x1920xf32, #tpu.memory_space<hbm>>
      tpu.enqueue_dma source(%dma_start3A_272 : memref<16x1920xf32, #tpu.memory_space<hbm>>) target(%dma_start3A_270 : memref<16x1920xf32, #tpu.memory_space<vmem>>) target_semaphore(%run_scoped3A : memref<!tpu.dma_semaphore, #tpu.memory_space<semaphore_mem>>)
      %dma_wait3A_273 = arith.constant 0 : i32
      %dma_wait3A_274 = arith.constant 0 : i32
      %dma_wait3A_275 = tpu.memref_slice %arg5[%dma_wait3A_273, %dma_wait3A_274] : memref<16x1920xf32, #tpu.memory_space<vmem>> -> memref<16x1920xf32, #tpu.memory_space<vmem>>
      %dma_wait3A_276 = arith.constant 0 : i32
      %dma_wait3A_277 = tpu.memref_slice %arg2[%dma_wait3A_276, %mul3A_40] : memref<16x3999882xf32, #tpu.memory_space<hbm>> -> memref<16x1920xf32, #tpu.memory_space<hbm>>
      %dma_wait3A_278 = arith.constant 0 : i32
      %dma_wait3A_279 = arith.constant 0 : i32
      %dma_wait3A_280 = tpu.memref_slice %arg5[%dma_wait3A_278, %dma_wait3A_279] : memref<16x1920xf32, #tpu.memory_space<vmem>> -> memref<16x1920xf32, #tpu.memory_space<vmem>>
      %dma_wait3A_281 = arith.constant 0 : i32
      %dma_wait3A_282 = tpu.memref_slice %arg2[%dma_wait3A_281, %mul3A_40] : memref<16x3999882xf32, #tpu.memory_space<hbm>> -> memref<16x1920xf32, #tpu.memory_space<hbm>>
      tpu.wait_dma2 semaphore(%run_scoped3A : memref<!tpu.dma_semaphore, #tpu.memory_space<semaphore_mem>>) src(%dma_wait3A_282 : memref<16x1920xf32, #tpu.memory_space<hbm>>) dst(%dma_wait3A_280 : memref<16x1920xf32, #tpu.memory_space<vmem>>)
      tpu.yield
    }) : () -> ()
    %mul3A_41 = arith.constant 16 : i32
    %mul3A_42 = vector.broadcast %mul3A_41 : i32 to vector<16xi32>
    %mul3A_43 = arith.muli %iota3A, %mul3A_42 : vector<16xi32>
    %add3A_44 = arith.constant 0 : i32
    %add3A_45 = vector.broadcast %add3A_44 : i32 to vector<16xi32>
    %add3A_46 = arith.addi %mul3A_43, %add3A_45 : vector<16xi32>
    %mul3A_47 = arith.constant 16 : i32
    %mul3A_48 = vector.broadcast %mul3A_47 : i32 to vector<16xi32>
    %mul3A_49 = arith.muli %iota3A, %mul3A_48 : vector<16xi32>
    %add3A_50 = arith.constant 1 : i32
    %add3A_51 = vector.broadcast %add3A_50 : i32 to vector<16xi32>
    %add3A_52 = arith.addi %mul3A_49, %add3A_51 : vector<16xi32>
    %mul3A_53 = arith.constant 16 : i32
    %mul3A_54 = vector.broadcast %mul3A_53 : i32 to vector<16xi32>
    %mul3A_55 = arith.muli %iota3A, %mul3A_54 : vector<16xi32>
    %add3A_56 = arith.constant 2 : i32
    %add3A_57 = vector.broadcast %add3A_56 : i32 to vector<16xi32>
    %add3A_58 = arith.addi %mul3A_55, %add3A_57 : vector<16xi32>
    %mul3A_59 = arith.constant 16 : i32
    %mul3A_60 = vector.broadcast %mul3A_59 : i32 to vector<16xi32>
    %mul3A_61 = arith.muli %iota3A, %mul3A_60 : vector<16xi32>
    %add3A_62 = arith.constant 3 : i32
    %add3A_63 = vector.broadcast %add3A_62 : i32 to vector<16xi32>
    %add3A_64 = arith.addi %mul3A_61, %add3A_63 : vector<16xi32>
    %mul3A_65 = arith.constant 16 : i32
    %mul3A_66 = vector.broadcast %mul3A_65 : i32 to vector<16xi32>
    %mul3A_67 = arith.muli %iota3A, %mul3A_66 : vector<16xi32>
    %add3A_68 = arith.constant 4 : i32
    %add3A_69 = vector.broadcast %add3A_68 : i32 to vector<16xi32>
    %add3A_70 = arith.addi %mul3A_67, %add3A_69 : vector<16xi32>
    %mul3A_71 = arith.constant 16 : i32
    %mul3A_72 = vector.broadcast %mul3A_71 : i32 to vector<16xi32>
    %mul3A_73 = arith.muli %iota3A, %mul3A_72 : vector<16xi32>
    %add3A_74 = arith.constant 5 : i32
    %add3A_75 = vector.broadcast %add3A_74 : i32 to vector<16xi32>
    %add3A_76 = arith.addi %mul3A_73, %add3A_75 : vector<16xi32>
    %mul3A_77 = arith.constant 16 : i32
    %mul3A_78 = vector.broadcast %mul3A_77 : i32 to vector<16xi32>
    %mul3A_79 = arith.muli %iota3A, %mul3A_78 : vector<16xi32>
    %add3A_80 = arith.constant 6 : i32
    %add3A_81 = vector.broadcast %add3A_80 : i32 to vector<16xi32>
    %add3A_82 = arith.addi %mul3A_79, %add3A_81 : vector<16xi32>
    %mul3A_83 = arith.constant 16 : i32
    %mul3A_84 = vector.broadcast %mul3A_83 : i32 to vector<16xi32>
    %mul3A_85 = arith.muli %iota3A, %mul3A_84 : vector<16xi32>
    %add3A_86 = arith.constant 7 : i32
    %add3A_87 = vector.broadcast %add3A_86 : i32 to vector<16xi32>
    %add3A_88 = arith.addi %mul3A_85, %add3A_87 : vector<16xi32>
    %mul3A_89 = arith.constant 16 : i32
    %mul3A_90 = vector.broadcast %mul3A_89 : i32 to vector<16xi32>
    %mul3A_91 = arith.muli %iota3A, %mul3A_90 : vector<16xi32>
    %add3A_92 = arith.constant 8 : i32
    %add3A_93 = vector.broadcast %add3A_92 : i32 to vector<16xi32>
    %add3A_94 = arith.addi %mul3A_91, %add3A_93 : vector<16xi32>
    %mul3A_95 = arith.constant 16 : i32
    %mul3A_96 = vector.broadcast %mul3A_95 : i32 to vector<16xi32>
    %mul3A_97 = arith.muli %iota3A, %mul3A_96 : vector<16xi32>
    %add3A_98 = arith.constant 9 : i32
    %add3A_99 = vector.broadcast %add3A_98 : i32 to vector<16xi32>
    %add3A_100 = arith.addi %mul3A_97, %add3A_99 : vector<16xi32>
    %mul3A_101 = arith.constant 16 : i32
    %mul3A_102 = vector.broadcast %mul3A_101 : i32 to vector<16xi32>
    %mul3A_103 = arith.muli %iota3A, %mul3A_102 : vector<16xi32>
    %add3A_104 = arith.constant 10 : i32
    %add3A_105 = vector.broadcast %add3A_104 : i32 to vector<16xi32>
    %add3A_106 = arith.addi %mul3A_103, %add3A_105 : vector<16xi32>
    %mul3A_107 = arith.constant 16 : i32
    %mul3A_108 = vector.broadcast %mul3A_107 : i32 to vector<16xi32>
    %mul3A_109 = arith.muli %iota3A, %mul3A_108 : vector<16xi32>
    %add3A_110 = arith.constant 11 : i32
    %add3A_111 = vector.broadcast %add3A_110 : i32 to vector<16xi32>
    %add3A_112 = arith.addi %mul3A_109, %add3A_111 : vector<16xi32>
    %mul3A_113 = arith.constant 16 : i32
    %mul3A_114 = vector.broadcast %mul3A_113 : i32 to vector<16xi32>
    %mul3A_115 = arith.muli %iota3A, %mul3A_114 : vector<16xi32>
    %add3A_116 = arith.constant 12 : i32
    %add3A_117 = vector.broadcast %add3A_116 : i32 to vector<16xi32>
    %add3A_118 = arith.addi %mul3A_115, %add3A_117 : vector<16xi32>
    %mul3A_119 = arith.constant 16 : i32
    %mul3A_120 = vector.broadcast %mul3A_119 : i32 to vector<16xi32>
    %mul3A_121 = arith.muli %iota3A, %mul3A_120 : vector<16xi32>
    %add3A_122 = arith.constant 13 : i32
    %add3A_123 = vector.broadcast %add3A_122 : i32 to vector<16xi32>
    %add3A_124 = arith.addi %mul3A_121, %add3A_123 : vector<16xi32>
    %mul3A_125 = arith.constant 16 : i32
    %mul3A_126 = vector.broadcast %mul3A_125 : i32 to vector<16xi32>
    %mul3A_127 = arith.muli %iota3A, %mul3A_126 : vector<16xi32>
    %add3A_128 = arith.constant 14 : i32
    %add3A_129 = vector.broadcast %add3A_128 : i32 to vector<16xi32>
    %add3A_130 = arith.addi %mul3A_127, %add3A_129 : vector<16xi32>
    %mul3A_131 = arith.constant 16 : i32
    %mul3A_132 = vector.broadcast %mul3A_131 : i32 to vector<16xi32>
    %mul3A_133 = arith.muli %iota3A, %mul3A_132 : vector<16xi32>
    %add3A_134 = arith.constant 15 : i32
    %add3A_135 = vector.broadcast %add3A_134 : i32 to vector<16xi32>
    %add3A_136 = arith.addi %mul3A_133, %add3A_135 : vector<16xi32>
    %scan3A_137 = arith.constant 0 : i32
    %scan3A_138 = arith.constant 0 : i32
    %scan3A_139 = arith.constant 120 : i32
    %scan3A_140 = arith.addi %scan3A_138, %scan3A_139 : i32
    %scan3A_141 = arith.constant 2 : i32
    %scan3A_142 = scf.for %scan3A_263 = %scan3A_138 to %scan3A_140 step %scan3A_141 iter_args(%scan3A_264 = %scan3A_137) -> (i32)  : i32 {
      %mul3A_265 = arith.constant 256 : i32
      %mul3A_266 = arith.muli %scan3A_263, %mul3A_265 : i32
      %mul3A_267 = arith.constant 16 : i32
      %mul3A_268 = arith.muli %scan3A_263, %mul3A_267 : i32
      %get3A = arith.constant 0 : i32
      %get3A_269 = arith.index_cast %get3A : i32 to index
      %get3A_270 = arith.index_cast %mul3A_268 : i32 to index
      %get3A_271 = tpu.vector_load %arg5[%get3A_269, %get3A_270] {strides = array<i32>} : memref<16x1920xf32, #tpu.memory_space<vmem>>, vector<16xf32>,
      %mul3A_272 = arith.constant 16 : i32
      %mul3A_273 = arith.muli %scan3A_263, %mul3A_272 : i32
      %get3A_274 = arith.constant 1 : i32
      %get3A_275 = arith.index_cast %get3A_274 : i32 to index
      %get3A_276 = arith.index_cast %mul3A_273 : i32 to index
      %get3A_277 = tpu.vector_load %arg5[%get3A_275, %get3A_276] {strides = array<i32>} : memref<16x1920xf32, #tpu.memory_space<vmem>>, vector<16xf32>,
      %mul3A_278 = arith.constant 16 : i32
      %mul3A_279 = arith.muli %scan3A_263, %mul3A_278 : i32
      %get3A_280 = arith.constant 2 : i32
      %get3A_281 = arith.index_cast %get3A_280 : i32 to index
      %get3A_282 = arith.index_cast %mul3A_279 : i32 to index
      %get3A_283 = tpu.vector_load %arg5[%get3A_281, %get3A_282] {strides = array<i32>} : memref<16x1920xf32, #tpu.memory_space<vmem>>, vector<16xf32>,
      %mul3A_284 = arith.constant 16 : i32
      %mul3A_285 = arith.muli %scan3A_263, %mul3A_284 : i32
      %get3A_286 = arith.constant 3 : i32
      %get3A_287 = arith.index_cast %get3A_286 : i32 to index
      %get3A_288 = arith.index_cast %mul3A_285 : i32 to index
      %get3A_289 = tpu.vector_load %arg5[%get3A_287, %get3A_288] {strides = array<i32>} : memref<16x1920xf32, #tpu.memory_space<vmem>>, vector<16xf32>,
      %mul3A_290 = arith.constant 16 : i32
      %mul3A_291 = arith.muli %scan3A_263, %mul3A_290 : i32
      %get3A_292 = arith.constant 4 : i32
      %get3A_293 = arith.index_cast %get3A_292 : i32 to index
      %get3A_294 = arith.index_cast %mul3A_291 : i32 to index
      %get3A_295 = tpu.vector_load %arg5[%get3A_293, %get3A_294] {strides = array<i32>} : memref<16x1920xf32, #tpu.memory_space<vmem>>, vector<16xf32>,
      %mul3A_296 = arith.constant 16 : i32
      %mul3A_297 = arith.muli %scan3A_263, %mul3A_296 : i32
      %get3A_298 = arith.constant 5 : i32
      %get3A_299 = arith.index_cast %get3A_298 : i32 to index
      %get3A_300 = arith.index_cast %mul3A_297 : i32 to index
      %get3A_301 = tpu.vector_load %arg5[%get3A_299, %get3A_300] {strides = array<i32>} : memref<16x1920xf32, #tpu.memory_space<vmem>>, vector<16xf32>,
      %mul3A_302 = arith.constant 16 : i32
      %mul3A_303 = arith.muli %scan3A_263, %mul3A_302 : i32
      %get3A_304 = arith.constant 6 : i32
      %get3A_305 = arith.index_cast %get3A_304 : i32 to index
      %get3A_306 = arith.index_cast %mul3A_303 : i32 to index
      %get3A_307 = tpu.vector_load %arg5[%get3A_305, %get3A_306] {strides = array<i32>} : memref<16x1920xf32, #tpu.memory_space<vmem>>, vector<16xf32>,
      %mul3A_308 = arith.constant 16 : i32
      %mul3A_309 = arith.muli %scan3A_263, %mul3A_308 : i32
      %get3A_310 = arith.constant 7 : i32
      %get3A_311 = arith.index_cast %get3A_310 : i32 to index
      %get3A_312 = arith.index_cast %mul3A_309 : i32 to index
      %get3A_313 = tpu.vector_load %arg5[%get3A_311, %get3A_312] {strides = array<i32>} : memref<16x1920xf32, #tpu.memory_space<vmem>>, vector<16xf32>,
      %mul3A_314 = arith.constant 16 : i32
      %mul3A_315 = arith.muli %scan3A_263, %mul3A_314 : i32
      %get3A_316 = arith.constant 8 : i32
      %get3A_317 = arith.index_cast %get3A_316 : i32 to index
      %get3A_318 = arith.index_cast %mul3A_315 : i32 to index
      %get3A_319 = tpu.vector_load %arg5[%get3A_317, %get3A_318] {strides = array<i32>} : memref<16x1920xf32, #tpu.memory_space<vmem>>, vector<16xf32>,
      %mul3A_320 = arith.constant 16 : i32
      %mul3A_321 = arith.muli %scan3A_263, %mul3A_320 : i32
      %get3A_322 = arith.constant 9 : i32
      %get3A_323 = arith.index_cast %get3A_322 : i32 to index
      %get3A_324 = arith.index_cast %mul3A_321 : i32 to index
      %get3A_325 = tpu.vector_load %arg5[%get3A_323, %get3A_324] {strides = array<i32>} : memref<16x1920xf32, #tpu.memory_space<vmem>>, vector<16xf32>,
      %mul3A_326 = arith.constant 16 : i32
      %mul3A_327 = arith.muli %scan3A_263, %mul3A_326 : i32
      %get3A_328 = arith.constant 10 : i32
      %get3A_329 = arith.index_cast %get3A_328 : i32 to index
      %get3A_330 = arith.index_cast %mul3A_327 : i32 to index
      %get3A_331 = tpu.vector_load %arg5[%get3A_329, %get3A_330] {strides = array<i32>} : memref<16x1920xf32, #tpu.memory_space<vmem>>, vector<16xf32>,
      %mul3A_332 = arith.constant 16 : i32
      %mul3A_333 = arith.muli %scan3A_263, %mul3A_332 : i32
      %get3A_334 = arith.constant 11 : i32
      %get3A_335 = arith.index_cast %get3A_334 : i32 to index
      %get3A_336 = arith.index_cast %mul3A_333 : i32 to index
      %get3A_337 = tpu.vector_load %arg5[%get3A_335, %get3A_336] {strides = array<i32>} : memref<16x1920xf32, #tpu.memory_space<vmem>>, vector<16xf32>,
      %mul3A_338 = arith.constant 16 : i32
      %mul3A_339 = arith.muli %scan3A_263, %mul3A_338 : i32
      %get3A_340 = arith.constant 12 : i32
      %get3A_341 = arith.index_cast %get3A_340 : i32 to index
      %get3A_342 = arith.index_cast %mul3A_339 : i32 to index
      %get3A_343 = tpu.vector_load %arg5[%get3A_341, %get3A_342] {strides = array<i32>} : memref<16x1920xf32, #tpu.memory_space<vmem>>, vector<16xf32>,
      %mul3A_344 = arith.constant 16 : i32
      %mul3A_345 = arith.muli %scan3A_263, %mul3A_344 : i32
      %get3A_346 = arith.constant 13 : i32
      %get3A_347 = arith.index_cast %get3A_346 : i32 to index
      %get3A_348 = arith.index_cast %mul3A_345 : i32 to index
      %get3A_349 = tpu.vector_load %arg5[%get3A_347, %get3A_348] {strides = array<i32>} : memref<16x1920xf32, #tpu.memory_space<vmem>>, vector<16xf32>,
      %mul3A_350 = arith.constant 16 : i32
      %mul3A_351 = arith.muli %scan3A_263, %mul3A_350 : i32
      %get3A_352 = arith.constant 14 : i32
      %get3A_353 = arith.index_cast %get3A_352 : i32 to index
      %get3A_354 = arith.index_cast %mul3A_351 : i32 to index
      %get3A_355 = tpu.vector_load %arg5[%get3A_353, %get3A_354] {strides = array<i32>} : memref<16x1920xf32, #tpu.memory_space<vmem>>, vector<16xf32>,
      %mul3A_356 = arith.constant 16 : i32
      %mul3A_357 = arith.muli %scan3A_263, %mul3A_356 : i32
      %get3A_358 = arith.constant 15 : i32
      %get3A_359 = arith.index_cast %get3A_358 : i32 to index
      %get3A_360 = arith.index_cast %mul3A_357 : i32 to index
      %get3A_361 = tpu.vector_load %arg5[%get3A_359, %get3A_360] {strides = array<i32>} : memref<16x1920xf32, #tpu.memory_space<vmem>>, vector<16xf32>,
      %scatter3A = tpu.memref_slice %arg7[%mul3A_266] : memref<30720xf32, #tpu.memory_space<vmem>> -> memref<256xf32, #tpu.memory_space<vmem>>
      tpu.vector_store_idx %scatter3A[%add3A_46], %get3A_271 : memref<256xf32, #tpu.memory_space<vmem>>[vector<16xi32>], vector<16xf32>,
      %scatter3A_362 = tpu.memref_slice %arg7[%mul3A_266] : memref<30720xf32, #tpu.memory_space<vmem>> -> memref<256xf32, #tpu.memory_space<vmem>>
      tpu.vector_store_idx %scatter3A_362[%add3A_52], %get3A_277 : memref<256xf32, #tpu.memory_space<vmem>>[vector<16xi32>], vector<16xf32>,
      %scatter3A_363 = tpu.memref_slice %arg7[%mul3A_266] : memref<30720xf32, #tpu.memory_space<vmem>> -> memref<256xf32, #tpu.memory_space<vmem>>
      tpu.vector_store_idx %scatter3A_363[%add3A_58], %get3A_283 : memref<256xf32, #tpu.memory_space<vmem>>[vector<16xi32>], vector<16xf32>,
      %scatter3A_364 = tpu.memref_slice %arg7[%mul3A_266] : memref<30720xf32, #tpu.memory_space<vmem>> -> memref<256xf32, #tpu.memory_space<vmem>>
      tpu.vector_store_idx %scatter3A_364[%add3A_64], %get3A_289 : memref<256xf32, #tpu.memory_space<vmem>>[vector<16xi32>], vector<16xf32>,
      %scatter3A_365 = tpu.memref_slice %arg7[%mul3A_266] : memref<30720xf32, #tpu.memory_space<vmem>> -> memref<256xf32, #tpu.memory_space<vmem>>
      tpu.vector_store_idx %scatter3A_365[%add3A_70], %get3A_295 : memref<256xf32, #tpu.memory_space<vmem>>[vector<16xi32>], vector<16xf32>,
      %scatter3A_366 = tpu.memref_slice %arg7[%mul3A_266] : memref<30720xf32, #tpu.memory_space<vmem>> -> memref<256xf32, #tpu.memory_space<vmem>>
      tpu.vector_store_idx %scatter3A_366[%add3A_76], %get3A_301 : memref<256xf32, #tpu.memory_space<vmem>>[vector<16xi32>], vector<16xf32>,
      %scatter3A_367 = tpu.memref_slice %arg7[%mul3A_266] : memref<30720xf32, #tpu.memory_space<vmem>> -> memref<256xf32, #tpu.memory_space<vmem>>
      tpu.vector_store_idx %scatter3A_367[%add3A_82], %get3A_307 : memref<256xf32, #tpu.memory_space<vmem>>[vector<16xi32>], vector<16xf32>,
      %scatter3A_368 = tpu.memref_slice %arg7[%mul3A_266] : memref<30720xf32, #tpu.memory_space<vmem>> -> memref<256xf32, #tpu.memory_space<vmem>>
      tpu.vector_store_idx %scatter3A_368[%add3A_88], %get3A_313 : memref<256xf32, #tpu.memory_space<vmem>>[vector<16xi32>], vector<16xf32>,
      %scatter3A_369 = tpu.memref_slice %arg7[%mul3A_266] : memref<30720xf32, #tpu.memory_space<vmem>> -> memref<256xf32, #tpu.memory_space<vmem>>
      tpu.vector_store_idx %scatter3A_369[%add3A_94], %get3A_319 : memref<256xf32, #tpu.memory_space<vmem>>[vector<16xi32>], vector<16xf32>,
      %scatter3A_370 = tpu.memref_slice %arg7[%mul3A_266] : memref<30720xf32, #tpu.memory_space<vmem>> -> memref<256xf32, #tpu.memory_space<vmem>>
      tpu.vector_store_idx %scatter3A_370[%add3A_100], %get3A_325 : memref<256xf32, #tpu.memory_space<vmem>>[vector<16xi32>], vector<16xf32>,
      %scatter3A_371 = tpu.memref_slice %arg7[%mul3A_266] : memref<30720xf32, #tpu.memory_space<vmem>> -> memref<256xf32, #tpu.memory_space<vmem>>
      tpu.vector_store_idx %scatter3A_371[%add3A_106], %get3A_331 : memref<256xf32, #tpu.memory_space<vmem>>[vector<16xi32>], vector<16xf32>,
      %scatter3A_372 = tpu.memref_slice %arg7[%mul3A_266] : memref<30720xf32, #tpu.memory_space<vmem>> -> memref<256xf32, #tpu.memory_space<vmem>>
      tpu.vector_store_idx %scatter3A_372[%add3A_112], %get3A_337 : memref<256xf32, #tpu.memory_space<vmem>>[vector<16xi32>], vector<16xf32>,
      %scatter3A_373 = tpu.memref_slice %arg7[%mul3A_266] : memref<30720xf32, #tpu.memory_space<vmem>> -> memref<256xf32, #tpu.memory_space<vmem>>
      tpu.vector_store_idx %scatter3A_373[%add3A_118], %get3A_343 : memref<256xf32, #tpu.memory_space<vmem>>[vector<16xi32>], vector<16xf32>,
      %scatter3A_374 = tpu.memref_slice %arg7[%mul3A_266] : memref<30720xf32, #tpu.memory_space<vmem>> -> memref<256xf32, #tpu.memory_space<vmem>>
      tpu.vector_store_idx %scatter3A_374[%add3A_124], %get3A_349 : memref<256xf32, #tpu.memory_space<vmem>>[vector<16xi32>], vector<16xf32>,
      %scatter3A_375 = tpu.memref_slice %arg7[%mul3A_266] : memref<30720xf32, #tpu.memory_space<vmem>> -> memref<256xf32, #tpu.memory_space<vmem>>
      tpu.vector_store_idx %scatter3A_375[%add3A_130], %get3A_355 : memref<256xf32, #tpu.memory_space<vmem>>[vector<16xi32>], vector<16xf32>,
      %scatter3A_376 = tpu.memref_slice %arg7[%mul3A_266] : memref<30720xf32, #tpu.memory_space<vmem>> -> memref<256xf32, #tpu.memory_space<vmem>>
      tpu.vector_store_idx %scatter3A_376[%add3A_136], %get3A_361 : memref<256xf32, #tpu.memory_space<vmem>>[vector<16xi32>], vector<16xf32>,
      %scan3A_377 = arith.constant 0 : i32
      %scan3A_378 = arith.constant 1 : i32
      %scan3A_379 = arith.addi %scan3A_263, %scan3A_378 : i32
      %mul3A_380 = arith.constant 256 : i32
      %mul3A_381 = arith.muli %scan3A_379, %mul3A_380 : i32
      %mul3A_382 = arith.constant 16 : i32
      %mul3A_383 = arith.muli %scan3A_379, %mul3A_382 : i32
      %get3A_384 = arith.constant 0 : i32
      %get3A_385 = arith.index_cast %get3A_384 : i32 to index
      %get3A_386 = arith.index_cast %mul3A_383 : i32 to index
      %get3A_387 = tpu.vector_load %arg5[%get3A_385, %get3A_386] {strides = array<i32>} : memref<16x1920xf32, #tpu.memory_space<vmem>>, vector<16xf32>,
      %mul3A_388 = arith.constant 16 : i32
      %mul3A_389 = arith.muli %scan3A_379, %mul3A_388 : i32
      %get3A_390 = arith.constant 1 : i32
      %get3A_391 = arith.index_cast %get3A_390 : i32 to index
      %get3A_392 = arith.index_cast %mul3A_389 : i32 to index
      %get3A_393 = tpu.vector_load %arg5[%get3A_391, %get3A_392] {strides = array<i32>} : memref<16x1920xf32, #tpu.memory_space<vmem>>, vector<16xf32>,
      %mul3A_394 = arith.constant 16 : i32
      %mul3A_395 = arith.muli %scan3A_379, %mul3A_394 : i32
      %get3A_396 = arith.constant 2 : i32
      %get3A_397 = arith.index_cast %get3A_396 : i32 to index
      %get3A_398 = arith.index_cast %mul3A_395 : i32 to index
      %get3A_399 = tpu.vector_load %arg5[%get3A_397, %get3A_398] {strides = array<i32>} : memref<16x1920xf32, #tpu.memory_space<vmem>>, vector<16xf32>,
      %mul3A_400 = arith.constant 16 : i32
      %mul3A_401 = arith.muli %scan3A_379, %mul3A_400 : i32
      %get3A_402 = arith.constant 3 : i32
      %get3A_403 = arith.index_cast %get3A_402 : i32 to index
      %get3A_404 = arith.index_cast %mul3A_401 : i32 to index
      %get3A_405 = tpu.vector_load %arg5[%get3A_403, %get3A_404] {strides = array<i32>} : memref<16x1920xf32, #tpu.memory_space<vmem>>, vector<16xf32>,
      %mul3A_406 = arith.constant 16 : i32
      %mul3A_407 = arith.muli %scan3A_379, %mul3A_406 : i32
      %get3A_408 = arith.constant 4 : i32
      %get3A_409 = arith.index_cast %get3A_408 : i32 to index
      %get3A_410 = arith.index_cast %mul3A_407 : i32 to index
      %get3A_411 = tpu.vector_load %arg5[%get3A_409, %get3A_410] {strides = array<i32>} : memref<16x1920xf32, #tpu.memory_space<vmem>>, vector<16xf32>,
      %mul3A_412 = arith.constant 16 : i32
      %mul3A_413 = arith.muli %scan3A_379, %mul3A_412 : i32
      %get3A_414 = arith.constant 5 : i32
      %get3A_415 = arith.index_cast %get3A_414 : i32 to index
      %get3A_416 = arith.index_cast %mul3A_413 : i32 to index
      %get3A_417 = tpu.vector_load %arg5[%get3A_415, %get3A_416] {strides = array<i32>} : memref<16x1920xf32, #tpu.memory_space<vmem>>, vector<16xf32>,
      %mul3A_418 = arith.constant 16 : i32
      %mul3A_419 = arith.muli %scan3A_379, %mul3A_418 : i32
      %get3A_420 = arith.constant 6 : i32
      %get3A_421 = arith.index_cast %get3A_420 : i32 to index
      %get3A_422 = arith.index_cast %mul3A_419 : i32 to index
      %get3A_423 = tpu.vector_load %arg5[%get3A_421, %get3A_422] {strides = array<i32>} : memref<16x1920xf32, #tpu.memory_space<vmem>>, vector<16xf32>,
      %mul3A_424 = arith.constant 16 : i32
      %mul3A_425 = arith.muli %scan3A_379, %mul3A_424 : i32
      %get3A_426 = arith.constant 7 : i32
      %get3A_427 = arith.index_cast %get3A_426 : i32 to index
      %get3A_428 = arith.index_cast %mul3A_425 : i32 to index
      %get3A_429 = tpu.vector_load %arg5[%get3A_427, %get3A_428] {strides = array<i32>} : memref<16x1920xf32, #tpu.memory_space<vmem>>, vector<16xf32>,
      %mul3A_430 = arith.constant 16 : i32
      %mul3A_431 = arith.muli %scan3A_379, %mul3A_430 : i32
      %get3A_432 = arith.constant 8 : i32
      %get3A_433 = arith.index_cast %get3A_432 : i32 to index
      %get3A_434 = arith.index_cast %mul3A_431 : i32 to index
      %get3A_435 = tpu.vector_load %arg5[%get3A_433, %get3A_434] {strides = array<i32>} : memref<16x1920xf32, #tpu.memory_space<vmem>>, vector<16xf32>,
      %mul3A_436 = arith.constant 16 : i32
      %mul3A_437 = arith.muli %scan3A_379, %mul3A_436 : i32
      %get3A_438 = arith.constant 9 : i32
      %get3A_439 = arith.index_cast %get3A_438 : i32 to index
      %get3A_440 = arith.index_cast %mul3A_437 : i32 to index
      %get3A_441 = tpu.vector_load %arg5[%get3A_439, %get3A_440] {strides = array<i32>} : memref<16x1920xf32, #tpu.memory_space<vmem>>, vector<16xf32>,
      %mul3A_442 = arith.constant 16 : i32
      %mul3A_443 = arith.muli %scan3A_379, %mul3A_442 : i32
      %get3A_444 = arith.constant 10 : i32
      %get3A_445 = arith.index_cast %get3A_444 : i32 to index
      %get3A_446 = arith.index_cast %mul3A_443 : i32 to index
      %get3A_447 = tpu.vector_load %arg5[%get3A_445, %get3A_446] {strides = array<i32>} : memref<16x1920xf32, #tpu.memory_space<vmem>>, vector<16xf32>,
      %mul3A_448 = arith.constant 16 : i32
      %mul3A_449 = arith.muli %scan3A_379, %mul3A_448 : i32
      %get3A_450 = arith.constant 11 : i32
      %get3A_451 = arith.index_cast %get3A_450 : i32 to index
      %get3A_452 = arith.index_cast %mul3A_449 : i32 to index
      %get3A_453 = tpu.vector_load %arg5[%get3A_451, %get3A_452] {strides = array<i32>} : memref<16x1920xf32, #tpu.memory_space<vmem>>, vector<16xf32>,
      %mul3A_454 = arith.constant 16 : i32
      %mul3A_455 = arith.muli %scan3A_379, %mul3A_454 : i32
      %get3A_456 = arith.constant 12 : i32
      %get3A_457 = arith.index_cast %get3A_456 : i32 to index
      %get3A_458 = arith.index_cast %mul3A_455 : i32 to index
      %get3A_459 = tpu.vector_load %arg5[%get3A_457, %get3A_458] {strides = array<i32>} : memref<16x1920xf32, #tpu.memory_space<vmem>>, vector<16xf32>,
      %mul3A_460 = arith.constant 16 : i32
      %mul3A_461 = arith.muli %scan3A_379, %mul3A_460 : i32
      %get3A_462 = arith.constant 13 : i32
      %get3A_463 = arith.index_cast %get3A_462 : i32 to index
      %get3A_464 = arith.index_cast %mul3A_461 : i32 to index
      %get3A_465 = tpu.vector_load %arg5[%get3A_463, %get3A_464] {strides = array<i32>} : memref<16x1920xf32, #tpu.memory_space<vmem>>, vector<16xf32>,
      %mul3A_466 = arith.constant 16 : i32
      %mul3A_467 = arith.muli %scan3A_379, %mul3A_466 : i32
      %get3A_468 = arith.constant 14 : i32
      %get3A_469 = arith.index_cast %get3A_468 : i32 to index
      %get3A_470 = arith.index_cast %mul3A_467 : i32 to index
      %get3A_471 = tpu.vector_load %arg5[%get3A_469, %get3A_470] {strides = array<i32>} : memref<16x1920xf32, #tpu.memory_space<vmem>>, vector<16xf32>,
      %mul3A_472 = arith.constant 16 : i32
      %mul3A_473 = arith.muli %scan3A_379, %mul3A_472 : i32
      %get3A_474 = arith.constant 15 : i32
      %get3A_475 = arith.index_cast %get3A_474 : i32 to index
      %get3A_476 = arith.index_cast %mul3A_473 : i32 to index
      %get3A_477 = tpu.vector_load %arg5[%get3A_475, %get3A_476] {strides = array<i32>} : memref<16x1920xf32, #tpu.memory_space<vmem>>, vector<16xf32>,
      %scatter3A_478 = tpu.memref_slice %arg7[%mul3A_381] : memref<30720xf32, #tpu.memory_space<vmem>> -> memref<256xf32, #tpu.memory_space<vmem>>
      tpu.vector_store_idx %scatter3A_478[%add3A_46], %get3A_387 : memref<256xf32, #tpu.memory_space<vmem>>[vector<16xi32>], vector<16xf32>,
      %scatter3A_479 = tpu.memref_slice %arg7[%mul3A_381] : memref<30720xf32, #tpu.memory_space<vmem>> -> memref<256xf32, #tpu.memory_space<vmem>>
      tpu.vector_store_idx %scatter3A_479[%add3A_52], %get3A_393 : memref<256xf32, #tpu.memory_space<vmem>>[vector<16xi32>], vector<16xf32>,
      %scatter3A_480 = tpu.memref_slice %arg7[%mul3A_381] : memref<30720xf32, #tpu.memory_space<vmem>> -> memref<256xf32, #tpu.memory_space<vmem>>
      tpu.vector_store_idx %scatter3A_480[%add3A_58], %get3A_399 : memref<256xf32, #tpu.memory_space<vmem>>[vector<16xi32>], vector<16xf32>,
      %scatter3A_481 = tpu.memref_slice %arg7[%mul3A_381] : memref<30720xf32, #tpu.memory_space<vmem>> -> memref<256xf32, #tpu.memory_space<vmem>>
      tpu.vector_store_idx %scatter3A_481[%add3A_64], %get3A_405 : memref<256xf32, #tpu.memory_space<vmem>>[vector<16xi32>], vector<16xf32>,
      %scatter3A_482 = tpu.memref_slice %arg7[%mul3A_381] : memref<30720xf32, #tpu.memory_space<vmem>> -> memref<256xf32, #tpu.memory_space<vmem>>
      tpu.vector_store_idx %scatter3A_482[%add3A_70], %get3A_411 : memref<256xf32, #tpu.memory_space<vmem>>[vector<16xi32>], vector<16xf32>,
      %scatter3A_483 = tpu.memref_slice %arg7[%mul3A_381] : memref<30720xf32, #tpu.memory_space<vmem>> -> memref<256xf32, #tpu.memory_space<vmem>>
      tpu.vector_store_idx %scatter3A_483[%add3A_76], %get3A_417 : memref<256xf32, #tpu.memory_space<vmem>>[vector<16xi32>], vector<16xf32>,
      %scatter3A_484 = tpu.memref_slice %arg7[%mul3A_381] : memref<30720xf32, #tpu.memory_space<vmem>> -> memref<256xf32, #tpu.memory_space<vmem>>
      tpu.vector_store_idx %scatter3A_484[%add3A_82], %get3A_423 : memref<256xf32, #tpu.memory_space<vmem>>[vector<16xi32>], vector<16xf32>,
      %scatter3A_485 = tpu.memref_slice %arg7[%mul3A_381] : memref<30720xf32, #tpu.memory_space<vmem>> -> memref<256xf32, #tpu.memory_space<vmem>>
      tpu.vector_store_idx %scatter3A_485[%add3A_88], %get3A_429 : memref<256xf32, #tpu.memory_space<vmem>>[vector<16xi32>], vector<16xf32>,
      %scatter3A_486 = tpu.memref_slice %arg7[%mul3A_381] : memref<30720xf32, #tpu.memory_space<vmem>> -> memref<256xf32, #tpu.memory_space<vmem>>
      tpu.vector_store_idx %scatter3A_486[%add3A_94], %get3A_435 : memref<256xf32, #tpu.memory_space<vmem>>[vector<16xi32>], vector<16xf32>,
      %scatter3A_487 = tpu.memref_slice %arg7[%mul3A_381] : memref<30720xf32, #tpu.memory_space<vmem>> -> memref<256xf32, #tpu.memory_space<vmem>>
      tpu.vector_store_idx %scatter3A_487[%add3A_100], %get3A_441 : memref<256xf32, #tpu.memory_space<vmem>>[vector<16xi32>], vector<16xf32>,
      %scatter3A_488 = tpu.memref_slice %arg7[%mul3A_381] : memref<30720xf32, #tpu.memory_space<vmem>> -> memref<256xf32, #tpu.memory_space<vmem>>
      tpu.vector_store_idx %scatter3A_488[%add3A_106], %get3A_447 : memref<256xf32, #tpu.memory_space<vmem>>[vector<16xi32>], vector<16xf32>,
      %scatter3A_489 = tpu.memref_slice %arg7[%mul3A_381] : memref<30720xf32, #tpu.memory_space<vmem>> -> memref<256xf32, #tpu.memory_space<vmem>>
      tpu.vector_store_idx %scatter3A_489[%add3A_112], %get3A_453 : memref<256xf32, #tpu.memory_space<vmem>>[vector<16xi32>], vector<16xf32>,
      %scatter3A_490 = tpu.memref_slice %arg7[%mul3A_381] : memref<30720xf32, #tpu.memory_space<vmem>> -> memref<256xf32, #tpu.memory_space<vmem>>
      tpu.vector_store_idx %scatter3A_490[%add3A_118], %get3A_459 : memref<256xf32, #tpu.memory_space<vmem>>[vector<16xi32>], vector<16xf32>,
      %scatter3A_491 = tpu.memref_slice %arg7[%mul3A_381] : memref<30720xf32, #tpu.memory_space<vmem>> -> memref<256xf32, #tpu.memory_space<vmem>>
      tpu.vector_store_idx %scatter3A_491[%add3A_124], %get3A_465 : memref<256xf32, #tpu.memory_space<vmem>>[vector<16xi32>], vector<16xf32>,
      %scatter3A_492 = tpu.memref_slice %arg7[%mul3A_381] : memref<30720xf32, #tpu.memory_space<vmem>> -> memref<256xf32, #tpu.memory_space<vmem>>
      tpu.vector_store_idx %scatter3A_492[%add3A_130], %get3A_471 : memref<256xf32, #tpu.memory_space<vmem>>[vector<16xi32>], vector<16xf32>,
      %scatter3A_493 = tpu.memref_slice %arg7[%mul3A_381] : memref<30720xf32, #tpu.memory_space<vmem>> -> memref<256xf32, #tpu.memory_space<vmem>>
      tpu.vector_store_idx %scatter3A_493[%add3A_136], %get3A_477 : memref<256xf32, #tpu.memory_space<vmem>>[vector<16xi32>], vector<16xf32>,
      %scan3A_494 = arith.constant 0 : i32
      scf.yield %scan3A_494 : i32
    }
    %scan3A_143 = arith.constant 120 : i32
    %mul3A_144 = arith.constant 16 : i32
    %mul3A_145 = arith.muli %mul3A_40, %mul3A_144 : i32
    "tpu.region"() ({
      %run_scoped3A = tpu.sem_alloc : memref<!tpu.dma_semaphore, #tpu.memory_space<semaphore_mem>>
      %dma_start3A_263 = arith.constant 0 : i32
      %dma_start3A_264 = tpu.memref_slice %arg7[%dma_start3A_263] : memref<30720xf32, #tpu.memory_space<vmem>> -> memref<30720xf32, #tpu.memory_space<vmem>>
      %dma_start3A_265 = tpu.memref_slice %arg4[%mul3A_145] : memref<64000000xf32, #tpu.memory_space<hbm>> -> memref<30720xf32, #tpu.memory_space<hbm>>
      %dma_start3A_266 = tpu.memref_slice %arg4[%mul3A_145] : memref<64000000xf32, #tpu.memory_space<hbm>> -> memref<30720xf32, #tpu.memory_space<hbm>>
      %dma_start3A_267 = arith.constant 0 : i32
      %dma_start3A_268 = tpu.memref_slice %arg7[%dma_start3A_267] : memref<30720xf32, #tpu.memory_space<vmem>> -> memref<30720xf32, #tpu.memory_space<vmem>>
      tpu.enqueue_dma source(%dma_start3A_268 : memref<30720xf32, #tpu.memory_space<vmem>>) target(%dma_start3A_266 : memref<30720xf32, #tpu.memory_space<hbm>>) target_semaphore(%run_scoped3A : memref<!tpu.dma_semaphore, #tpu.memory_space<semaphore_mem>>)
      %dma_wait3A_269 = arith.constant 0 : i32
      %dma_wait3A_270 = tpu.memref_slice %arg7[%dma_wait3A_269] : memref<30720xf32, #tpu.memory_space<vmem>> -> memref<30720xf32, #tpu.memory_space<vmem>>
      %dma_wait3A_271 = tpu.memref_slice %arg4[%mul3A_145] : memref<64000000xf32, #tpu.memory_space<hbm>> -> memref<30720xf32, #tpu.memory_space<hbm>>
      %dma_wait3A_272 = tpu.memref_slice %arg4[%mul3A_145] : memref<64000000xf32, #tpu.memory_space<hbm>> -> memref<30720xf32, #tpu.memory_space<hbm>>
      %dma_wait3A_273 = arith.constant 0 : i32
      %dma_wait3A_274 = tpu.memref_slice %arg7[%dma_wait3A_273] : memref<30720xf32, #tpu.memory_space<vmem>> -> memref<30720xf32, #tpu.memory_space<vmem>>
      tpu.wait_dma2 semaphore(%run_scoped3A : memref<!tpu.dma_semaphore, #tpu.memory_space<semaphore_mem>>) src(%dma_wait3A_274 : memref<30720xf32, #tpu.memory_space<vmem>>) dst(%dma_wait3A_272 : memref<30720xf32, #tpu.memory_space<hbm>>)
      tpu.yield
    }) : () -> ()
    %add3A_146 = arith.constant 0 : i32
    %add3A_147 = arith.addi %add3A_146, %add3A : i32
    %mul3A_148 = arith.constant 128 : i32
    %mul3A_149 = arith.muli %add3A_147, %mul3A_148 : i32
    %add3A_150 = arith.constant 3993600 : i32
    %add3A_151 = arith.addi %add3A_150, %mul3A_149 : i32
    "tpu.region"() ({
      %run_scoped3A = tpu.sem_alloc : memref<!tpu.dma_semaphore, #tpu.memory_space<semaphore_mem>>
      %dma_start3A_263 = arith.constant 0 : i32
      %dma_start3A_264 = arith.constant 0 : i32
      %dma_start3A_265 = tpu.memref_slice %arg5[%dma_start3A_263, %dma_start3A_264] : memref<16x1920xf32, #tpu.memory_space<vmem>> -> memref<16x128xf32, #tpu.memory_space<vmem>>
      %dma_start3A_266 = arith.constant 0 : i32
      %dma_start3A_267 = tpu.memref_slice %arg2[%dma_start3A_266, %add3A_151] : memref<16x3999882xf32, #tpu.memory_space<hbm>> -> memref<16x128xf32, #tpu.memory_space<hbm>>
      %dma_start3A_268 = arith.constant 0 : i32
      %dma_start3A_269 = arith.constant 0 : i32
      %dma_start3A_270 = tpu.memref_slice %arg5[%dma_start3A_268, %dma_start3A_269] : memref<16x1920xf32, #tpu.memory_space<vmem>> -> memref<16x128xf32, #tpu.memory_space<vmem>>
      %dma_start3A_271 = arith.constant 0 : i32
      %dma_start3A_272 = tpu.memref_slice %arg2[%dma_start3A_271, %add3A_151] : memref<16x3999882xf32, #tpu.memory_space<hbm>> -> memref<16x128xf32, #tpu.memory_space<hbm>>
      tpu.enqueue_dma source(%dma_start3A_272 : memref<16x128xf32, #tpu.memory_space<hbm>>) target(%dma_start3A_270 : memref<16x128xf32, #tpu.memory_space<vmem>>) target_semaphore(%run_scoped3A : memref<!tpu.dma_semaphore, #tpu.memory_space<semaphore_mem>>)
      %dma_wait3A_273 = arith.constant 0 : i32
      %dma_wait3A_274 = arith.constant 0 : i32
      %dma_wait3A_275 = tpu.memref_slice %arg5[%dma_wait3A_273, %dma_wait3A_274] : memref<16x1920xf32, #tpu.memory_space<vmem>> -> memref<16x128xf32, #tpu.memory_space<vmem>>
      %dma_wait3A_276 = arith.constant 0 : i32
      %dma_wait3A_277 = tpu.memref_slice %arg2[%dma_wait3A_276, %add3A_151] : memref<16x3999882xf32, #tpu.memory_space<hbm>> -> memref<16x128xf32, #tpu.memory_space<hbm>>
      %dma_wait3A_278 = arith.constant 0 : i32
      %dma_wait3A_279 = arith.constant 0 : i32
      %dma_wait3A_280 = tpu.memref_slice %arg5[%dma_wait3A_278, %dma_wait3A_279] : memref<16x1920xf32, #tpu.memory_space<vmem>> -> memref<16x128xf32, #tpu.memory_space<vmem>>
      %dma_wait3A_281 = arith.constant 0 : i32
      %dma_wait3A_282 = tpu.memref_slice %arg2[%dma_wait3A_281, %add3A_151] : memref<16x3999882xf32, #tpu.memory_space<hbm>> -> memref<16x128xf32, #tpu.memory_space<hbm>>
      tpu.wait_dma2 semaphore(%run_scoped3A : memref<!tpu.dma_semaphore, #tpu.memory_space<semaphore_mem>>) src(%dma_wait3A_282 : memref<16x128xf32, #tpu.memory_space<hbm>>) dst(%dma_wait3A_280 : memref<16x128xf32, #tpu.memory_space<vmem>>)
      tpu.yield
    }) : () -> ()
    %mul3A_152 = arith.constant 16 : i32
    %mul3A_153 = vector.broadcast %mul3A_152 : i32 to vector<16xi32>
    %mul3A_154 = arith.muli %iota3A, %mul3A_153 : vector<16xi32>
    %add3A_155 = arith.constant 0 : i32
    %add3A_156 = vector.broadcast %add3A_155 : i32 to vector<16xi32>
    %add3A_157 = arith.addi %mul3A_154, %add3A_156 : vector<16xi32>
    %mul3A_158 = arith.constant 16 : i32
    %mul3A_159 = vector.broadcast %mul3A_158 : i32 to vector<16xi32>
    %mul3A_160 = arith.muli %iota3A, %mul3A_159 : vector<16xi32>
    %add3A_161 = arith.constant 1 : i32
    %add3A_162 = vector.broadcast %add3A_161 : i32 to vector<16xi32>
    %add3A_163 = arith.addi %mul3A_160, %add3A_162 : vector<16xi32>
    %mul3A_164 = arith.constant 16 : i32
    %mul3A_165 = vector.broadcast %mul3A_164 : i32 to vector<16xi32>
    %mul3A_166 = arith.muli %iota3A, %mul3A_165 : vector<16xi32>
    %add3A_167 = arith.constant 2 : i32
    %add3A_168 = vector.broadcast %add3A_167 : i32 to vector<16xi32>
    %add3A_169 = arith.addi %mul3A_166, %add3A_168 : vector<16xi32>
    %mul3A_170 = arith.constant 16 : i32
    %mul3A_171 = vector.broadcast %mul3A_170 : i32 to vector<16xi32>
    %mul3A_172 = arith.muli %iota3A, %mul3A_171 : vector<16xi32>
    %add3A_173 = arith.constant 3 : i32
    %add3A_174 = vector.broadcast %add3A_173 : i32 to vector<16xi32>
    %add3A_175 = arith.addi %mul3A_172, %add3A_174 : vector<16xi32>
    %mul3A_176 = arith.constant 16 : i32
    %mul3A_177 = vector.broadcast %mul3A_176 : i32 to vector<16xi32>
    %mul3A_178 = arith.muli %iota3A, %mul3A_177 : vector<16xi32>
    %add3A_179 = arith.constant 4 : i32
    %add3A_180 = vector.broadcast %add3A_179 : i32 to vector<16xi32>
    %add3A_181 = arith.addi %mul3A_178, %add3A_180 : vector<16xi32>
    %mul3A_182 = arith.constant 16 : i32
    %mul3A_183 = vector.broadcast %mul3A_182 : i32 to vector<16xi32>
    %mul3A_184 = arith.muli %iota3A, %mul3A_183 : vector<16xi32>
    %add3A_185 = arith.constant 5 : i32
    %add3A_186 = vector.broadcast %add3A_185 : i32 to vector<16xi32>
    %add3A_187 = arith.addi %mul3A_184, %add3A_186 : vector<16xi32>
    %mul3A_188 = arith.constant 16 : i32
    %mul3A_189 = vector.broadcast %mul3A_188 : i32 to vector<16xi32>
    %mul3A_190 = arith.muli %iota3A, %mul3A_189 : vector<16xi32>
    %add3A_191 = arith.constant 6 : i32
    %add3A_192 = vector.broadcast %add3A_191 : i32 to vector<16xi32>
    %add3A_193 = arith.addi %mul3A_190, %add3A_192 : vector<16xi32>
    %mul3A_194 = arith.constant 16 : i32
    %mul3A_195 = vector.broadcast %mul3A_194 : i32 to vector<16xi32>
    %mul3A_196 = arith.muli %iota3A, %mul3A_195 : vector<16xi32>
    %add3A_197 = arith.constant 7 : i32
    %add3A_198 = vector.broadcast %add3A_197 : i32 to vector<16xi32>
    %add3A_199 = arith.addi %mul3A_196, %add3A_198 : vector<16xi32>
    %mul3A_200 = arith.constant 16 : i32
    %mul3A_201 = vector.broadcast %mul3A_200 : i32 to vector<16xi32>
    %mul3A_202 = arith.muli %iota3A, %mul3A_201 : vector<16xi32>
    %add3A_203 = arith.constant 8 : i32
    %add3A_204 = vector.broadcast %add3A_203 : i32 to vector<16xi32>
    %add3A_205 = arith.addi %mul3A_202, %add3A_204 : vector<16xi32>
    %mul3A_206 = arith.constant 16 : i32
    %mul3A_207 = vector.broadcast %mul3A_206 : i32 to vector<16xi32>
    %mul3A_208 = arith.muli %iota3A, %mul3A_207 : vector<16xi32>
    %add3A_209 = arith.constant 9 : i32
    %add3A_210 = vector.broadcast %add3A_209 : i32 to vector<16xi32>
    %add3A_211 = arith.addi %mul3A_208, %add3A_210 : vector<16xi32>
    %mul3A_212 = arith.constant 16 : i32
    %mul3A_213 = vector.broadcast %mul3A_212 : i32 to vector<16xi32>
    %mul3A_214 = arith.muli %iota3A, %mul3A_213 : vector<16xi32>
    %add3A_215 = arith.constant 10 : i32
    %add3A_216 = vector.broadcast %add3A_215 : i32 to vector<16xi32>
    %add3A_217 = arith.addi %mul3A_214, %add3A_216 : vector<16xi32>
    %mul3A_218 = arith.constant 16 : i32
    %mul3A_219 = vector.broadcast %mul3A_218 : i32 to vector<16xi32>
    %mul3A_220 = arith.muli %iota3A, %mul3A_219 : vector<16xi32>
    %add3A_221 = arith.constant 11 : i32
    %add3A_222 = vector.broadcast %add3A_221 : i32 to vector<16xi32>
    %add3A_223 = arith.addi %mul3A_220, %add3A_222 : vector<16xi32>
    %mul3A_224 = arith.constant 16 : i32
    %mul3A_225 = vector.broadcast %mul3A_224 : i32 to vector<16xi32>
    %mul3A_226 = arith.muli %iota3A, %mul3A_225 : vector<16xi32>
    %add3A_227 = arith.constant 12 : i32
    %add3A_228 = vector.broadcast %add3A_227 : i32 to vector<16xi32>
    %add3A_229 = arith.addi %mul3A_226, %add3A_228 : vector<16xi32>
    %mul3A_230 = arith.constant 16 : i32
    %mul3A_231 = vector.broadcast %mul3A_230 : i32 to vector<16xi32>
    %mul3A_232 = arith.muli %iota3A, %mul3A_231 : vector<16xi32>
    %add3A_233 = arith.constant 13 : i32
    %add3A_234 = vector.broadcast %add3A_233 : i32 to vector<16xi32>
    %add3A_235 = arith.addi %mul3A_232, %add3A_234 : vector<16xi32>
    %mul3A_236 = arith.constant 16 : i32
    %mul3A_237 = vector.broadcast %mul3A_236 : i32 to vector<16xi32>
    %mul3A_238 = arith.muli %iota3A, %mul3A_237 : vector<16xi32>
    %add3A_239 = arith.constant 14 : i32
    %add3A_240 = vector.broadcast %add3A_239 : i32 to vector<16xi32>
    %add3A_241 = arith.addi %mul3A_238, %add3A_240 : vector<16xi32>
    %mul3A_242 = arith.constant 16 : i32
    %mul3A_243 = vector.broadcast %mul3A_242 : i32 to vector<16xi32>
    %mul3A_244 = arith.muli %iota3A, %mul3A_243 : vector<16xi32>
    %add3A_245 = arith.constant 15 : i32
    %add3A_246 = vector.broadcast %add3A_245 : i32 to vector<16xi32>
    %add3A_247 = arith.addi %mul3A_244, %add3A_246 : vector<16xi32>
    %scan3A_248 = arith.constant 0 : i32
    %scan3A_249 = arith.constant 0 : i32
    %scan3A_250 = arith.constant 8 : i32
    %scan3A_251 = arith.addi %scan3A_249, %scan3A_250 : i32
    %scan3A_252 = arith.constant 2 : i32
    %scan3A_253 = scf.for %scan3A_263 = %scan3A_249 to %scan3A_251 step %scan3A_252 iter_args(%scan3A_264 = %scan3A_248) -> (i32)  : i32 {
      %mul3A_265 = arith.constant 256 : i32
      %mul3A_266 = arith.muli %scan3A_263, %mul3A_265 : i32
      %mul3A_267 = arith.constant 16 : i32
      %mul3A_268 = arith.muli %scan3A_263, %mul3A_267 : i32
      %get3A = arith.constant 0 : i32
      %get3A_269 = arith.index_cast %get3A : i32 to index
      %get3A_270 = arith.index_cast %mul3A_268 : i32 to index
      %get3A_271 = tpu.vector_load %arg5[%get3A_269, %get3A_270] {strides = array<i32>} : memref<16x1920xf32, #tpu.memory_space<vmem>>, vector<16xf32>,
      %mul3A_272 = arith.constant 16 : i32
      %mul3A_273 = arith.muli %scan3A_263, %mul3A_272 : i32
      %get3A_274 = arith.constant 1 : i32
      %get3A_275 = arith.index_cast %get3A_274 : i32 to index
      %get3A_276 = arith.index_cast %mul3A_273 : i32 to index
      %get3A_277 = tpu.vector_load %arg5[%get3A_275, %get3A_276] {strides = array<i32>} : memref<16x1920xf32, #tpu.memory_space<vmem>>, vector<16xf32>,
      %mul3A_278 = arith.constant 16 : i32
      %mul3A_279 = arith.muli %scan3A_263, %mul3A_278 : i32
      %get3A_280 = arith.constant 2 : i32
      %get3A_281 = arith.index_cast %get3A_280 : i32 to index
      %get3A_282 = arith.index_cast %mul3A_279 : i32 to index
      %get3A_283 = tpu.vector_load %arg5[%get3A_281, %get3A_282] {strides = array<i32>} : memref<16x1920xf32, #tpu.memory_space<vmem>>, vector<16xf32>,
      %mul3A_284 = arith.constant 16 : i32
      %mul3A_285 = arith.muli %scan3A_263, %mul3A_284 : i32
      %get3A_286 = arith.constant 3 : i32
      %get3A_287 = arith.index_cast %get3A_286 : i32 to index
      %get3A_288 = arith.index_cast %mul3A_285 : i32 to index
      %get3A_289 = tpu.vector_load %arg5[%get3A_287, %get3A_288] {strides = array<i32>} : memref<16x1920xf32, #tpu.memory_space<vmem>>, vector<16xf32>,
      %mul3A_290 = arith.constant 16 : i32
      %mul3A_291 = arith.muli %scan3A_263, %mul3A_290 : i32
      %get3A_292 = arith.constant 4 : i32
      %get3A_293 = arith.index_cast %get3A_292 : i32 to index
      %get3A_294 = arith.index_cast %mul3A_291 : i32 to index
      %get3A_295 = tpu.vector_load %arg5[%get3A_293, %get3A_294] {strides = array<i32>} : memref<16x1920xf32, #tpu.memory_space<vmem>>, vector<16xf32>,
      %mul3A_296 = arith.constant 16 : i32
      %mul3A_297 = arith.muli %scan3A_263, %mul3A_296 : i32
      %get3A_298 = arith.constant 5 : i32
      %get3A_299 = arith.index_cast %get3A_298 : i32 to index
      %get3A_300 = arith.index_cast %mul3A_297 : i32 to index
      %get3A_301 = tpu.vector_load %arg5[%get3A_299, %get3A_300] {strides = array<i32>} : memref<16x1920xf32, #tpu.memory_space<vmem>>, vector<16xf32>,
      %mul3A_302 = arith.constant 16 : i32
      %mul3A_303 = arith.muli %scan3A_263, %mul3A_302 : i32
      %get3A_304 = arith.constant 6 : i32
      %get3A_305 = arith.index_cast %get3A_304 : i32 to index
      %get3A_306 = arith.index_cast %mul3A_303 : i32 to index
      %get3A_307 = tpu.vector_load %arg5[%get3A_305, %get3A_306] {strides = array<i32>} : memref<16x1920xf32, #tpu.memory_space<vmem>>, vector<16xf32>,
      %mul3A_308 = arith.constant 16 : i32
      %mul3A_309 = arith.muli %scan3A_263, %mul3A_308 : i32
      %get3A_310 = arith.constant 7 : i32
      %get3A_311 = arith.index_cast %get3A_310 : i32 to index
      %get3A_312 = arith.index_cast %mul3A_309 : i32 to index
      %get3A_313 = tpu.vector_load %arg5[%get3A_311, %get3A_312] {strides = array<i32>} : memref<16x1920xf32, #tpu.memory_space<vmem>>, vector<16xf32>,
      %mul3A_314 = arith.constant 16 : i32
      %mul3A_315 = arith.muli %scan3A_263, %mul3A_314 : i32
      %get3A_316 = arith.constant 8 : i32
      %get3A_317 = arith.index_cast %get3A_316 : i32 to index
      %get3A_318 = arith.index_cast %mul3A_315 : i32 to index
      %get3A_319 = tpu.vector_load %arg5[%get3A_317, %get3A_318] {strides = array<i32>} : memref<16x1920xf32, #tpu.memory_space<vmem>>, vector<16xf32>,
      %mul3A_320 = arith.constant 16 : i32
      %mul3A_321 = arith.muli %scan3A_263, %mul3A_320 : i32
      %get3A_322 = arith.constant 9 : i32
      %get3A_323 = arith.index_cast %get3A_322 : i32 to index
      %get3A_324 = arith.index_cast %mul3A_321 : i32 to index
      %get3A_325 = tpu.vector_load %arg5[%get3A_323, %get3A_324] {strides = array<i32>} : memref<16x1920xf32, #tpu.memory_space<vmem>>, vector<16xf32>,
      %mul3A_326 = arith.constant 16 : i32
      %mul3A_327 = arith.muli %scan3A_263, %mul3A_326 : i32
      %get3A_328 = arith.constant 10 : i32
      %get3A_329 = arith.index_cast %get3A_328 : i32 to index
      %get3A_330 = arith.index_cast %mul3A_327 : i32 to index
      %get3A_331 = tpu.vector_load %arg5[%get3A_329, %get3A_330] {strides = array<i32>} : memref<16x1920xf32, #tpu.memory_space<vmem>>, vector<16xf32>,
      %mul3A_332 = arith.constant 16 : i32
      %mul3A_333 = arith.muli %scan3A_263, %mul3A_332 : i32
      %get3A_334 = arith.constant 11 : i32
      %get3A_335 = arith.index_cast %get3A_334 : i32 to index
      %get3A_336 = arith.index_cast %mul3A_333 : i32 to index
      %get3A_337 = tpu.vector_load %arg5[%get3A_335, %get3A_336] {strides = array<i32>} : memref<16x1920xf32, #tpu.memory_space<vmem>>, vector<16xf32>,
      %mul3A_338 = arith.constant 16 : i32
      %mul3A_339 = arith.muli %scan3A_263, %mul3A_338 : i32
      %get3A_340 = arith.constant 12 : i32
      %get3A_341 = arith.index_cast %get3A_340 : i32 to index
      %get3A_342 = arith.index_cast %mul3A_339 : i32 to index
      %get3A_343 = tpu.vector_load %arg5[%get3A_341, %get3A_342] {strides = array<i32>} : memref<16x1920xf32, #tpu.memory_space<vmem>>, vector<16xf32>,
      %mul3A_344 = arith.constant 16 : i32
      %mul3A_345 = arith.muli %scan3A_263, %mul3A_344 : i32
      %get3A_346 = arith.constant 13 : i32
      %get3A_347 = arith.index_cast %get3A_346 : i32 to index
      %get3A_348 = arith.index_cast %mul3A_345 : i32 to index
      %get3A_349 = tpu.vector_load %arg5[%get3A_347, %get3A_348] {strides = array<i32>} : memref<16x1920xf32, #tpu.memory_space<vmem>>, vector<16xf32>,
      %mul3A_350 = arith.constant 16 : i32
      %mul3A_351 = arith.muli %scan3A_263, %mul3A_350 : i32
      %get3A_352 = arith.constant 14 : i32
      %get3A_353 = arith.index_cast %get3A_352 : i32 to index
      %get3A_354 = arith.index_cast %mul3A_351 : i32 to index
      %get3A_355 = tpu.vector_load %arg5[%get3A_353, %get3A_354] {strides = array<i32>} : memref<16x1920xf32, #tpu.memory_space<vmem>>, vector<16xf32>,
      %mul3A_356 = arith.constant 16 : i32
      %mul3A_357 = arith.muli %scan3A_263, %mul3A_356 : i32
      %get3A_358 = arith.constant 15 : i32
      %get3A_359 = arith.index_cast %get3A_358 : i32 to index
      %get3A_360 = arith.index_cast %mul3A_357 : i32 to index
      %get3A_361 = tpu.vector_load %arg5[%get3A_359, %get3A_360] {strides = array<i32>} : memref<16x1920xf32, #tpu.memory_space<vmem>>, vector<16xf32>,
      %scatter3A = tpu.memref_slice %arg7[%mul3A_266] : memref<30720xf32, #tpu.memory_space<vmem>> -> memref<256xf32, #tpu.memory_space<vmem>>
      tpu.vector_store_idx %scatter3A[%add3A_157], %get3A_271 : memref<256xf32, #tpu.memory_space<vmem>>[vector<16xi32>], vector<16xf32>,
      %scatter3A_362 = tpu.memref_slice %arg7[%mul3A_266] : memref<30720xf32, #tpu.memory_space<vmem>> -> memref<256xf32, #tpu.memory_space<vmem>>
      tpu.vector_store_idx %scatter3A_362[%add3A_163], %get3A_277 : memref<256xf32, #tpu.memory_space<vmem>>[vector<16xi32>], vector<16xf32>,
      %scatter3A_363 = tpu.memref_slice %arg7[%mul3A_266] : memref<30720xf32, #tpu.memory_space<vmem>> -> memref<256xf32, #tpu.memory_space<vmem>>
      tpu.vector_store_idx %scatter3A_363[%add3A_169], %get3A_283 : memref<256xf32, #tpu.memory_space<vmem>>[vector<16xi32>], vector<16xf32>,
      %scatter3A_364 = tpu.memref_slice %arg7[%mul3A_266] : memref<30720xf32, #tpu.memory_space<vmem>> -> memref<256xf32, #tpu.memory_space<vmem>>
      tpu.vector_store_idx %scatter3A_364[%add3A_175], %get3A_289 : memref<256xf32, #tpu.memory_space<vmem>>[vector<16xi32>], vector<16xf32>,
      %scatter3A_365 = tpu.memref_slice %arg7[%mul3A_266] : memref<30720xf32, #tpu.memory_space<vmem>> -> memref<256xf32, #tpu.memory_space<vmem>>
      tpu.vector_store_idx %scatter3A_365[%add3A_181], %get3A_295 : memref<256xf32, #tpu.memory_space<vmem>>[vector<16xi32>], vector<16xf32>,
      %scatter3A_366 = tpu.memref_slice %arg7[%mul3A_266] : memref<30720xf32, #tpu.memory_space<vmem>> -> memref<256xf32, #tpu.memory_space<vmem>>
      tpu.vector_store_idx %scatter3A_366[%add3A_187], %get3A_301 : memref<256xf32, #tpu.memory_space<vmem>>[vector<16xi32>], vector<16xf32>,
      %scatter3A_367 = tpu.memref_slice %arg7[%mul3A_266] : memref<30720xf32, #tpu.memory_space<vmem>> -> memref<256xf32, #tpu.memory_space<vmem>>
      tpu.vector_store_idx %scatter3A_367[%add3A_193], %get3A_307 : memref<256xf32, #tpu.memory_space<vmem>>[vector<16xi32>], vector<16xf32>,
      %scatter3A_368 = tpu.memref_slice %arg7[%mul3A_266] : memref<30720xf32, #tpu.memory_space<vmem>> -> memref<256xf32, #tpu.memory_space<vmem>>
      tpu.vector_store_idx %scatter3A_368[%add3A_199], %get3A_313 : memref<256xf32, #tpu.memory_space<vmem>>[vector<16xi32>], vector<16xf32>,
      %scatter3A_369 = tpu.memref_slice %arg7[%mul3A_266] : memref<30720xf32, #tpu.memory_space<vmem>> -> memref<256xf32, #tpu.memory_space<vmem>>
      tpu.vector_store_idx %scatter3A_369[%add3A_205], %get3A_319 : memref<256xf32, #tpu.memory_space<vmem>>[vector<16xi32>], vector<16xf32>,
      %scatter3A_370 = tpu.memref_slice %arg7[%mul3A_266] : memref<30720xf32, #tpu.memory_space<vmem>> -> memref<256xf32, #tpu.memory_space<vmem>>
      tpu.vector_store_idx %scatter3A_370[%add3A_211], %get3A_325 : memref<256xf32, #tpu.memory_space<vmem>>[vector<16xi32>], vector<16xf32>,
      %scatter3A_371 = tpu.memref_slice %arg7[%mul3A_266] : memref<30720xf32, #tpu.memory_space<vmem>> -> memref<256xf32, #tpu.memory_space<vmem>>
      tpu.vector_store_idx %scatter3A_371[%add3A_217], %get3A_331 : memref<256xf32, #tpu.memory_space<vmem>>[vector<16xi32>], vector<16xf32>,
      %scatter3A_372 = tpu.memref_slice %arg7[%mul3A_266] : memref<30720xf32, #tpu.memory_space<vmem>> -> memref<256xf32, #tpu.memory_space<vmem>>
      tpu.vector_store_idx %scatter3A_372[%add3A_223], %get3A_337 : memref<256xf32, #tpu.memory_space<vmem>>[vector<16xi32>], vector<16xf32>,
      %scatter3A_373 = tpu.memref_slice %arg7[%mul3A_266] : memref<30720xf32, #tpu.memory_space<vmem>> -> memref<256xf32, #tpu.memory_space<vmem>>
      tpu.vector_store_idx %scatter3A_373[%add3A_229], %get3A_343 : memref<256xf32, #tpu.memory_space<vmem>>[vector<16xi32>], vector<16xf32>,
      %scatter3A_374 = tpu.memref_slice %arg7[%mul3A_266] : memref<30720xf32, #tpu.memory_space<vmem>> -> memref<256xf32, #tpu.memory_space<vmem>>
      tpu.vector_store_idx %scatter3A_374[%add3A_235], %get3A_349 : memref<256xf32, #tpu.memory_space<vmem>>[vector<16xi32>], vector<16xf32>,
      %scatter3A_375 = tpu.memref_slice %arg7[%mul3A_266] : memref<30720xf32, #tpu.memory_space<vmem>> -> memref<256xf32, #tpu.memory_space<vmem>>
      tpu.vector_store_idx %scatter3A_375[%add3A_241], %get3A_355 : memref<256xf32, #tpu.memory_space<vmem>>[vector<16xi32>], vector<16xf32>,
      %scatter3A_376 = tpu.memref_slice %arg7[%mul3A_266] : memref<30720xf32, #tpu.memory_space<vmem>> -> memref<256xf32, #tpu.memory_space<vmem>>
      tpu.vector_store_idx %scatter3A_376[%add3A_247], %get3A_361 : memref<256xf32, #tpu.memory_space<vmem>>[vector<16xi32>], vector<16xf32>,
      %scan3A_377 = arith.constant 0 : i32
      %scan3A_378 = arith.constant 1 : i32
      %scan3A_379 = arith.addi %scan3A_263, %scan3A_378 : i32
      %mul3A_380 = arith.constant 256 : i32
      %mul3A_381 = arith.muli %scan3A_379, %mul3A_380 : i32
      %mul3A_382 = arith.constant 16 : i32
      %mul3A_383 = arith.muli %scan3A_379, %mul3A_382 : i32
      %get3A_384 = arith.constant 0 : i32
      %get3A_385 = arith.index_cast %get3A_384 : i32 to index
      %get3A_386 = arith.index_cast %mul3A_383 : i32 to index
      %get3A_387 = tpu.vector_load %arg5[%get3A_385, %get3A_386] {strides = array<i32>} : memref<16x1920xf32, #tpu.memory_space<vmem>>, vector<16xf32>,
      %mul3A_388 = arith.constant 16 : i32
      %mul3A_389 = arith.muli %scan3A_379, %mul3A_388 : i32
      %get3A_390 = arith.constant 1 : i32
      %get3A_391 = arith.index_cast %get3A_390 : i32 to index
      %get3A_392 = arith.index_cast %mul3A_389 : i32 to index
      %get3A_393 = tpu.vector_load %arg5[%get3A_391, %get3A_392] {strides = array<i32>} : memref<16x1920xf32, #tpu.memory_space<vmem>>, vector<16xf32>,
      %mul3A_394 = arith.constant 16 : i32
      %mul3A_395 = arith.muli %scan3A_379, %mul3A_394 : i32
      %get3A_396 = arith.constant 2 : i32
      %get3A_397 = arith.index_cast %get3A_396 : i32 to index
      %get3A_398 = arith.index_cast %mul3A_395 : i32 to index
      %get3A_399 = tpu.vector_load %arg5[%get3A_397, %get3A_398] {strides = array<i32>} : memref<16x1920xf32, #tpu.memory_space<vmem>>, vector<16xf32>,
      %mul3A_400 = arith.constant 16 : i32
      %mul3A_401 = arith.muli %scan3A_379, %mul3A_400 : i32
      %get3A_402 = arith.constant 3 : i32
      %get3A_403 = arith.index_cast %get3A_402 : i32 to index
      %get3A_404 = arith.index_cast %mul3A_401 : i32 to index
      %get3A_405 = tpu.vector_load %arg5[%get3A_403, %get3A_404] {strides = array<i32>} : memref<16x1920xf32, #tpu.memory_space<vmem>>, vector<16xf32>,
      %mul3A_406 = arith.constant 16 : i32
      %mul3A_407 = arith.muli %scan3A_379, %mul3A_406 : i32
      %get3A_408 = arith.constant 4 : i32
      %get3A_409 = arith.index_cast %get3A_408 : i32 to index
      %get3A_410 = arith.index_cast %mul3A_407 : i32 to index
      %get3A_411 = tpu.vector_load %arg5[%get3A_409, %get3A_410] {strides = array<i32>} : memref<16x1920xf32, #tpu.memory_space<vmem>>, vector<16xf32>,
      %mul3A_412 = arith.constant 16 : i32
      %mul3A_413 = arith.muli %scan3A_379, %mul3A_412 : i32
      %get3A_414 = arith.constant 5 : i32
      %get3A_415 = arith.index_cast %get3A_414 : i32 to index
      %get3A_416 = arith.index_cast %mul3A_413 : i32 to index
      %get3A_417 = tpu.vector_load %arg5[%get3A_415, %get3A_416] {strides = array<i32>} : memref<16x1920xf32, #tpu.memory_space<vmem>>, vector<16xf32>,
      %mul3A_418 = arith.constant 16 : i32
      %mul3A_419 = arith.muli %scan3A_379, %mul3A_418 : i32
      %get3A_420 = arith.constant 6 : i32
      %get3A_421 = arith.index_cast %get3A_420 : i32 to index
      %get3A_422 = arith.index_cast %mul3A_419 : i32 to index
      %get3A_423 = tpu.vector_load %arg5[%get3A_421, %get3A_422] {strides = array<i32>} : memref<16x1920xf32, #tpu.memory_space<vmem>>, vector<16xf32>,
      %mul3A_424 = arith.constant 16 : i32
      %mul3A_425 = arith.muli %scan3A_379, %mul3A_424 : i32
      %get3A_426 = arith.constant 7 : i32
      %get3A_427 = arith.index_cast %get3A_426 : i32 to index
      %get3A_428 = arith.index_cast %mul3A_425 : i32 to index
      %get3A_429 = tpu.vector_load %arg5[%get3A_427, %get3A_428] {strides = array<i32>} : memref<16x1920xf32, #tpu.memory_space<vmem>>, vector<16xf32>,
      %mul3A_430 = arith.constant 16 : i32
      %mul3A_431 = arith.muli %scan3A_379, %mul3A_430 : i32
      %get3A_432 = arith.constant 8 : i32
      %get3A_433 = arith.index_cast %get3A_432 : i32 to index
      %get3A_434 = arith.index_cast %mul3A_431 : i32 to index
      %get3A_435 = tpu.vector_load %arg5[%get3A_433, %get3A_434] {strides = array<i32>} : memref<16x1920xf32, #tpu.memory_space<vmem>>, vector<16xf32>,
      %mul3A_436 = arith.constant 16 : i32
      %mul3A_437 = arith.muli %scan3A_379, %mul3A_436 : i32
      %get3A_438 = arith.constant 9 : i32
      %get3A_439 = arith.index_cast %get3A_438 : i32 to index
      %get3A_440 = arith.index_cast %mul3A_437 : i32 to index
      %get3A_441 = tpu.vector_load %arg5[%get3A_439, %get3A_440] {strides = array<i32>} : memref<16x1920xf32, #tpu.memory_space<vmem>>, vector<16xf32>,
      %mul3A_442 = arith.constant 16 : i32
      %mul3A_443 = arith.muli %scan3A_379, %mul3A_442 : i32
      %get3A_444 = arith.constant 10 : i32
      %get3A_445 = arith.index_cast %get3A_444 : i32 to index
      %get3A_446 = arith.index_cast %mul3A_443 : i32 to index
      %get3A_447 = tpu.vector_load %arg5[%get3A_445, %get3A_446] {strides = array<i32>} : memref<16x1920xf32, #tpu.memory_space<vmem>>, vector<16xf32>,
      %mul3A_448 = arith.constant 16 : i32
      %mul3A_449 = arith.muli %scan3A_379, %mul3A_448 : i32
      %get3A_450 = arith.constant 11 : i32
      %get3A_451 = arith.index_cast %get3A_450 : i32 to index
      %get3A_452 = arith.index_cast %mul3A_449 : i32 to index
      %get3A_453 = tpu.vector_load %arg5[%get3A_451, %get3A_452] {strides = array<i32>} : memref<16x1920xf32, #tpu.memory_space<vmem>>, vector<16xf32>,
      %mul3A_454 = arith.constant 16 : i32
      %mul3A_455 = arith.muli %scan3A_379, %mul3A_454 : i32
      %get3A_456 = arith.constant 12 : i32
      %get3A_457 = arith.index_cast %get3A_456 : i32 to index
      %get3A_458 = arith.index_cast %mul3A_455 : i32 to index
      %get3A_459 = tpu.vector_load %arg5[%get3A_457, %get3A_458] {strides = array<i32>} : memref<16x1920xf32, #tpu.memory_space<vmem>>, vector<16xf32>,
      %mul3A_460 = arith.constant 16 : i32
      %mul3A_461 = arith.muli %scan3A_379, %mul3A_460 : i32
      %get3A_462 = arith.constant 13 : i32
      %get3A_463 = arith.index_cast %get3A_462 : i32 to index
      %get3A_464 = arith.index_cast %mul3A_461 : i32 to index
      %get3A_465 = tpu.vector_load %arg5[%get3A_463, %get3A_464] {strides = array<i32>} : memref<16x1920xf32, #tpu.memory_space<vmem>>, vector<16xf32>,
      %mul3A_466 = arith.constant 16 : i32
      %mul3A_467 = arith.muli %scan3A_379, %mul3A_466 : i32
      %get3A_468 = arith.constant 14 : i32
      %get3A_469 = arith.index_cast %get3A_468 : i32 to index
      %get3A_470 = arith.index_cast %mul3A_467 : i32 to index
      %get3A_471 = tpu.vector_load %arg5[%get3A_469, %get3A_470] {strides = array<i32>} : memref<16x1920xf32, #tpu.memory_space<vmem>>, vector<16xf32>,
      %mul3A_472 = arith.constant 16 : i32
      %mul3A_473 = arith.muli %scan3A_379, %mul3A_472 : i32
      %get3A_474 = arith.constant 15 : i32
      %get3A_475 = arith.index_cast %get3A_474 : i32 to index
      %get3A_476 = arith.index_cast %mul3A_473 : i32 to index
      %get3A_477 = tpu.vector_load %arg5[%get3A_475, %get3A_476] {strides = array<i32>} : memref<16x1920xf32, #tpu.memory_space<vmem>>, vector<16xf32>,
      %scatter3A_478 = tpu.memref_slice %arg7[%mul3A_381] : memref<30720xf32, #tpu.memory_space<vmem>> -> memref<256xf32, #tpu.memory_space<vmem>>
      tpu.vector_store_idx %scatter3A_478[%add3A_157], %get3A_387 : memref<256xf32, #tpu.memory_space<vmem>>[vector<16xi32>], vector<16xf32>,
      %scatter3A_479 = tpu.memref_slice %arg7[%mul3A_381] : memref<30720xf32, #tpu.memory_space<vmem>> -> memref<256xf32, #tpu.memory_space<vmem>>
      tpu.vector_store_idx %scatter3A_479[%add3A_163], %get3A_393 : memref<256xf32, #tpu.memory_space<vmem>>[vector<16xi32>], vector<16xf32>,
      %scatter3A_480 = tpu.memref_slice %arg7[%mul3A_381] : memref<30720xf32, #tpu.memory_space<vmem>> -> memref<256xf32, #tpu.memory_space<vmem>>
      tpu.vector_store_idx %scatter3A_480[%add3A_169], %get3A_399 : memref<256xf32, #tpu.memory_space<vmem>>[vector<16xi32>], vector<16xf32>,
      %scatter3A_481 = tpu.memref_slice %arg7[%mul3A_381] : memref<30720xf32, #tpu.memory_space<vmem>> -> memref<256xf32, #tpu.memory_space<vmem>>
      tpu.vector_store_idx %scatter3A_481[%add3A_175], %get3A_405 : memref<256xf32, #tpu.memory_space<vmem>>[vector<16xi32>], vector<16xf32>,
      %scatter3A_482 = tpu.memref_slice %arg7[%mul3A_381] : memref<30720xf32, #tpu.memory_space<vmem>> -> memref<256xf32, #tpu.memory_space<vmem>>
      tpu.vector_store_idx %scatter3A_482[%add3A_181], %get3A_411 : memref<256xf32, #tpu.memory_space<vmem>>[vector<16xi32>], vector<16xf32>,
      %scatter3A_483 = tpu.memref_slice %arg7[%mul3A_381] : memref<30720xf32, #tpu.memory_space<vmem>> -> memref<256xf32, #tpu.memory_space<vmem>>
      tpu.vector_store_idx %scatter3A_483[%add3A_187], %get3A_417 : memref<256xf32, #tpu.memory_space<vmem>>[vector<16xi32>], vector<16xf32>,
      %scatter3A_484 = tpu.memref_slice %arg7[%mul3A_381] : memref<30720xf32, #tpu.memory_space<vmem>> -> memref<256xf32, #tpu.memory_space<vmem>>
      tpu.vector_store_idx %scatter3A_484[%add3A_193], %get3A_423 : memref<256xf32, #tpu.memory_space<vmem>>[vector<16xi32>], vector<16xf32>,
      %scatter3A_485 = tpu.memref_slice %arg7[%mul3A_381] : memref<30720xf32, #tpu.memory_space<vmem>> -> memref<256xf32, #tpu.memory_space<vmem>>
      tpu.vector_store_idx %scatter3A_485[%add3A_199], %get3A_429 : memref<256xf32, #tpu.memory_space<vmem>>[vector<16xi32>], vector<16xf32>,
      %scatter3A_486 = tpu.memref_slice %arg7[%mul3A_381] : memref<30720xf32, #tpu.memory_space<vmem>> -> memref<256xf32, #tpu.memory_space<vmem>>
      tpu.vector_store_idx %scatter3A_486[%add3A_205], %get3A_435 : memref<256xf32, #tpu.memory_space<vmem>>[vector<16xi32>], vector<16xf32>,
      %scatter3A_487 = tpu.memref_slice %arg7[%mul3A_381] : memref<30720xf32, #tpu.memory_space<vmem>> -> memref<256xf32, #tpu.memory_space<vmem>>
      tpu.vector_store_idx %scatter3A_487[%add3A_211], %get3A_441 : memref<256xf32, #tpu.memory_space<vmem>>[vector<16xi32>], vector<16xf32>,
      %scatter3A_488 = tpu.memref_slice %arg7[%mul3A_381] : memref<30720xf32, #tpu.memory_space<vmem>> -> memref<256xf32, #tpu.memory_space<vmem>>
      tpu.vector_store_idx %scatter3A_488[%add3A_217], %get3A_447 : memref<256xf32, #tpu.memory_space<vmem>>[vector<16xi32>], vector<16xf32>,
      %scatter3A_489 = tpu.memref_slice %arg7[%mul3A_381] : memref<30720xf32, #tpu.memory_space<vmem>> -> memref<256xf32, #tpu.memory_space<vmem>>
      tpu.vector_store_idx %scatter3A_489[%add3A_223], %get3A_453 : memref<256xf32, #tpu.memory_space<vmem>>[vector<16xi32>], vector<16xf32>,
      %scatter3A_490 = tpu.memref_slice %arg7[%mul3A_381] : memref<30720xf32, #tpu.memory_space<vmem>> -> memref<256xf32, #tpu.memory_space<vmem>>
      tpu.vector_store_idx %scatter3A_490[%add3A_229], %get3A_459 : memref<256xf32, #tpu.memory_space<vmem>>[vector<16xi32>], vector<16xf32>,
      %scatter3A_491 = tpu.memref_slice %arg7[%mul3A_381] : memref<30720xf32, #tpu.memory_space<vmem>> -> memref<256xf32, #tpu.memory_space<vmem>>
      tpu.vector_store_idx %scatter3A_491[%add3A_235], %get3A_465 : memref<256xf32, #tpu.memory_space<vmem>>[vector<16xi32>], vector<16xf32>,
      %scatter3A_492 = tpu.memref_slice %arg7[%mul3A_381] : memref<30720xf32, #tpu.memory_space<vmem>> -> memref<256xf32, #tpu.memory_space<vmem>>
      tpu.vector_store_idx %scatter3A_492[%add3A_241], %get3A_471 : memref<256xf32, #tpu.memory_space<vmem>>[vector<16xi32>], vector<16xf32>,
      %scatter3A_493 = tpu.memref_slice %arg7[%mul3A_381] : memref<30720xf32, #tpu.memory_space<vmem>> -> memref<256xf32, #tpu.memory_space<vmem>>
      tpu.vector_store_idx %scatter3A_493[%add3A_247], %get3A_477 : memref<256xf32, #tpu.memory_space<vmem>>[vector<16xi32>], vector<16xf32>,
      %scan3A_494 = arith.constant 0 : i32
      scf.yield %scan3A_494 : i32
    }
    %scan3A_254 = arith.constant 8 : i32
    %mul3A_255 = arith.constant 16 : i32
    %mul3A_256 = arith.muli %add3A_151, %mul3A_255 : i32
    "tpu.region"() ({
      %run_scoped3A = tpu.sem_alloc : memref<!tpu.dma_semaphore, #tpu.memory_space<semaphore_mem>>
      %dma_start3A_263 = arith.constant 0 : i32
      %dma_start3A_264 = tpu.memref_slice %arg7[%dma_start3A_263] : memref<30720xf32, #tpu.memory_space<vmem>> -> memref<2048xf32, #tpu.memory_space<vmem>>
      %dma_start3A_265 = tpu.memref_slice %arg4[%mul3A_256] : memref<64000000xf32, #tpu.memory_space<hbm>> -> memref<2048xf32, #tpu.memory_space<hbm>>
      %dma_start3A_266 = tpu.memref_slice %arg4[%mul3A_256] : memref<64000000xf32, #tpu.memory_space<hbm>> -> memref<2048xf32, #tpu.memory_space<hbm>>
      %dma_start3A_267 = arith.constant 0 : i32
      %dma_start3A_268 = tpu.memref_slice %arg7[%dma_start3A_267] : memref<30720xf32, #tpu.memory_space<vmem>> -> memref<2048xf32, #tpu.memory_space<vmem>>
      tpu.enqueue_dma source(%dma_start3A_268 : memref<2048xf32, #tpu.memory_space<vmem>>) target(%dma_start3A_266 : memref<2048xf32, #tpu.memory_space<hbm>>) target_semaphore(%run_scoped3A : memref<!tpu.dma_semaphore, #tpu.memory_space<semaphore_mem>>)
      %dma_wait3A_269 = arith.constant 0 : i32
      %dma_wait3A_270 = tpu.memref_slice %arg7[%dma_wait3A_269] : memref<30720xf32, #tpu.memory_space<vmem>> -> memref<2048xf32, #tpu.memory_space<vmem>>
      %dma_wait3A_271 = tpu.memref_slice %arg4[%mul3A_256] : memref<64000000xf32, #tpu.memory_space<hbm>> -> memref<2048xf32, #tpu.memory_space<hbm>>
      %dma_wait3A_272 = tpu.memref_slice %arg4[%mul3A_256] : memref<64000000xf32, #tpu.memory_space<hbm>> -> memref<2048xf32, #tpu.memory_space<hbm>>
      %dma_wait3A_273 = arith.constant 0 : i32
      %dma_wait3A_274 = tpu.memref_slice %arg7[%dma_wait3A_273] : memref<30720xf32, #tpu.memory_space<vmem>> -> memref<2048xf32, #tpu.memory_space<vmem>>
      tpu.wait_dma2 semaphore(%run_scoped3A : memref<!tpu.dma_semaphore, #tpu.memory_space<semaphore_mem>>) src(%dma_wait3A_274 : memref<2048xf32, #tpu.memory_space<vmem>>) dst(%dma_wait3A_272 : memref<2048xf32, #tpu.memory_space<hbm>>)
      tpu.yield
    }) : () -> ()
    %lt3A = arith.constant 17 : i32
    %lt3A_257 = arith.cmpi slt, %add3A, %lt3A : i32
    %convert_element_type3A = arith.extui %lt3A_257 : i1 to i32
    %cond3A = arith.constant 0 : i32
    %cond3A_258 = arith.cmpi ne, %convert_element_type3A, %cond3A : i32
    scf.if %cond3A_258 {
      %add3A_263 = arith.constant 32 : i32
      %add3A_264 = arith.addi %add3A_263, %add3A : i32
      %mul3A_265 = arith.constant 128 : i32
      %mul3A_266 = arith.muli %add3A_264, %mul3A_265 : i32
      %add3A_267 = arith.constant 3993600 : i32
      %add3A_268 = arith.addi %add3A_267, %mul3A_266 : i32
      "tpu.region"() ({
        %run_scoped3A = tpu.sem_alloc : memref<!tpu.dma_semaphore, #tpu.memory_space<semaphore_mem>>
        %dma_start3A_374 = arith.constant 0 : i32
        %dma_start3A_375 = arith.constant 0 : i32
        %dma_start3A_376 = tpu.memref_slice %arg5[%dma_start3A_374, %dma_start3A_375] : memref<16x1920xf32, #tpu.memory_space<vmem>> -> memref<16x128xf32, #tpu.memory_space<vmem>>
        %dma_start3A_377 = arith.constant 0 : i32
        %dma_start3A_378 = tpu.memref_slice %arg2[%dma_start3A_377, %add3A_268] : memref<16x3999882xf32, #tpu.memory_space<hbm>> -> memref<16x128xf32, #tpu.memory_space<hbm>>
        %dma_start3A_379 = arith.constant 0 : i32
        %dma_start3A_380 = arith.constant 0 : i32
        %dma_start3A_381 = tpu.memref_slice %arg5[%dma_start3A_379, %dma_start3A_380] : memref<16x1920xf32, #tpu.memory_space<vmem>> -> memref<16x128xf32, #tpu.memory_space<vmem>>
        %dma_start3A_382 = arith.constant 0 : i32
        %dma_start3A_383 = tpu.memref_slice %arg2[%dma_start3A_382, %add3A_268] : memref<16x3999882xf32, #tpu.memory_space<hbm>> -> memref<16x128xf32, #tpu.memory_space<hbm>>
        tpu.enqueue_dma source(%dma_start3A_383 : memref<16x128xf32, #tpu.memory_space<hbm>>) target(%dma_start3A_381 : memref<16x128xf32, #tpu.memory_space<vmem>>) target_semaphore(%run_scoped3A : memref<!tpu.dma_semaphore, #tpu.memory_space<semaphore_mem>>)
        %dma_wait3A_384 = arith.constant 0 : i32
        %dma_wait3A_385 = arith.constant 0 : i32
        %dma_wait3A_386 = tpu.memref_slice %arg5[%dma_wait3A_384, %dma_wait3A_385] : memref<16x1920xf32, #tpu.memory_space<vmem>> -> memref<16x128xf32, #tpu.memory_space<vmem>>
        %dma_wait3A_387 = arith.constant 0 : i32
        %dma_wait3A_388 = tpu.memref_slice %arg2[%dma_wait3A_387, %add3A_268] : memref<16x3999882xf32, #tpu.memory_space<hbm>> -> memref<16x128xf32, #tpu.memory_space<hbm>>
        %dma_wait3A_389 = arith.constant 0 : i32
        %dma_wait3A_390 = arith.constant 0 : i32
        %dma_wait3A_391 = tpu.memref_slice %arg5[%dma_wait3A_389, %dma_wait3A_390] : memref<16x1920xf32, #tpu.memory_space<vmem>> -> memref<16x128xf32, #tpu.memory_space<vmem>>
        %dma_wait3A_392 = arith.constant 0 : i32
        %dma_wait3A_393 = tpu.memref_slice %arg2[%dma_wait3A_392, %add3A_268] : memref<16x3999882xf32, #tpu.memory_space<hbm>> -> memref<16x128xf32, #tpu.memory_space<hbm>>
        tpu.wait_dma2 semaphore(%run_scoped3A : memref<!tpu.dma_semaphore, #tpu.memory_space<semaphore_mem>>) src(%dma_wait3A_393 : memref<16x128xf32, #tpu.memory_space<hbm>>) dst(%dma_wait3A_391 : memref<16x128xf32, #tpu.memory_space<vmem>>)
        tpu.yield
      }) : () -> ()
      %mul3A_269 = arith.constant 16 : i32
      %mul3A_270 = vector.broadcast %mul3A_269 : i32 to vector<16xi32>
      %mul3A_271 = arith.muli %iota3A, %mul3A_270 : vector<16xi32>
      %add3A_272 = arith.constant 0 : i32
      %add3A_273 = vector.broadcast %add3A_272 : i32 to vector<16xi32>
      %add3A_274 = arith.addi %mul3A_271, %add3A_273 : vector<16xi32>
      %mul3A_275 = arith.constant 16 : i32
      %mul3A_276 = vector.broadcast %mul3A_275 : i32 to vector<16xi32>
      %mul3A_277 = arith.muli %iota3A, %mul3A_276 : vector<16xi32>
      %add3A_278 = arith.constant 1 : i32
      %add3A_279 = vector.broadcast %add3A_278 : i32 to vector<16xi32>
      %add3A_280 = arith.addi %mul3A_277, %add3A_279 : vector<16xi32>
      %mul3A_281 = arith.constant 16 : i32
      %mul3A_282 = vector.broadcast %mul3A_281 : i32 to vector<16xi32>
      %mul3A_283 = arith.muli %iota3A, %mul3A_282 : vector<16xi32>
      %add3A_284 = arith.constant 2 : i32
      %add3A_285 = vector.broadcast %add3A_284 : i32 to vector<16xi32>
      %add3A_286 = arith.addi %mul3A_283, %add3A_285 : vector<16xi32>
      %mul3A_287 = arith.constant 16 : i32
      %mul3A_288 = vector.broadcast %mul3A_287 : i32 to vector<16xi32>
      %mul3A_289 = arith.muli %iota3A, %mul3A_288 : vector<16xi32>
      %add3A_290 = arith.constant 3 : i32
      %add3A_291 = vector.broadcast %add3A_290 : i32 to vector<16xi32>
      %add3A_292 = arith.addi %mul3A_289, %add3A_291 : vector<16xi32>
      %mul3A_293 = arith.constant 16 : i32
      %mul3A_294 = vector.broadcast %mul3A_293 : i32 to vector<16xi32>
      %mul3A_295 = arith.muli %iota3A, %mul3A_294 : vector<16xi32>
      %add3A_296 = arith.constant 4 : i32
      %add3A_297 = vector.broadcast %add3A_296 : i32 to vector<16xi32>
      %add3A_298 = arith.addi %mul3A_295, %add3A_297 : vector<16xi32>
      %mul3A_299 = arith.constant 16 : i32
      %mul3A_300 = vector.broadcast %mul3A_299 : i32 to vector<16xi32>
      %mul3A_301 = arith.muli %iota3A, %mul3A_300 : vector<16xi32>
      %add3A_302 = arith.constant 5 : i32
      %add3A_303 = vector.broadcast %add3A_302 : i32 to vector<16xi32>
      %add3A_304 = arith.addi %mul3A_301, %add3A_303 : vector<16xi32>
      %mul3A_305 = arith.constant 16 : i32
      %mul3A_306 = vector.broadcast %mul3A_305 : i32 to vector<16xi32>
      %mul3A_307 = arith.muli %iota3A, %mul3A_306 : vector<16xi32>
      %add3A_308 = arith.constant 6 : i32
      %add3A_309 = vector.broadcast %add3A_308 : i32 to vector<16xi32>
      %add3A_310 = arith.addi %mul3A_307, %add3A_309 : vector<16xi32>
      %mul3A_311 = arith.constant 16 : i32
      %mul3A_312 = vector.broadcast %mul3A_311 : i32 to vector<16xi32>
      %mul3A_313 = arith.muli %iota3A, %mul3A_312 : vector<16xi32>
      %add3A_314 = arith.constant 7 : i32
      %add3A_315 = vector.broadcast %add3A_314 : i32 to vector<16xi32>
      %add3A_316 = arith.addi %mul3A_313, %add3A_315 : vector<16xi32>
      %mul3A_317 = arith.constant 16 : i32
      %mul3A_318 = vector.broadcast %mul3A_317 : i32 to vector<16xi32>
      %mul3A_319 = arith.muli %iota3A, %mul3A_318 : vector<16xi32>
      %add3A_320 = arith.constant 8 : i32
      %add3A_321 = vector.broadcast %add3A_320 : i32 to vector<16xi32>
      %add3A_322 = arith.addi %mul3A_319, %add3A_321 : vector<16xi32>
      %mul3A_323 = arith.constant 16 : i32
      %mul3A_324 = vector.broadcast %mul3A_323 : i32 to vector<16xi32>
      %mul3A_325 = arith.muli %iota3A, %mul3A_324 : vector<16xi32>
      %add3A_326 = arith.constant 9 : i32
      %add3A_327 = vector.broadcast %add3A_326 : i32 to vector<16xi32>
      %add3A_328 = arith.addi %mul3A_325, %add3A_327 : vector<16xi32>
      %mul3A_329 = arith.constant 16 : i32
      %mul3A_330 = vector.broadcast %mul3A_329 : i32 to vector<16xi32>
      %mul3A_331 = arith.muli %iota3A, %mul3A_330 : vector<16xi32>
      %add3A_332 = arith.constant 10 : i32
      %add3A_333 = vector.broadcast %add3A_332 : i32 to vector<16xi32>
      %add3A_334 = arith.addi %mul3A_331, %add3A_333 : vector<16xi32>
      %mul3A_335 = arith.constant 16 : i32
      %mul3A_336 = vector.broadcast %mul3A_335 : i32 to vector<16xi32>
      %mul3A_337 = arith.muli %iota3A, %mul3A_336 : vector<16xi32>
      %add3A_338 = arith.constant 11 : i32
      %add3A_339 = vector.broadcast %add3A_338 : i32 to vector<16xi32>
      %add3A_340 = arith.addi %mul3A_337, %add3A_339 : vector<16xi32>
      %mul3A_341 = arith.constant 16 : i32
      %mul3A_342 = vector.broadcast %mul3A_341 : i32 to vector<16xi32>
      %mul3A_343 = arith.muli %iota3A, %mul3A_342 : vector<16xi32>
      %add3A_344 = arith.constant 12 : i32
      %add3A_345 = vector.broadcast %add3A_344 : i32 to vector<16xi32>
      %add3A_346 = arith.addi %mul3A_343, %add3A_345 : vector<16xi32>
      %mul3A_347 = arith.constant 16 : i32
      %mul3A_348 = vector.broadcast %mul3A_347 : i32 to vector<16xi32>
      %mul3A_349 = arith.muli %iota3A, %mul3A_348 : vector<16xi32>
      %add3A_350 = arith.constant 13 : i32
      %add3A_351 = vector.broadcast %add3A_350 : i32 to vector<16xi32>
      %add3A_352 = arith.addi %mul3A_349, %add3A_351 : vector<16xi32>
      %mul3A_353 = arith.constant 16 : i32
      %mul3A_354 = vector.broadcast %mul3A_353 : i32 to vector<16xi32>
      %mul3A_355 = arith.muli %iota3A, %mul3A_354 : vector<16xi32>
      %add3A_356 = arith.constant 14 : i32
      %add3A_357 = vector.broadcast %add3A_356 : i32 to vector<16xi32>
      %add3A_358 = arith.addi %mul3A_355, %add3A_357 : vector<16xi32>
      %mul3A_359 = arith.constant 16 : i32
      %mul3A_360 = vector.broadcast %mul3A_359 : i32 to vector<16xi32>
      %mul3A_361 = arith.muli %iota3A, %mul3A_360 : vector<16xi32>
      %add3A_362 = arith.constant 15 : i32
      %add3A_363 = vector.broadcast %add3A_362 : i32 to vector<16xi32>
      %add3A_364 = arith.addi %mul3A_361, %add3A_363 : vector<16xi32>
      %scan3A_365 = arith.constant 0 : i32
      %scan3A_366 = arith.constant 0 : i32
      %scan3A_367 = arith.constant 8 : i32
      %scan3A_368 = arith.addi %scan3A_366, %scan3A_367 : i32
      %scan3A_369 = arith.constant 2 : i32
      %scan3A_370 = scf.for %scan3A_374 = %scan3A_366 to %scan3A_368 step %scan3A_369 iter_args(%scan3A_375 = %scan3A_365) -> (i32)  : i32 {
        %mul3A_376 = arith.constant 256 : i32
        %mul3A_377 = arith.muli %scan3A_374, %mul3A_376 : i32
        %mul3A_378 = arith.constant 16 : i32
        %mul3A_379 = arith.muli %scan3A_374, %mul3A_378 : i32
        %get3A = arith.constant 0 : i32
        %get3A_380 = arith.index_cast %get3A : i32 to index
        %get3A_381 = arith.index_cast %mul3A_379 : i32 to index
        %get3A_382 = tpu.vector_load %arg5[%get3A_380, %get3A_381] {strides = array<i32>} : memref<16x1920xf32, #tpu.memory_space<vmem>>, vector<16xf32>,
        %mul3A_383 = arith.constant 16 : i32
        %mul3A_384 = arith.muli %scan3A_374, %mul3A_383 : i32
        %get3A_385 = arith.constant 1 : i32
        %get3A_386 = arith.index_cast %get3A_385 : i32 to index
        %get3A_387 = arith.index_cast %mul3A_384 : i32 to index
        %get3A_388 = tpu.vector_load %arg5[%get3A_386, %get3A_387] {strides = array<i32>} : memref<16x1920xf32, #tpu.memory_space<vmem>>, vector<16xf32>,
        %mul3A_389 = arith.constant 16 : i32
        %mul3A_390 = arith.muli %scan3A_374, %mul3A_389 : i32
        %get3A_391 = arith.constant 2 : i32
        %get3A_392 = arith.index_cast %get3A_391 : i32 to index
        %get3A_393 = arith.index_cast %mul3A_390 : i32 to index
        %get3A_394 = tpu.vector_load %arg5[%get3A_392, %get3A_393] {strides = array<i32>} : memref<16x1920xf32, #tpu.memory_space<vmem>>, vector<16xf32>,
        %mul3A_395 = arith.constant 16 : i32
        %mul3A_396 = arith.muli %scan3A_374, %mul3A_395 : i32
        %get3A_397 = arith.constant 3 : i32
        %get3A_398 = arith.index_cast %get3A_397 : i32 to index
        %get3A_399 = arith.index_cast %mul3A_396 : i32 to index
        %get3A_400 = tpu.vector_load %arg5[%get3A_398, %get3A_399] {strides = array<i32>} : memref<16x1920xf32, #tpu.memory_space<vmem>>, vector<16xf32>,
        %mul3A_401 = arith.constant 16 : i32
        %mul3A_402 = arith.muli %scan3A_374, %mul3A_401 : i32
        %get3A_403 = arith.constant 4 : i32
        %get3A_404 = arith.index_cast %get3A_403 : i32 to index
        %get3A_405 = arith.index_cast %mul3A_402 : i32 to index
        %get3A_406 = tpu.vector_load %arg5[%get3A_404, %get3A_405] {strides = array<i32>} : memref<16x1920xf32, #tpu.memory_space<vmem>>, vector<16xf32>,
        %mul3A_407 = arith.constant 16 : i32
        %mul3A_408 = arith.muli %scan3A_374, %mul3A_407 : i32
        %get3A_409 = arith.constant 5 : i32
        %get3A_410 = arith.index_cast %get3A_409 : i32 to index
        %get3A_411 = arith.index_cast %mul3A_408 : i32 to index
        %get3A_412 = tpu.vector_load %arg5[%get3A_410, %get3A_411] {strides = array<i32>} : memref<16x1920xf32, #tpu.memory_space<vmem>>, vector<16xf32>,
        %mul3A_413 = arith.constant 16 : i32
        %mul3A_414 = arith.muli %scan3A_374, %mul3A_413 : i32
        %get3A_415 = arith.constant 6 : i32
        %get3A_416 = arith.index_cast %get3A_415 : i32 to index
        %get3A_417 = arith.index_cast %mul3A_414 : i32 to index
        %get3A_418 = tpu.vector_load %arg5[%get3A_416, %get3A_417] {strides = array<i32>} : memref<16x1920xf32, #tpu.memory_space<vmem>>, vector<16xf32>,
        %mul3A_419 = arith.constant 16 : i32
        %mul3A_420 = arith.muli %scan3A_374, %mul3A_419 : i32
        %get3A_421 = arith.constant 7 : i32
        %get3A_422 = arith.index_cast %get3A_421 : i32 to index
        %get3A_423 = arith.index_cast %mul3A_420 : i32 to index
        %get3A_424 = tpu.vector_load %arg5[%get3A_422, %get3A_423] {strides = array<i32>} : memref<16x1920xf32, #tpu.memory_space<vmem>>, vector<16xf32>,
        %mul3A_425 = arith.constant 16 : i32
        %mul3A_426 = arith.muli %scan3A_374, %mul3A_425 : i32
        %get3A_427 = arith.constant 8 : i32
        %get3A_428 = arith.index_cast %get3A_427 : i32 to index
        %get3A_429 = arith.index_cast %mul3A_426 : i32 to index
        %get3A_430 = tpu.vector_load %arg5[%get3A_428, %get3A_429] {strides = array<i32>} : memref<16x1920xf32, #tpu.memory_space<vmem>>, vector<16xf32>,
        %mul3A_431 = arith.constant 16 : i32
        %mul3A_432 = arith.muli %scan3A_374, %mul3A_431 : i32
        %get3A_433 = arith.constant 9 : i32
        %get3A_434 = arith.index_cast %get3A_433 : i32 to index
        %get3A_435 = arith.index_cast %mul3A_432 : i32 to index
        %get3A_436 = tpu.vector_load %arg5[%get3A_434, %get3A_435] {strides = array<i32>} : memref<16x1920xf32, #tpu.memory_space<vmem>>, vector<16xf32>,
        %mul3A_437 = arith.constant 16 : i32
        %mul3A_438 = arith.muli %scan3A_374, %mul3A_437 : i32
        %get3A_439 = arith.constant 10 : i32
        %get3A_440 = arith.index_cast %get3A_439 : i32 to index
        %get3A_441 = arith.index_cast %mul3A_438 : i32 to index
        %get3A_442 = tpu.vector_load %arg5[%get3A_440, %get3A_441] {strides = array<i32>} : memref<16x1920xf32, #tpu.memory_space<vmem>>, vector<16xf32>,
        %mul3A_443 = arith.constant 16 : i32
        %mul3A_444 = arith.muli %scan3A_374, %mul3A_443 : i32
        %get3A_445 = arith.constant 11 : i32
        %get3A_446 = arith.index_cast %get3A_445 : i32 to index
        %get3A_447 = arith.index_cast %mul3A_444 : i32 to index
        %get3A_448 = tpu.vector_load %arg5[%get3A_446, %get3A_447] {strides = array<i32>} : memref<16x1920xf32, #tpu.memory_space<vmem>>, vector<16xf32>,
        %mul3A_449 = arith.constant 16 : i32
        %mul3A_450 = arith.muli %scan3A_374, %mul3A_449 : i32
        %get3A_451 = arith.constant 12 : i32
        %get3A_452 = arith.index_cast %get3A_451 : i32 to index
        %get3A_453 = arith.index_cast %mul3A_450 : i32 to index
        %get3A_454 = tpu.vector_load %arg5[%get3A_452, %get3A_453] {strides = array<i32>} : memref<16x1920xf32, #tpu.memory_space<vmem>>, vector<16xf32>,
        %mul3A_455 = arith.constant 16 : i32
        %mul3A_456 = arith.muli %scan3A_374, %mul3A_455 : i32
        %get3A_457 = arith.constant 13 : i32
        %get3A_458 = arith.index_cast %get3A_457 : i32 to index
        %get3A_459 = arith.index_cast %mul3A_456 : i32 to index
        %get3A_460 = tpu.vector_load %arg5[%get3A_458, %get3A_459] {strides = array<i32>} : memref<16x1920xf32, #tpu.memory_space<vmem>>, vector<16xf32>,
        %mul3A_461 = arith.constant 16 : i32
        %mul3A_462 = arith.muli %scan3A_374, %mul3A_461 : i32
        %get3A_463 = arith.constant 14 : i32
        %get3A_464 = arith.index_cast %get3A_463 : i32 to index
        %get3A_465 = arith.index_cast %mul3A_462 : i32 to index
        %get3A_466 = tpu.vector_load %arg5[%get3A_464, %get3A_465] {strides = array<i32>} : memref<16x1920xf32, #tpu.memory_space<vmem>>, vector<16xf32>,
        %mul3A_467 = arith.constant 16 : i32
        %mul3A_468 = arith.muli %scan3A_374, %mul3A_467 : i32
        %get3A_469 = arith.constant 15 : i32
        %get3A_470 = arith.index_cast %get3A_469 : i32 to index
        %get3A_471 = arith.index_cast %mul3A_468 : i32 to index
        %get3A_472 = tpu.vector_load %arg5[%get3A_470, %get3A_471] {strides = array<i32>} : memref<16x1920xf32, #tpu.memory_space<vmem>>, vector<16xf32>,
        %scatter3A = tpu.memref_slice %arg7[%mul3A_377] : memref<30720xf32, #tpu.memory_space<vmem>> -> memref<256xf32, #tpu.memory_space<vmem>>
        tpu.vector_store_idx %scatter3A[%add3A_274], %get3A_382 : memref<256xf32, #tpu.memory_space<vmem>>[vector<16xi32>], vector<16xf32>,
        %scatter3A_473 = tpu.memref_slice %arg7[%mul3A_377] : memref<30720xf32, #tpu.memory_space<vmem>> -> memref<256xf32, #tpu.memory_space<vmem>>
        tpu.vector_store_idx %scatter3A_473[%add3A_280], %get3A_388 : memref<256xf32, #tpu.memory_space<vmem>>[vector<16xi32>], vector<16xf32>,
        %scatter3A_474 = tpu.memref_slice %arg7[%mul3A_377] : memref<30720xf32, #tpu.memory_space<vmem>> -> memref<256xf32, #tpu.memory_space<vmem>>
        tpu.vector_store_idx %scatter3A_474[%add3A_286], %get3A_394 : memref<256xf32, #tpu.memory_space<vmem>>[vector<16xi32>], vector<16xf32>,
        %scatter3A_475 = tpu.memref_slice %arg7[%mul3A_377] : memref<30720xf32, #tpu.memory_space<vmem>> -> memref<256xf32, #tpu.memory_space<vmem>>
        tpu.vector_store_idx %scatter3A_475[%add3A_292], %get3A_400 : memref<256xf32, #tpu.memory_space<vmem>>[vector<16xi32>], vector<16xf32>,
        %scatter3A_476 = tpu.memref_slice %arg7[%mul3A_377] : memref<30720xf32, #tpu.memory_space<vmem>> -> memref<256xf32, #tpu.memory_space<vmem>>
        tpu.vector_store_idx %scatter3A_476[%add3A_298], %get3A_406 : memref<256xf32, #tpu.memory_space<vmem>>[vector<16xi32>], vector<16xf32>,
        %scatter3A_477 = tpu.memref_slice %arg7[%mul3A_377] : memref<30720xf32, #tpu.memory_space<vmem>> -> memref<256xf32, #tpu.memory_space<vmem>>
        tpu.vector_store_idx %scatter3A_477[%add3A_304], %get3A_412 : memref<256xf32, #tpu.memory_space<vmem>>[vector<16xi32>], vector<16xf32>,
        %scatter3A_478 = tpu.memref_slice %arg7[%mul3A_377] : memref<30720xf32, #tpu.memory_space<vmem>> -> memref<256xf32, #tpu.memory_space<vmem>>
        tpu.vector_store_idx %scatter3A_478[%add3A_310], %get3A_418 : memref<256xf32, #tpu.memory_space<vmem>>[vector<16xi32>], vector<16xf32>,
        %scatter3A_479 = tpu.memref_slice %arg7[%mul3A_377] : memref<30720xf32, #tpu.memory_space<vmem>> -> memref<256xf32, #tpu.memory_space<vmem>>
        tpu.vector_store_idx %scatter3A_479[%add3A_316], %get3A_424 : memref<256xf32, #tpu.memory_space<vmem>>[vector<16xi32>], vector<16xf32>,
        %scatter3A_480 = tpu.memref_slice %arg7[%mul3A_377] : memref<30720xf32, #tpu.memory_space<vmem>> -> memref<256xf32, #tpu.memory_space<vmem>>
        tpu.vector_store_idx %scatter3A_480[%add3A_322], %get3A_430 : memref<256xf32, #tpu.memory_space<vmem>>[vector<16xi32>], vector<16xf32>,
        %scatter3A_481 = tpu.memref_slice %arg7[%mul3A_377] : memref<30720xf32, #tpu.memory_space<vmem>> -> memref<256xf32, #tpu.memory_space<vmem>>
        tpu.vector_store_idx %scatter3A_481[%add3A_328], %get3A_436 : memref<256xf32, #tpu.memory_space<vmem>>[vector<16xi32>], vector<16xf32>,
        %scatter3A_482 = tpu.memref_slice %arg7[%mul3A_377] : memref<30720xf32, #tpu.memory_space<vmem>> -> memref<256xf32, #tpu.memory_space<vmem>>
        tpu.vector_store_idx %scatter3A_482[%add3A_334], %get3A_442 : memref<256xf32, #tpu.memory_space<vmem>>[vector<16xi32>], vector<16xf32>,
        %scatter3A_483 = tpu.memref_slice %arg7[%mul3A_377] : memref<30720xf32, #tpu.memory_space<vmem>> -> memref<256xf32, #tpu.memory_space<vmem>>
        tpu.vector_store_idx %scatter3A_483[%add3A_340], %get3A_448 : memref<256xf32, #tpu.memory_space<vmem>>[vector<16xi32>], vector<16xf32>,
        %scatter3A_484 = tpu.memref_slice %arg7[%mul3A_377] : memref<30720xf32, #tpu.memory_space<vmem>> -> memref<256xf32, #tpu.memory_space<vmem>>
        tpu.vector_store_idx %scatter3A_484[%add3A_346], %get3A_454 : memref<256xf32, #tpu.memory_space<vmem>>[vector<16xi32>], vector<16xf32>,
        %scatter3A_485 = tpu.memref_slice %arg7[%mul3A_377] : memref<30720xf32, #tpu.memory_space<vmem>> -> memref<256xf32, #tpu.memory_space<vmem>>
        tpu.vector_store_idx %scatter3A_485[%add3A_352], %get3A_460 : memref<256xf32, #tpu.memory_space<vmem>>[vector<16xi32>], vector<16xf32>,
        %scatter3A_486 = tpu.memref_slice %arg7[%mul3A_377] : memref<30720xf32, #tpu.memory_space<vmem>> -> memref<256xf32, #tpu.memory_space<vmem>>
        tpu.vector_store_idx %scatter3A_486[%add3A_358], %get3A_466 : memref<256xf32, #tpu.memory_space<vmem>>[vector<16xi32>], vector<16xf32>,
        %scatter3A_487 = tpu.memref_slice %arg7[%mul3A_377] : memref<30720xf32, #tpu.memory_space<vmem>> -> memref<256xf32, #tpu.memory_space<vmem>>
        tpu.vector_store_idx %scatter3A_487[%add3A_364], %get3A_472 : memref<256xf32, #tpu.memory_space<vmem>>[vector<16xi32>], vector<16xf32>,
        %scan3A_488 = arith.constant 0 : i32
        %scan3A_489 = arith.constant 1 : i32
        %scan3A_490 = arith.addi %scan3A_374, %scan3A_489 : i32
        %mul3A_491 = arith.constant 256 : i32
        %mul3A_492 = arith.muli %scan3A_490, %mul3A_491 : i32
        %mul3A_493 = arith.constant 16 : i32
        %mul3A_494 = arith.muli %scan3A_490, %mul3A_493 : i32
        %get3A_495 = arith.constant 0 : i32
        %get3A_496 = arith.index_cast %get3A_495 : i32 to index
        %get3A_497 = arith.index_cast %mul3A_494 : i32 to index
        %get3A_498 = tpu.vector_load %arg5[%get3A_496, %get3A_497] {strides = array<i32>} : memref<16x1920xf32, #tpu.memory_space<vmem>>, vector<16xf32>,
        %mul3A_499 = arith.constant 16 : i32
        %mul3A_500 = arith.muli %scan3A_490, %mul3A_499 : i32
        %get3A_501 = arith.constant 1 : i32
        %get3A_502 = arith.index_cast %get3A_501 : i32 to index
        %get3A_503 = arith.index_cast %mul3A_500 : i32 to index
        %get3A_504 = tpu.vector_load %arg5[%get3A_502, %get3A_503] {strides = array<i32>} : memref<16x1920xf32, #tpu.memory_space<vmem>>, vector<16xf32>,
        %mul3A_505 = arith.constant 16 : i32
        %mul3A_506 = arith.muli %scan3A_490, %mul3A_505 : i32
        %get3A_507 = arith.constant 2 : i32
        %get3A_508 = arith.index_cast %get3A_507 : i32 to index
        %get3A_509 = arith.index_cast %mul3A_506 : i32 to index
        %get3A_510 = tpu.vector_load %arg5[%get3A_508, %get3A_509] {strides = array<i32>} : memref<16x1920xf32, #tpu.memory_space<vmem>>, vector<16xf32>,
        %mul3A_511 = arith.constant 16 : i32
        %mul3A_512 = arith.muli %scan3A_490, %mul3A_511 : i32
        %get3A_513 = arith.constant 3 : i32
        %get3A_514 = arith.index_cast %get3A_513 : i32 to index
        %get3A_515 = arith.index_cast %mul3A_512 : i32 to index
        %get3A_516 = tpu.vector_load %arg5[%get3A_514, %get3A_515] {strides = array<i32>} : memref<16x1920xf32, #tpu.memory_space<vmem>>, vector<16xf32>,
        %mul3A_517 = arith.constant 16 : i32
        %mul3A_518 = arith.muli %scan3A_490, %mul3A_517 : i32
        %get3A_519 = arith.constant 4 : i32
        %get3A_520 = arith.index_cast %get3A_519 : i32 to index
        %get3A_521 = arith.index_cast %mul3A_518 : i32 to index
        %get3A_522 = tpu.vector_load %arg5[%get3A_520, %get3A_521] {strides = array<i32>} : memref<16x1920xf32, #tpu.memory_space<vmem>>, vector<16xf32>,
        %mul3A_523 = arith.constant 16 : i32
        %mul3A_524 = arith.muli %scan3A_490, %mul3A_523 : i32
        %get3A_525 = arith.constant 5 : i32
        %get3A_526 = arith.index_cast %get3A_525 : i32 to index
        %get3A_527 = arith.index_cast %mul3A_524 : i32 to index
        %get3A_528 = tpu.vector_load %arg5[%get3A_526, %get3A_527] {strides = array<i32>} : memref<16x1920xf32, #tpu.memory_space<vmem>>, vector<16xf32>,
        %mul3A_529 = arith.constant 16 : i32
        %mul3A_530 = arith.muli %scan3A_490, %mul3A_529 : i32
        %get3A_531 = arith.constant 6 : i32
        %get3A_532 = arith.index_cast %get3A_531 : i32 to index
        %get3A_533 = arith.index_cast %mul3A_530 : i32 to index
        %get3A_534 = tpu.vector_load %arg5[%get3A_532, %get3A_533] {strides = array<i32>} : memref<16x1920xf32, #tpu.memory_space<vmem>>, vector<16xf32>,
        %mul3A_535 = arith.constant 16 : i32
        %mul3A_536 = arith.muli %scan3A_490, %mul3A_535 : i32
        %get3A_537 = arith.constant 7 : i32
        %get3A_538 = arith.index_cast %get3A_537 : i32 to index
        %get3A_539 = arith.index_cast %mul3A_536 : i32 to index
        %get3A_540 = tpu.vector_load %arg5[%get3A_538, %get3A_539] {strides = array<i32>} : memref<16x1920xf32, #tpu.memory_space<vmem>>, vector<16xf32>,
        %mul3A_541 = arith.constant 16 : i32
        %mul3A_542 = arith.muli %scan3A_490, %mul3A_541 : i32
        %get3A_543 = arith.constant 8 : i32
        %get3A_544 = arith.index_cast %get3A_543 : i32 to index
        %get3A_545 = arith.index_cast %mul3A_542 : i32 to index
        %get3A_546 = tpu.vector_load %arg5[%get3A_544, %get3A_545] {strides = array<i32>} : memref<16x1920xf32, #tpu.memory_space<vmem>>, vector<16xf32>,
        %mul3A_547 = arith.constant 16 : i32
        %mul3A_548 = arith.muli %scan3A_490, %mul3A_547 : i32
        %get3A_549 = arith.constant 9 : i32
        %get3A_550 = arith.index_cast %get3A_549 : i32 to index
        %get3A_551 = arith.index_cast %mul3A_548 : i32 to index
        %get3A_552 = tpu.vector_load %arg5[%get3A_550, %get3A_551] {strides = array<i32>} : memref<16x1920xf32, #tpu.memory_space<vmem>>, vector<16xf32>,
        %mul3A_553 = arith.constant 16 : i32
        %mul3A_554 = arith.muli %scan3A_490, %mul3A_553 : i32
        %get3A_555 = arith.constant 10 : i32
        %get3A_556 = arith.index_cast %get3A_555 : i32 to index
        %get3A_557 = arith.index_cast %mul3A_554 : i32 to index
        %get3A_558 = tpu.vector_load %arg5[%get3A_556, %get3A_557] {strides = array<i32>} : memref<16x1920xf32, #tpu.memory_space<vmem>>, vector<16xf32>,
        %mul3A_559 = arith.constant 16 : i32
        %mul3A_560 = arith.muli %scan3A_490, %mul3A_559 : i32
        %get3A_561 = arith.constant 11 : i32
        %get3A_562 = arith.index_cast %get3A_561 : i32 to index
        %get3A_563 = arith.index_cast %mul3A_560 : i32 to index
        %get3A_564 = tpu.vector_load %arg5[%get3A_562, %get3A_563] {strides = array<i32>} : memref<16x1920xf32, #tpu.memory_space<vmem>>, vector<16xf32>,
        %mul3A_565 = arith.constant 16 : i32
        %mul3A_566 = arith.muli %scan3A_490, %mul3A_565 : i32
        %get3A_567 = arith.constant 12 : i32
        %get3A_568 = arith.index_cast %get3A_567 : i32 to index
        %get3A_569 = arith.index_cast %mul3A_566 : i32 to index
        %get3A_570 = tpu.vector_load %arg5[%get3A_568, %get3A_569] {strides = array<i32>} : memref<16x1920xf32, #tpu.memory_space<vmem>>, vector<16xf32>,
        %mul3A_571 = arith.constant 16 : i32
        %mul3A_572 = arith.muli %scan3A_490, %mul3A_571 : i32
        %get3A_573 = arith.constant 13 : i32
        %get3A_574 = arith.index_cast %get3A_573 : i32 to index
        %get3A_575 = arith.index_cast %mul3A_572 : i32 to index
        %get3A_576 = tpu.vector_load %arg5[%get3A_574, %get3A_575] {strides = array<i32>} : memref<16x1920xf32, #tpu.memory_space<vmem>>, vector<16xf32>,
        %mul3A_577 = arith.constant 16 : i32
        %mul3A_578 = arith.muli %scan3A_490, %mul3A_577 : i32
        %get3A_579 = arith.constant 14 : i32
        %get3A_580 = arith.index_cast %get3A_579 : i32 to index
        %get3A_581 = arith.index_cast %mul3A_578 : i32 to index
        %get3A_582 = tpu.vector_load %arg5[%get3A_580, %get3A_581] {strides = array<i32>} : memref<16x1920xf32, #tpu.memory_space<vmem>>, vector<16xf32>,
        %mul3A_583 = arith.constant 16 : i32
        %mul3A_584 = arith.muli %scan3A_490, %mul3A_583 : i32
        %get3A_585 = arith.constant 15 : i32
        %get3A_586 = arith.index_cast %get3A_585 : i32 to index
        %get3A_587 = arith.index_cast %mul3A_584 : i32 to index
        %get3A_588 = tpu.vector_load %arg5[%get3A_586, %get3A_587] {strides = array<i32>} : memref<16x1920xf32, #tpu.memory_space<vmem>>, vector<16xf32>,
        %scatter3A_589 = tpu.memref_slice %arg7[%mul3A_492] : memref<30720xf32, #tpu.memory_space<vmem>> -> memref<256xf32, #tpu.memory_space<vmem>>
        tpu.vector_store_idx %scatter3A_589[%add3A_274], %get3A_498 : memref<256xf32, #tpu.memory_space<vmem>>[vector<16xi32>], vector<16xf32>,
        %scatter3A_590 = tpu.memref_slice %arg7[%mul3A_492] : memref<30720xf32, #tpu.memory_space<vmem>> -> memref<256xf32, #tpu.memory_space<vmem>>
        tpu.vector_store_idx %scatter3A_590[%add3A_280], %get3A_504 : memref<256xf32, #tpu.memory_space<vmem>>[vector<16xi32>], vector<16xf32>,
        %scatter3A_591 = tpu.memref_slice %arg7[%mul3A_492] : memref<30720xf32, #tpu.memory_space<vmem>> -> memref<256xf32, #tpu.memory_space<vmem>>
        tpu.vector_store_idx %scatter3A_591[%add3A_286], %get3A_510 : memref<256xf32, #tpu.memory_space<vmem>>[vector<16xi32>], vector<16xf32>,
        %scatter3A_592 = tpu.memref_slice %arg7[%mul3A_492] : memref<30720xf32, #tpu.memory_space<vmem>> -> memref<256xf32, #tpu.memory_space<vmem>>
        tpu.vector_store_idx %scatter3A_592[%add3A_292], %get3A_516 : memref<256xf32, #tpu.memory_space<vmem>>[vector<16xi32>], vector<16xf32>,
        %scatter3A_593 = tpu.memref_slice %arg7[%mul3A_492] : memref<30720xf32, #tpu.memory_space<vmem>> -> memref<256xf32, #tpu.memory_space<vmem>>
        tpu.vector_store_idx %scatter3A_593[%add3A_298], %get3A_522 : memref<256xf32, #tpu.memory_space<vmem>>[vector<16xi32>], vector<16xf32>,
        %scatter3A_594 = tpu.memref_slice %arg7[%mul3A_492] : memref<30720xf32, #tpu.memory_space<vmem>> -> memref<256xf32, #tpu.memory_space<vmem>>
        tpu.vector_store_idx %scatter3A_594[%add3A_304], %get3A_528 : memref<256xf32, #tpu.memory_space<vmem>>[vector<16xi32>], vector<16xf32>,
        %scatter3A_595 = tpu.memref_slice %arg7[%mul3A_492] : memref<30720xf32, #tpu.memory_space<vmem>> -> memref<256xf32, #tpu.memory_space<vmem>>
        tpu.vector_store_idx %scatter3A_595[%add3A_310], %get3A_534 : memref<256xf32, #tpu.memory_space<vmem>>[vector<16xi32>], vector<16xf32>,
        %scatter3A_596 = tpu.memref_slice %arg7[%mul3A_492] : memref<30720xf32, #tpu.memory_space<vmem>> -> memref<256xf32, #tpu.memory_space<vmem>>
        tpu.vector_store_idx %scatter3A_596[%add3A_316], %get3A_540 : memref<256xf32, #tpu.memory_space<vmem>>[vector<16xi32>], vector<16xf32>,
        %scatter3A_597 = tpu.memref_slice %arg7[%mul3A_492] : memref<30720xf32, #tpu.memory_space<vmem>> -> memref<256xf32, #tpu.memory_space<vmem>>
        tpu.vector_store_idx %scatter3A_597[%add3A_322], %get3A_546 : memref<256xf32, #tpu.memory_space<vmem>>[vector<16xi32>], vector<16xf32>,
        %scatter3A_598 = tpu.memref_slice %arg7[%mul3A_492] : memref<30720xf32, #tpu.memory_space<vmem>> -> memref<256xf32, #tpu.memory_space<vmem>>
        tpu.vector_store_idx %scatter3A_598[%add3A_328], %get3A_552 : memref<256xf32, #tpu.memory_space<vmem>>[vector<16xi32>], vector<16xf32>,
        %scatter3A_599 = tpu.memref_slice %arg7[%mul3A_492] : memref<30720xf32, #tpu.memory_space<vmem>> -> memref<256xf32, #tpu.memory_space<vmem>>
        tpu.vector_store_idx %scatter3A_599[%add3A_334], %get3A_558 : memref<256xf32, #tpu.memory_space<vmem>>[vector<16xi32>], vector<16xf32>,
        %scatter3A_600 = tpu.memref_slice %arg7[%mul3A_492] : memref<30720xf32, #tpu.memory_space<vmem>> -> memref<256xf32, #tpu.memory_space<vmem>>
        tpu.vector_store_idx %scatter3A_600[%add3A_340], %get3A_564 : memref<256xf32, #tpu.memory_space<vmem>>[vector<16xi32>], vector<16xf32>,
        %scatter3A_601 = tpu.memref_slice %arg7[%mul3A_492] : memref<30720xf32, #tpu.memory_space<vmem>> -> memref<256xf32, #tpu.memory_space<vmem>>
        tpu.vector_store_idx %scatter3A_601[%add3A_346], %get3A_570 : memref<256xf32, #tpu.memory_space<vmem>>[vector<16xi32>], vector<16xf32>,
        %scatter3A_602 = tpu.memref_slice %arg7[%mul3A_492] : memref<30720xf32, #tpu.memory_space<vmem>> -> memref<256xf32, #tpu.memory_space<vmem>>
        tpu.vector_store_idx %scatter3A_602[%add3A_352], %get3A_576 : memref<256xf32, #tpu.memory_space<vmem>>[vector<16xi32>], vector<16xf32>,
        %scatter3A_603 = tpu.memref_slice %arg7[%mul3A_492] : memref<30720xf32, #tpu.memory_space<vmem>> -> memref<256xf32, #tpu.memory_space<vmem>>
        tpu.vector_store_idx %scatter3A_603[%add3A_358], %get3A_582 : memref<256xf32, #tpu.memory_space<vmem>>[vector<16xi32>], vector<16xf32>,
        %scatter3A_604 = tpu.memref_slice %arg7[%mul3A_492] : memref<30720xf32, #tpu.memory_space<vmem>> -> memref<256xf32, #tpu.memory_space<vmem>>
        tpu.vector_store_idx %scatter3A_604[%add3A_364], %get3A_588 : memref<256xf32, #tpu.memory_space<vmem>>[vector<16xi32>], vector<16xf32>,
        %scan3A_605 = arith.constant 0 : i32
        scf.yield %scan3A_605 : i32
      }
      %scan3A_371 = arith.constant 8 : i32
      %mul3A_372 = arith.constant 16 : i32
      %mul3A_373 = arith.muli %add3A_268, %mul3A_372 : i32
      "tpu.region"() ({
        %run_scoped3A = tpu.sem_alloc : memref<!tpu.dma_semaphore, #tpu.memory_space<semaphore_mem>>
        %dma_start3A_374 = arith.constant 0 : i32
        %dma_start3A_375 = tpu.memref_slice %arg7[%dma_start3A_374] : memref<30720xf32, #tpu.memory_space<vmem>> -> memref<2048xf32, #tpu.memory_space<vmem>>
        %dma_start3A_376 = tpu.memref_slice %arg4[%mul3A_373] : memref<64000000xf32, #tpu.memory_space<hbm>> -> memref<2048xf32, #tpu.memory_space<hbm>>
        %dma_start3A_377 = tpu.memref_slice %arg4[%mul3A_373] : memref<64000000xf32, #tpu.memory_space<hbm>> -> memref<2048xf32, #tpu.memory_space<hbm>>
        %dma_start3A_378 = arith.constant 0 : i32
        %dma_start3A_379 = tpu.memref_slice %arg7[%dma_start3A_378] : memref<30720xf32, #tpu.memory_space<vmem>> -> memref<2048xf32, #tpu.memory_space<vmem>>
        tpu.enqueue_dma source(%dma_start3A_379 : memref<2048xf32, #tpu.memory_space<vmem>>) target(%dma_start3A_377 : memref<2048xf32, #tpu.memory_space<hbm>>) target_semaphore(%run_scoped3A : memref<!tpu.dma_semaphore, #tpu.memory_space<semaphore_mem>>)
        %dma_wait3A_380 = arith.constant 0 : i32
        %dma_wait3A_381 = tpu.memref_slice %arg7[%dma_wait3A_380] : memref<30720xf32, #tpu.memory_space<vmem>> -> memref<2048xf32, #tpu.memory_space<vmem>>
        %dma_wait3A_382 = tpu.memref_slice %arg4[%mul3A_373] : memref<64000000xf32, #tpu.memory_space<hbm>> -> memref<2048xf32, #tpu.memory_space<hbm>>
        %dma_wait3A_383 = tpu.memref_slice %arg4[%mul3A_373] : memref<64000000xf32, #tpu.memory_space<hbm>> -> memref<2048xf32, #tpu.memory_space<hbm>>
        %dma_wait3A_384 = arith.constant 0 : i32
        %dma_wait3A_385 = tpu.memref_slice %arg7[%dma_wait3A_384] : memref<30720xf32, #tpu.memory_space<vmem>> -> memref<2048xf32, #tpu.memory_space<vmem>>
        tpu.wait_dma2 semaphore(%run_scoped3A : memref<!tpu.dma_semaphore, #tpu.memory_space<semaphore_mem>>) src(%dma_wait3A_385 : memref<2048xf32, #tpu.memory_space<vmem>>) dst(%dma_wait3A_383 : memref<2048xf32, #tpu.memory_space<hbm>>)
        tpu.yield
      }) : () -> ()
    } else {
    }
    %eq3A = arith.constant 31 : i32
    %eq3A_259 = arith.cmpi eq, %add3A, %eq3A : i32
    %convert_element_type3A_260 = arith.extui %eq3A_259 : i1 to i32
    %cond3A_261 = arith.constant 0 : i32
    %cond3A_262 = arith.cmpi ne, %convert_element_type3A_260, %cond3A_261 : i32
    scf.if %cond3A_262 {
      "tpu.region"() ({
        %run_scoped3A = tpu.sem_alloc : memref<!tpu.dma_semaphore, #tpu.memory_space<semaphore_mem>>
        tpu.enqueue_dma source(%arg3 : memref<1024xf32, #tpu.memory_space<hbm>>) target(%arg9 : memref<1024xf32, #tpu.memory_space<vmem>>) target_semaphore(%run_scoped3A : memref<!tpu.dma_semaphore, #tpu.memory_space<semaphore_mem>>)
        tpu.wait_dma2 semaphore(%run_scoped3A : memref<!tpu.dma_semaphore, #tpu.memory_space<semaphore_mem>>) src(%arg3 : memref<1024xf32, #tpu.memory_space<hbm>>) dst(%arg9 : memref<1024xf32, #tpu.memory_space<vmem>>)
        tpu.yield
      }) : () -> ()
      "tpu.region"() ({
        %run_scoped3A = tpu.sem_alloc : memref<!tpu.dma_semaphore, #tpu.memory_space<semaphore_mem>>
        %dma_start3A_263 = arith.constant 63997952 : i32
        %dma_start3A_264 = tpu.memref_slice %arg4[%dma_start3A_263] : memref<64000000xf32, #tpu.memory_space<hbm>> -> memref<1024xf32, #tpu.memory_space<hbm>>
        %dma_start3A_265 = arith.constant 63997952 : i32
        %dma_start3A_266 = tpu.memref_slice %arg4[%dma_start3A_265] : memref<64000000xf32, #tpu.memory_space<hbm>> -> memref<1024xf32, #tpu.memory_space<hbm>>
        tpu.enqueue_dma source(%arg9 : memref<1024xf32, #tpu.memory_space<vmem>>) target(%dma_start3A_266 : memref<1024xf32, #tpu.memory_space<hbm>>) target_semaphore(%run_scoped3A : memref<!tpu.dma_semaphore, #tpu.memory_space<semaphore_mem>>)
        %dma_wait3A_267 = arith.constant 63997952 : i32
        %dma_wait3A_268 = tpu.memref_slice %arg4[%dma_wait3A_267] : memref<64000000xf32, #tpu.memory_space<hbm>> -> memref<1024xf32, #tpu.memory_space<hbm>>
        %dma_wait3A_269 = arith.constant 63997952 : i32
        %dma_wait3A_270 = tpu.memref_slice %arg4[%dma_wait3A_269] : memref<64000000xf32, #tpu.memory_space<hbm>> -> memref<1024xf32, #tpu.memory_space<hbm>>
        tpu.wait_dma2 semaphore(%run_scoped3A : memref<!tpu.dma_semaphore, #tpu.memory_space<semaphore_mem>>) src(%arg9 : memref<1024xf32, #tpu.memory_space<vmem>>) dst(%dma_wait3A_270 : memref<1024xf32, #tpu.memory_space<hbm>>)
        tpu.yield
      }) : () -> ()
    } else {
    }
    return
  }
}

#map = affine_map<(d0, d1) -> (0)>
#map1 = affine_map<(d0, d1) -> (0, 0)>
module attributes {stable_mosaic.version = 14 : i64} {
  func.func @sc_gather(%arg0: i32, %arg1: i32, %arg2: memref<819200xi32, #tpu.memory_space<hbm>>, %arg3: memref<16xi32, #tpu.memory_space<hbm>>, %arg4: memref<4000000x16xf32, #tpu.memory_space<hbm>>, %arg5: memref<819200x16xf32, #tpu.memory_space<hbm>>, %arg6: memref<3200xi32, #tpu.memory_space<vmem>>, %arg7: memref<3200x16xf32, #tpu.memory_space<vmem>>, %arg8: memref<16xi32, #tpu.memory_space<vmem>>, %arg9: memref<!tpu.dma_semaphore, #tpu.memory_space<semaphore_mem>>) attributes {dimension_semantics = [#tpu.dimension_semantics<core_parallel>, #tpu.dimension_semantics<subcore_parallel>], iteration_bounds = array<i64: 2, 16>, scalar_prefetch = 0 : i64, scratch_operands = 4 : i64, tpu.core_type = #tpu.core_type<sc_vector_subcore>, window_params = [{transform_indices = #map}, {transform_indices = #map}, {transform_indices = #map1}, {transform_indices = #map1}]} {
    %mul3A = arith.constant 2 : i32
    %mul3A_0 = arith.muli %arg1, %mul3A : i32
    %add3A = arith.addi %mul3A_0, %arg0 : i32
    %mul3A_1 = arith.constant 25600 : i32
    %mul3A_2 = arith.muli %add3A, %mul3A_1 : i32
    "tpu.region"() ({
      %run_scoped3A = tpu.sem_alloc : memref<!tpu.dma_semaphore, #tpu.memory_space<semaphore_mem>>
      tpu.enqueue_dma source(%arg3 : memref<16xi32, #tpu.memory_space<hbm>>) target(%arg8 : memref<16xi32, #tpu.memory_space<vmem>>) target_semaphore(%run_scoped3A : memref<!tpu.dma_semaphore, #tpu.memory_space<semaphore_mem>>)
      tpu.wait_dma2 semaphore(%run_scoped3A : memref<!tpu.dma_semaphore, #tpu.memory_space<semaphore_mem>>) src(%arg3 : memref<16xi32, #tpu.memory_space<hbm>>) dst(%arg8 : memref<16xi32, #tpu.memory_space<vmem>>)
      tpu.yield
    }) : () -> ()
    %get3A = arith.constant 0 : index
    %get3A_3 = tpu.vector_load %arg8[%get3A] {strides = array<i32>} : memref<16xi32, #tpu.memory_space<vmem>>, vector<16xi32>,
    %get3A_4 = vector.shape_cast %get3A_3 : vector<16xi32> to vector<16xi32>
    %scan3A = arith.constant 0 : i32
    %scan3A_5 = arith.constant 0 : i32
    %scan3A_6 = arith.constant 8 : i32
    %scan3A_7 = arith.addi %scan3A_5, %scan3A_6 : i32
    %scan3A_8 = arith.constant 1 : i32
    %scan3A_9 = scf.for %scan3A_11 = %scan3A_5 to %scan3A_7 step %scan3A_8 iter_args(%scan3A_12 = %scan3A) -> (i32)  : i32 {
      %mul3A_13 = arith.constant 3200 : i32
      %mul3A_14 = arith.muli %scan3A_11, %mul3A_13 : i32
      %add3A_15 = arith.addi %mul3A_2, %mul3A_14 : i32
      "tpu.region"() ({
        %run_scoped3A = tpu.sem_alloc : memref<!tpu.dma_semaphore, #tpu.memory_space<semaphore_mem>>
        %dma_start3A_28 = tpu.memref_slice %arg2[%add3A_15] : memref<819200xi32, #tpu.memory_space<hbm>> -> memref<3200xi32, #tpu.memory_space<hbm>>
        %dma_start3A_29 = tpu.memref_slice %arg2[%add3A_15] : memref<819200xi32, #tpu.memory_space<hbm>> -> memref<3200xi32, #tpu.memory_space<hbm>>
        tpu.enqueue_dma source(%dma_start3A_29 : memref<3200xi32, #tpu.memory_space<hbm>>) target(%arg6 : memref<3200xi32, #tpu.memory_space<vmem>>) target_semaphore(%run_scoped3A : memref<!tpu.dma_semaphore, #tpu.memory_space<semaphore_mem>>)
        %dma_wait3A_30 = tpu.memref_slice %arg2[%add3A_15] : memref<819200xi32, #tpu.memory_space<hbm>> -> memref<3200xi32, #tpu.memory_space<hbm>>
        %dma_wait3A_31 = tpu.memref_slice %arg2[%add3A_15] : memref<819200xi32, #tpu.memory_space<hbm>> -> memref<3200xi32, #tpu.memory_space<hbm>>
        tpu.wait_dma2 semaphore(%run_scoped3A : memref<!tpu.dma_semaphore, #tpu.memory_space<semaphore_mem>>) src(%dma_wait3A_31 : memref<3200xi32, #tpu.memory_space<hbm>>) dst(%arg6 : memref<3200xi32, #tpu.memory_space<vmem>>)
        tpu.yield
      }) : () -> ()
      %scan3A_16 = arith.constant 0 : i32
      %scan3A_17 = arith.constant 0 : i32
      %scan3A_18 = arith.constant 200 : i32
      %scan3A_19 = arith.addi %scan3A_17, %scan3A_18 : i32
      %scan3A_20 = arith.constant 8 : i32
      %scan3A_21 = scf.for %scan3A_28 = %scan3A_17 to %scan3A_19 step %scan3A_20 iter_args(%scan3A_29 = %scan3A_16) -> (i32)  : i32 {
        %mul3A_30 = arith.constant 16 : i32
        %mul3A_31 = arith.muli %scan3A_28, %mul3A_30 : i32
        %get3A_32 = arith.index_cast %mul3A_31 : i32 to index
        %get3A_33 = tpu.vector_load %arg6[%get3A_32] {strides = array<i32>} : memref<3200xi32, #tpu.memory_space<vmem>>, vector<16xi32>,
        %get3A_34 = vector.shape_cast %get3A_33 : vector<16xi32> to vector<16xi32>
        %add3A_35 = arith.addi %get3A_34, %get3A_4 : vector<16xi32>
        %swap3A = arith.index_cast %mul3A_31 : i32 to index
        %swap3A_36 = tpu.vector_load %arg6[%swap3A] {strides = array<i32>} : memref<3200xi32, #tpu.memory_space<vmem>>, vector<16xi32>,
        %swap3A_37 = vector.shape_cast %swap3A_36 : vector<16xi32> to vector<16xi32>
        %swap3A_38 = vector.shape_cast %add3A_35 : vector<16xi32> to vector<16xi32>
        tpu.vector_store %arg6[%swap3A], %swap3A_38 {strides = array<i32>} : memref<3200xi32, #tpu.memory_space<vmem>>, vector<16xi32>,
        %scan3A_39 = arith.constant 0 : i32
        %scan3A_40 = arith.constant 1 : i32
        %scan3A_41 = arith.addi %scan3A_28, %scan3A_40 : i32
        %mul3A_42 = arith.constant 16 : i32
        %mul3A_43 = arith.muli %scan3A_41, %mul3A_42 : i32
        %get3A_44 = arith.index_cast %mul3A_43 : i32 to index
        %get3A_45 = tpu.vector_load %arg6[%get3A_44] {strides = array<i32>} : memref<3200xi32, #tpu.memory_space<vmem>>, vector<16xi32>,
        %get3A_46 = vector.shape_cast %get3A_45 : vector<16xi32> to vector<16xi32>
        %add3A_47 = arith.addi %get3A_46, %get3A_4 : vector<16xi32>
        %swap3A_48 = arith.index_cast %mul3A_43 : i32 to index
        %swap3A_49 = tpu.vector_load %arg6[%swap3A_48] {strides = array<i32>} : memref<3200xi32, #tpu.memory_space<vmem>>, vector<16xi32>,
        %swap3A_50 = vector.shape_cast %swap3A_49 : vector<16xi32> to vector<16xi32>
        %swap3A_51 = vector.shape_cast %add3A_47 : vector<16xi32> to vector<16xi32>
        tpu.vector_store %arg6[%swap3A_48], %swap3A_51 {strides = array<i32>} : memref<3200xi32, #tpu.memory_space<vmem>>, vector<16xi32>,
        %scan3A_52 = arith.constant 0 : i32
        %scan3A_53 = arith.constant 2 : i32
        %scan3A_54 = arith.addi %scan3A_28, %scan3A_53 : i32
        %mul3A_55 = arith.constant 16 : i32
        %mul3A_56 = arith.muli %scan3A_54, %mul3A_55 : i32
        %get3A_57 = arith.index_cast %mul3A_56 : i32 to index
        %get3A_58 = tpu.vector_load %arg6[%get3A_57] {strides = array<i32>} : memref<3200xi32, #tpu.memory_space<vmem>>, vector<16xi32>,
        %get3A_59 = vector.shape_cast %get3A_58 : vector<16xi32> to vector<16xi32>
        %add3A_60 = arith.addi %get3A_59, %get3A_4 : vector<16xi32>
        %swap3A_61 = arith.index_cast %mul3A_56 : i32 to index
        %swap3A_62 = tpu.vector_load %arg6[%swap3A_61] {strides = array<i32>} : memref<3200xi32, #tpu.memory_space<vmem>>, vector<16xi32>,
        %swap3A_63 = vector.shape_cast %swap3A_62 : vector<16xi32> to vector<16xi32>
        %swap3A_64 = vector.shape_cast %add3A_60 : vector<16xi32> to vector<16xi32>
        tpu.vector_store %arg6[%swap3A_61], %swap3A_64 {strides = array<i32>} : memref<3200xi32, #tpu.memory_space<vmem>>, vector<16xi32>,
        %scan3A_65 = arith.constant 0 : i32
        %scan3A_66 = arith.constant 3 : i32
        %scan3A_67 = arith.addi %scan3A_28, %scan3A_66 : i32
        %mul3A_68 = arith.constant 16 : i32
        %mul3A_69 = arith.muli %scan3A_67, %mul3A_68 : i32
        %get3A_70 = arith.index_cast %mul3A_69 : i32 to index
        %get3A_71 = tpu.vector_load %arg6[%get3A_70] {strides = array<i32>} : memref<3200xi32, #tpu.memory_space<vmem>>, vector<16xi32>,
        %get3A_72 = vector.shape_cast %get3A_71 : vector<16xi32> to vector<16xi32>
        %add3A_73 = arith.addi %get3A_72, %get3A_4 : vector<16xi32>
        %swap3A_74 = arith.index_cast %mul3A_69 : i32 to index
        %swap3A_75 = tpu.vector_load %arg6[%swap3A_74] {strides = array<i32>} : memref<3200xi32, #tpu.memory_space<vmem>>, vector<16xi32>,
        %swap3A_76 = vector.shape_cast %swap3A_75 : vector<16xi32> to vector<16xi32>
        %swap3A_77 = vector.shape_cast %add3A_73 : vector<16xi32> to vector<16xi32>
        tpu.vector_store %arg6[%swap3A_74], %swap3A_77 {strides = array<i32>} : memref<3200xi32, #tpu.memory_space<vmem>>, vector<16xi32>,
        %scan3A_78 = arith.constant 0 : i32
        %scan3A_79 = arith.constant 4 : i32
        %scan3A_80 = arith.addi %scan3A_28, %scan3A_79 : i32
        %mul3A_81 = arith.constant 16 : i32
        %mul3A_82 = arith.muli %scan3A_80, %mul3A_81 : i32
        %get3A_83 = arith.index_cast %mul3A_82 : i32 to index
        %get3A_84 = tpu.vector_load %arg6[%get3A_83] {strides = array<i32>} : memref<3200xi32, #tpu.memory_space<vmem>>, vector<16xi32>,
        %get3A_85 = vector.shape_cast %get3A_84 : vector<16xi32> to vector<16xi32>
        %add3A_86 = arith.addi %get3A_85, %get3A_4 : vector<16xi32>
        %swap3A_87 = arith.index_cast %mul3A_82 : i32 to index
        %swap3A_88 = tpu.vector_load %arg6[%swap3A_87] {strides = array<i32>} : memref<3200xi32, #tpu.memory_space<vmem>>, vector<16xi32>,
        %swap3A_89 = vector.shape_cast %swap3A_88 : vector<16xi32> to vector<16xi32>
        %swap3A_90 = vector.shape_cast %add3A_86 : vector<16xi32> to vector<16xi32>
        tpu.vector_store %arg6[%swap3A_87], %swap3A_90 {strides = array<i32>} : memref<3200xi32, #tpu.memory_space<vmem>>, vector<16xi32>,
        %scan3A_91 = arith.constant 0 : i32
        %scan3A_92 = arith.constant 5 : i32
        %scan3A_93 = arith.addi %scan3A_28, %scan3A_92 : i32
        %mul3A_94 = arith.constant 16 : i32
        %mul3A_95 = arith.muli %scan3A_93, %mul3A_94 : i32
        %get3A_96 = arith.index_cast %mul3A_95 : i32 to index
        %get3A_97 = tpu.vector_load %arg6[%get3A_96] {strides = array<i32>} : memref<3200xi32, #tpu.memory_space<vmem>>, vector<16xi32>,
        %get3A_98 = vector.shape_cast %get3A_97 : vector<16xi32> to vector<16xi32>
        %add3A_99 = arith.addi %get3A_98, %get3A_4 : vector<16xi32>
        %swap3A_100 = arith.index_cast %mul3A_95 : i32 to index
        %swap3A_101 = tpu.vector_load %arg6[%swap3A_100] {strides = array<i32>} : memref<3200xi32, #tpu.memory_space<vmem>>, vector<16xi32>,
        %swap3A_102 = vector.shape_cast %swap3A_101 : vector<16xi32> to vector<16xi32>
        %swap3A_103 = vector.shape_cast %add3A_99 : vector<16xi32> to vector<16xi32>
        tpu.vector_store %arg6[%swap3A_100], %swap3A_103 {strides = array<i32>} : memref<3200xi32, #tpu.memory_space<vmem>>, vector<16xi32>,
        %scan3A_104 = arith.constant 0 : i32
        %scan3A_105 = arith.constant 6 : i32
        %scan3A_106 = arith.addi %scan3A_28, %scan3A_105 : i32
        %mul3A_107 = arith.constant 16 : i32
        %mul3A_108 = arith.muli %scan3A_106, %mul3A_107 : i32
        %get3A_109 = arith.index_cast %mul3A_108 : i32 to index
        %get3A_110 = tpu.vector_load %arg6[%get3A_109] {strides = array<i32>} : memref<3200xi32, #tpu.memory_space<vmem>>, vector<16xi32>,
        %get3A_111 = vector.shape_cast %get3A_110 : vector<16xi32> to vector<16xi32>
        %add3A_112 = arith.addi %get3A_111, %get3A_4 : vector<16xi32>
        %swap3A_113 = arith.index_cast %mul3A_108 : i32 to index
        %swap3A_114 = tpu.vector_load %arg6[%swap3A_113] {strides = array<i32>} : memref<3200xi32, #tpu.memory_space<vmem>>, vector<16xi32>,
        %swap3A_115 = vector.shape_cast %swap3A_114 : vector<16xi32> to vector<16xi32>
        %swap3A_116 = vector.shape_cast %add3A_112 : vector<16xi32> to vector<16xi32>
        tpu.vector_store %arg6[%swap3A_113], %swap3A_116 {strides = array<i32>} : memref<3200xi32, #tpu.memory_space<vmem>>, vector<16xi32>,
        %scan3A_117 = arith.constant 0 : i32
        %scan3A_118 = arith.constant 7 : i32
        %scan3A_119 = arith.addi %scan3A_28, %scan3A_118 : i32
        %mul3A_120 = arith.constant 16 : i32
        %mul3A_121 = arith.muli %scan3A_119, %mul3A_120 : i32
        %get3A_122 = arith.index_cast %mul3A_121 : i32 to index
        %get3A_123 = tpu.vector_load %arg6[%get3A_122] {strides = array<i32>} : memref<3200xi32, #tpu.memory_space<vmem>>, vector<16xi32>,
        %get3A_124 = vector.shape_cast %get3A_123 : vector<16xi32> to vector<16xi32>
        %add3A_125 = arith.addi %get3A_124, %get3A_4 : vector<16xi32>
        %swap3A_126 = arith.index_cast %mul3A_121 : i32 to index
        %swap3A_127 = tpu.vector_load %arg6[%swap3A_126] {strides = array<i32>} : memref<3200xi32, #tpu.memory_space<vmem>>, vector<16xi32>,
        %swap3A_128 = vector.shape_cast %swap3A_127 : vector<16xi32> to vector<16xi32>
        %swap3A_129 = vector.shape_cast %add3A_125 : vector<16xi32> to vector<16xi32>
        tpu.vector_store %arg6[%swap3A_126], %swap3A_129 {strides = array<i32>} : memref<3200xi32, #tpu.memory_space<vmem>>, vector<16xi32>,
        %scan3A_130 = arith.constant 0 : i32
        scf.yield %scan3A_130 : i32
      }
      %scan3A_22 = arith.constant 200 : i32
      %dma_start3A = arith.constant 0 : i32
      %dma_start3A_23 = arith.constant 0 : i32
      %dma_start3A_24 = tpu.memref_slice %arg4[%dma_start3A, %dma_start3A_23] : memref<4000000x16xf32, #tpu.memory_space<hbm>> -> memref<4000000x16xf32, #tpu.memory_space<hbm>>
      tpu.enqueue_indirect_dma source(%dma_start3A_24 : memref<4000000x16xf32, #tpu.memory_space<hbm>>) target(%arg7 : memref<3200x16xf32, #tpu.memory_space<vmem>>) offsets(%arg6 : memref<3200xi32, #tpu.memory_space<vmem>>) semaphore(%arg9 : memref<!tpu.dma_semaphore, #tpu.memory_space<semaphore_mem>>)
      %dma_wait3A = arith.constant 0 : i32
      %dma_wait3A_25 = arith.constant 0 : i32
      %dma_wait3A_26 = tpu.memref_slice %arg4[%dma_wait3A, %dma_wait3A_25] : memref<4000000x16xf32, #tpu.memory_space<hbm>> -> memref<4000000x16xf32, #tpu.memory_space<hbm>>
      tpu.wait_indirect_dma semaphore(%arg9 : memref<!tpu.dma_semaphore, #tpu.memory_space<semaphore_mem>>) src(%dma_wait3A_26 : memref<4000000x16xf32, #tpu.memory_space<hbm>>) dst(%arg7 : memref<3200x16xf32, #tpu.memory_space<vmem>>)
      "tpu.region"() ({
        %run_scoped3A = tpu.sem_alloc : memref<!tpu.dma_semaphore, #tpu.memory_space<semaphore_mem>>
        %dma_start3A_28 = arith.constant 0 : i32
        %dma_start3A_29 = tpu.memref_slice %arg5[%add3A_15, %dma_start3A_28] : memref<819200x16xf32, #tpu.memory_space<hbm>> -> memref<3200x16xf32, #tpu.memory_space<hbm>>
        %dma_start3A_30 = arith.constant 0 : i32
        %dma_start3A_31 = tpu.memref_slice %arg5[%add3A_15, %dma_start3A_30] : memref<819200x16xf32, #tpu.memory_space<hbm>> -> memref<3200x16xf32, #tpu.memory_space<hbm>>
        tpu.enqueue_dma source(%arg7 : memref<3200x16xf32, #tpu.memory_space<vmem>>) target(%dma_start3A_31 : memref<3200x16xf32, #tpu.memory_space<hbm>>) target_semaphore(%run_scoped3A : memref<!tpu.dma_semaphore, #tpu.memory_space<semaphore_mem>>)
        %dma_wait3A_32 = arith.constant 0 : i32
        %dma_wait3A_33 = tpu.memref_slice %arg5[%add3A_15, %dma_wait3A_32] : memref<819200x16xf32, #tpu.memory_space<hbm>> -> memref<3200x16xf32, #tpu.memory_space<hbm>>
        %dma_wait3A_34 = arith.constant 0 : i32
        %dma_wait3A_35 = tpu.memref_slice %arg5[%add3A_15, %dma_wait3A_34] : memref<819200x16xf32, #tpu.memory_space<hbm>> -> memref<3200x16xf32, #tpu.memory_space<hbm>>
        tpu.wait_dma2 semaphore(%run_scoped3A : memref<!tpu.dma_semaphore, #tpu.memory_space<semaphore_mem>>) src(%arg7 : memref<3200x16xf32, #tpu.memory_space<vmem>>) dst(%dma_wait3A_35 : memref<3200x16xf32, #tpu.memory_space<hbm>>)
        tpu.yield
      }) : () -> ()
      %scan3A_27 = arith.constant 0 : i32
      scf.yield %scan3A_27 : i32
    }
    %scan3A_10 = arith.constant 8 : i32
    return
  }
}

</mosaic_0001>

<sc_bundles>
// kernel: kernel.4.cloned.1.call-start
scs
__scs_entry_jumppad:
0x0: {  	(pc) =	sbr.rel $0x88, $3  }
0x1: {  	(tag) =	ssettag $0x0;
	lr =	simm.s32 $0x1  }
0x2: {  	[smem:$0x3F9F] =	sst lr;
	_ =	strace $0xD0000000  }
0x3: {  	_ = 	snop  }
0x4: {  	_ = 	snop  }
0x5: {  	_ = 	snop  }
0x6: {  	_ = 	snop  }
0x7: {  	_ = 	snop  }
__scs_overlays_trampoline_lowered:
0x8: {  	[smem:$0x3FAE] =	sst s0  }
0x9: {  	[smem:$0x3FAF] =	sst s1  }
0xa: {  	[smem:$0x3FB0] =	sst s2  }
0xb: {  	[smem:$0x3FB1] =	sst s3  }
0xc: {  	[smem:$0x3FB2] =	sst s4  }
0xd: {  	[smem:$0x3FB3] =	sst s5  }
0xe: {  	[smem:$0x3FB4] =	sst s6  }
0xf: {  	[smem:$0x3FB5] =	sst s7  }
0x10: {  	[smem:$0x3FB6] =	sst s8  }
0x11: {  	[smem:$0x3FB7] =	sst s9;
	s0 =	simm.s32 @!p0 $0x0  }
0x12: {  	s1 =	sld [smem:$0x3F9D];
	s0 =	simm.s32 @p0 $0x1  }
0x13: {  	[smem:$0x3FB8] =	sst s0;
	s0 =	simm.s32 @!p1 $0x0  }
0x14: {  	s2 =	sld [smem:$0x3F9C];
	s0 =	simm.s32 @p1 $0x1  }
0x15: {  	[smem:$0x3FB9] =	sst s0;
	s0 =	simm.s32 @!p2 $0x0  }
0x16: {  	s3 =	sld [smem:$0x3FDB];
	s0 =	simm.s32 @p2 $0x1  }
0x17: {  	s4 =	simm.s32 $0x1BF5;
	[smem:$0x3FBB] =	sst s0  }
0x18: {  	s0 =	sld [smem:$0x3F9E];
	_ =	swait.ge [sflag:s4], $0x0  }
0x19: {  	s7 =	sld [smem:$0x3F9F]  }
0x1a: {  	s8 =	sadd.s32 $0xFFFFE003, lr  }
0x1b: {  	s9 =	sadd.s32 $0xFFFFFEF7, lr;
	s5 =	simm.s32 $0xFFFFFFFF;
	p2 =	slt.u32 s8, $0xFFFFF086  }
0x1c: {  	p1 =	slt.u32 s9, $0xF7A;
	s5 =	simm.s32 @!p2 $0x0  }
0x1d: {  	s5 =	simm.s32 @p1 $0x1;
	p0 =	seq.s32 s7, s2  }
0x1e: {  	s7 =	smul.u32 @!p0 $0xF7A, s2;
	p2 =	seq.s32 @!p0 s5, $0x0  }
0x1f: {  	s9 =	smul.u32 $0xF7A, s1;
	s8 =	simm.s32 @!p0 $0x1BF5;
	p2 =	por !p2, p0  }
0x20: {  	[sflag:s8] =	ssyncset.s32 @!p0 $0xFFFFF086;
	s6 =	sadd.s32 @!p0 s3, s7;
	s7 =	simm.s32 @!p0 $0x108  }
0x21: {  	s3 =	sadd.s32 s3, s9;
	s6 =	sadd.s32 @!p0 $0x88, s6;
	s7 =	simm.s32 @p2 $0x1082  }
0x22: {  	[simem:s7], [sflag:s8] =	dma.local @!p0 [hbm:s6], $0xF7A  }
0x23: {  	s9 =	sor.u32 $0xD0000000, s2;
	s6 =	simm.s32 $0x108;
	_ =	swait.ge @!p0 [sflag:s8], $0x0  }
0x24: {  	s3 =	sadd.s32 $0x88, s3;
	s6 =	simm.s32 @!p1 $0x1082;
	[sflag:s4] =	ssyncset.s32 $0xFFFFF086  }
0x25: {  	[simem:s6], [sflag:s4] =	dma.local [hbm:s3], $0xF7A  }
0x26: {  	[smem:$0x3F9F] =	sst s1;
	(tag) =	ssettag s2;
	_ =	strace s9  }
0x27: {  	s1 =	sld [smem:$0x3FAF]  }
0x28: {  	s2 =	sld [smem:$0x3FB0]  }
0x29: {  	s4 =	sld [smem:$0x3FB2]  }
0x2a: {  	p0 =	seq.s32 s5, $0x0;
	s5 =	sld [smem:$0x3FB3]  }
0x2b: {  	s6 =	sld [smem:$0x3FB4]  }
0x2c: {  	s7 =	sld [smem:$0x3FB5]  }
0x2d: {  	s3 =	simm.s32 $0x108;
	s8 =	sld [smem:$0x3FB6]  }
0x2e: {  	s3 =	simm.s32 @!p0 $0x1082;
	s9 =	sld [smem:$0x3FB7]  }
0x2f: {  	lr =	sadd.s32 s0, s3;
	s0 =	sld [smem:$0x3FAE]  }
0x30: {  	s3 =	sld [smem:$0x3FB1]  }
0x31: {  	[smem:$0x3FBA] =	sst s10  }
0x32: {  	s10 =	sld [smem:$0x3FB8];
	_ =	sdelay $0x3  }
0x33: {  	p0 =	seq.s32 s10, $0x1;
	s10 =	sld [smem:$0x3FBA];
	_ =	sdelay $0x3  }
0x34: {  	[smem:$0x3FBA] =	sst s10  }
0x35: {  	s10 =	sld [smem:$0x3FB9];
	_ =	sdelay $0x3  }
0x36: {  	p1 =	seq.s32 s10, $0x1;
	s10 =	sld [smem:$0x3FBA];
	_ =	sdelay $0x3  }
0x37: {  	[smem:$0x3FBA] =	sst s10  }
0x38: {  	s10 =	sld [smem:$0x3FBB]  }
0x39: {  	_ = 	snop;
	(pc) =	sbr.ind lr, $3  }
0x3a: {  	_ = 	snop  }
0x3b: {  	_ = 	snop  }
0x3c: {  	p2 =	seq.s32 s10, $0x1;
	s10 =	sld [smem:$0x3FBA]  }
0x3d: {  	_ =	shalt  }
0x3e: {  	_ =	shalt  }
0x3f: {  	_ =	shalt  }
0x40: {  	_ =	shalt  }
0x41: {  	_ =	shalt  }
0x42: {  	_ =	shalt  }
0x43: {  	_ =	shalt  }
0x44: {  	_ =	shalt  }
0x45: {  	_ =	shalt  }
0x46: {  	_ =	shalt  }
0x47: {  	_ =	shalt  }
0x48: {  	_ =	shalt  }
0x49: {  	_ =	shalt  }
0x4a: {  	_ =	shalt  }
0x4b: {  	_ =	shalt  }
0x4c: {  	_ =	shalt  }
0x4d: {  	_ =	shalt  }
0x4e: {  	_ =	shalt  }
0x4f: {  	_ =	shalt  }
0x50: {  	_ =	shalt  }
0x51: {  	_ =	shalt  }
0x52: {  	_ =	shalt  }
0x53: {  	_ =	shalt  }
0x54: {  	_ =	shalt  }
0x55: {  	_ =	shalt  }
0x56: {  	_ =	shalt  }
0x57: {  	_ =	shalt  }
0x58: {  	_ =	shalt  }
0x59: {  	_ =	shalt  }
0x5a: {  	_ =	shalt  }
0x5b: {  	_ =	shalt  }
0x5c: {  	_ =	shalt  }
0x5d: {  	_ =	shalt  }
0x5e: {  	_ =	shalt  }
0x5f: {  	_ =	shalt  }
0x60: {  	_ =	shalt  }
0x61: {  	_ =	shalt  }
0x62: {  	_ =	shalt  }
0x63: {  	_ =	shalt  }
0x64: {  	_ =	shalt  }
0x65: {  	_ =	shalt  }
0x66: {  	_ =	shalt  }
0x67: {  	_ =	shalt  }
0x68: {  	_ =	shalt  }
0x69: {  	_ =	shalt  }
0x6a: {  	_ =	shalt  }
0x6b: {  	_ =	shalt  }
0x6c: {  	_ =	shalt  }
0x6d: {  	_ =	shalt  }
0x6e: {  	_ =	shalt  }
0x6f: {  	_ =	shalt  }
0x70: {  	_ =	shalt  }
0x71: {  	_ =	shalt  }
0x72: {  	_ =	shalt  }
0x73: {  	_ =	shalt  }
0x74: {  	_ =	shalt  }
0x75: {  	_ =	shalt  }
0x76: {  	_ =	shalt  }
0x77: {  	_ =	shalt  }
0x78: {  	_ =	shalt  }
0x79: {  	_ =	shalt  }
0x7a: {  	_ =	shalt  }
0x7b: {  	_ =	shalt  }
0x7c: {  	_ =	shalt  }
0x7d: {  	_ =	shalt  }
0x7e: {  	_ =	shalt  }
0x7f: {  	_ =	shalt  }
0x80: {  	_ =	shalt  }
0x81: {  	_ =	shalt  }
0x82: {  	_ =	shalt  }
0x83: {  	_ =	shalt  }
0x84: {  	_ =	shalt  }
0x85: {  	_ =	shalt  }
0x86: {  	_ =	shalt  }
0x87: {  	_ =	shalt  }
.Lfunc_end0:
.L_simem_size_0:
called_computation.1_lowered:
.L_overlay_start_0:
0x88: {  	s2 =	sld [smem:$0x3FD9]  }
0x89: {  	s3 =	sld [smem:$0x3FFE];
	_ =	sdelay $0x1  }
0x8a: {  	s1 =	srdreg.scid  }
0x8b: {  	s0 =	sand.u32 $0x1, s1  }
0x8c: {  	s17 =	sshll.u32 s0, $0xA;
	s2 =	sadd.s32 s3, s2  }
0x8d: {  	s2 =	sadd.s32 s2, s17  }
0x8e: {  	[smem:$0x3FC6] =	sst s2  }
0x8f: {  	_ = 	snop  }
0x90: {  	s2 =	sld [smem:$0x3FC8]  }
0x91: {  	s18 =	sld [smem:$0x3FD0];
	(tm) =	ssettm $0x1  }
0x92: {  	s4 =	sld [smem:$0x3FFB];
	_ =	sdelay $0x3  }
0x93: {  	_ =	strace s4  }
0x94: {  	s4 =	sld [smem:$0x3FFC];
	_ =	sdelay $0x3  }
0x95: {  	_ =	strace s4  }
0x96: {  	s4 =	sld [smem:$0x3FFD];
	_ =	sdelay $0x3  }
0x97: {  	_ =	strace s4  }
0x98: {  	_ =	strace $0x8FFFFFFF  }
0x99: {  	s19 =	sld [smem:$0x3FDB];
	_ =	sdelay $0x1  }
0x9a: {  	s5 =	simm.s32 $_scs_section_size  }
0x9b: {  	s6 =	simm.s32 $_size__tile_overlayer_lowered;
	s7 =	simm.s32 $_tile_overlayer_lowered  }
0x9c: {  	s22 =	simm.s32 $0x1BFF;
	s21 =	sshll.u32 s7, $0x1;
	s4 =	sadd.s32 s5, s19  }
0x9d: {  	s8 =	simm.s32 $0x0;
	s20 =	sshll.u32 s6, $0x1;
	s6 =	sadd.s32 s21, s4  }
0x9e: {  	[timem:s8], [sflag:s22] =	dma.local [hbm:s6], s20  }
0x9f: {  	_ =	swait.ge [sflag:s22], s20  }
0xa0: {  	s5 =	ssub.s32 $0x0, s20;
	[sflag:s22] =	ssyncset.done $0x0  }
0xa1: {  	[sflag:s22] =	ssyncadd.s32 s5;
	_ =	sdelay $0x1  }
0xa2: {  	s23 =	simm.s32 $0x1B8B  }
0xa3: {  	_ =	swait.ge [sflag:s23], $0x1  }
0xa4: {  	[sflag:s23] =	ssyncset.done $0x0  }
0xa5: {  	s25 =	simm.s32 $0x1B8E;
	s24 =	sld [smem:$0x3FFE];
	[sflag:s23] =	ssyncadd.s32 $0xFFFFFFFF  }
0xa6: {  	s26 =	simm.s32 $execute0_lowered;
	[smem:$0x3FD2] =	sst s25  }
0xa7: {  	s6 =	sshll.u32 s26, $0x1;
	_ =	strace $0x80000046;
	[dreg:$0x1] =	wrdreg $0xFFFFFFFF  }
0xa8: {  	s28 =	simm.s32 $_size_execute0_lowered;
	s4 =	sadd.s32 s4, s6;
	[dreg:$0x0] =	wrdreg $0x0  }
0xa9: {  	s6 =	sshll.u32 s28, $0x1;
	[dreg:$0x2] =	wrdreg s4  }
0xaa: {  	[dreg:$0x3] =	wrdreg s6  }
0xab: {  	[dreg:$0x4] =	wrdreg $0xC0  }
0xac: {  	_ =	task [dreg:s8], $0x5FFFF  }
0xad: {  	[dreg:$0x1] =	wrdreg $0xFFFFFFFF  }
0xae: {  	[dreg:$0x0] =	wrdreg $0x60  }
0xaf: {  	[dreg:$0x2] =	wrdreg s2  }
0xb0: {  	[dreg:$0x3] =	wrdreg s18  }
0xb1: {  	[dreg:$0x4] =	wrdreg s24  }
0xb2: {  	[dreg:$0x5] =	wrdreg $0x9  }
0xb3: {  	_ =	task.clear_ibuf [dreg:s8], $0x6FFFF;
	_ =	strace $0x90000046  }
0xb4: {  	s29 =	simm.s32 $0x9;
	_ =	strace $0x80000048  }
0xb5: {  	_ =	swait.ge [sflag:s29], $0x1  }
0xb6: {  	[sflag:s29] =	ssyncadd.s32 $0xFFFFFFFF  }
0xb7: {  	_ =	strace $0x90000048  }
0xb8: {  	_ =	sfence  }
0xb9: {  	s30 =	sld [smem:$0x0];
	_ =	sdelay $0x2  }
0xba: {  	s31 =	sshll.u32 s1, $0xD;
	s1 =	sshrl.u32 s1, $0x2  }
0xbb: {  	s3 =	sand.u32 $0x4000, s31;
	s1 =	sadd.s32 s1, s30  }
0xbc: {  	s0 =	sor.u32 s3, s0;
	s1 =	sshll.u32 s1, $0x11  }
0xbd: {  	s0 =	sor.u32 s1, s0  }
0xbe: {  	s0 =	sadd.s32 $0x8F2B, s0  }
0xbf: {  	[sflag:s0] =	ssyncadd.remote.s32 $0x1  }
0xc0: {  	_ =	sfence.sel $0xFFFF  }
0xc1: {  	[dreg:$0x0] =	wrdreg $0xFFFFFFFF;
	(pc) =	sbr.abs _section_cstart, $3  }
0xc2: {  	[dreg:$0x1] =	wrdreg $0xFFFFFFFF  }
0xc3: {  	_ =	task.clear_ibuf [dreg:s8], $0x2FFFF;
	_ =	strace $0x9FFFFFFF  }
0xc4: {  	(tm) =	ssettm $0x7FFFFFFF  }
0xc5: {  	_ =	shalt  }
tec
execute0_lowered:
.L_overlay_start_1:
0x0: {  	(tag) =	ssettag $0x1  }
0x1: {  	s4 =	rddreg [dreg:$0x0]  }
0x2: {  	s0 =	rddreg [dreg:$0x2]  }
0x3: {  	s1 =	srdreg.scid;
	s2 =	stileid.u32;
	s5 =	simm.s32 $0x0  }
0x4: {  	s1 =	sand.u32 $0x1, s1;
	s2 =	sshll.u32 s2, $0x1;
	[smem:$0x7FF] =	sst s5  }
0x5: {  	s9 =	sadd.s32 $0x1000, s0;
	s0 =	sadd.s32 $0x7A2100, s0;
	s6 =	sor.u32 s1, s2  }
0x6: {  	s1 =	ssub.s32 $0x2, s1;
	_ =	strace $0x80000047;
	[dreg:$0x5] =	wrdreg s9  }
0x7: {  	[dreg:$0x10] =	wrdreg s0;
	s2 =	smul.u32 $0x780, s6;
	s3 =	sor.u32 $0x20, s6  }
0x8: {  	s7 =	sshrl.u32 s1, $0x1;
	s20 =	sor.u32 $0x800, s6;
	s23 =	sor.u32 $0x40, s6  }
0x9: {  	s24 =	sor.u32 $0x60, s6;
	s25 =	sshll.u32 s6, $0x7;
	[dreg:$0x4] =	wrdreg s6  }
0xa: {  	s8 =	smul.u32 $0x780, s3;
	s1 =	ssub.s32 s1, s7;
	[dreg:$0x8] =	wrdreg s23  }
0xb: {  	s22 =	smul.u32 $0x780, s20;
	[dreg:$0x9] =	wrdreg s24;
	s2 =	sadd.s32 s4, s2  }
0xc: {  	s7 =	smul.u32 $0xF00, s20;
	s31 =	smax.u32 s1, $0x1;
	[dreg:$0x6] =	wrdreg s2  }
0xd: {  	v0 =	vlaneseq.u32;
	s3 =	sshll.u32 s3, $0x7;
	s21 =	sadd.s32 s4, s8;
	[dreg:$0x11] =	wrdreg s31  }
0xe: {  	v0 =	vmul.u32 $0x10, v0;
	s3 =	sadd.s32 $0x3CF000, s3;
	s2 =	sadd.s32 s4, s22;
	[dreg:$0x7] =	wrdreg s21  }
0xf: {  	s7 =	sadd.s32 s9, s7;
	s28 =	sshll.u32 s3, $0x1;
	[dreg:$0xa] =	wrdreg s2  }
.Ltmp0:
0x10: {  	v1 =	vor.u32 $0x1, v0;
	v2 =	vor.u32 $0x2, v0;
	v4 =	vor.u32 $0x4, v0;
	s29 =	sadd.s32 s4, s3;
	[dreg:$0xb] =	wrdreg s7;
	(pc) =	sbr.rel .LBB2_1-.Ltmp0, $4  }
0x11: {  	v3 =	vor.u32 $0x3, v0;
	v5 =	vor.u32 $0x5, v0;
	v6 =	vor.u32 $0x6, v0;
	s2 =	sor.u32 $0x3CF000, s25;
	[dreg:$0xe] =	wrdreg s29;
	s30 =	sadd.s32 s9, s28  }
0x12: {  	v7 =	vor.u32 $0x7, v0;
	v8 =	vor.u32 $0x8, v0;
	v9 =	vor.u32 $0x9, v0;
	s26 =	sadd.s32 s4, s2;
	s2 =	sshll.u32 s2, $0x1;
	[dreg:$0xf] =	wrdreg s30  }
0x13: {  	v10 =	vor.u32 $0xA, v0;
	v11 =	vor.u32 $0xB, v0;
	v12 =	vor.u32 $0xC, v0;
	p0 =	sgt.u32 s6, $0x10;
	[dreg:$0xc] =	wrdreg s26;
	s2 =	sadd.s32 s9, s2  }
0x14: {  	p1 =	sne.s32 s6, $0x1F;
	v13 =	vor.u32 $0xD, v0;
	v14 =	vor.u32 $0xE, v0;
	v15 =	vor.u32 $0xF, v0;
	s1 =	simm.s32 $0x0;
	[dreg:$0xd] =	wrdreg s2  }
.LBB2_20:
0x15: {  	s0 =	simm.s32 @!p1 $0x0;
	s1 =	simm.s32 @!p1 $0x1E000;
	s2 =	rddreg [dreg:$0x1]  }
0x16: {  	[tilespmem:s1], [sflag:$0x5] =	stream.linear.gather @!p1 [hbm4b:s2+s0], $0x400, $0x38;
	[tilespmem:$0x1E400] =	vst v63  }
0x17: {  	s2 =	simm.s32 @!p1 $0x5  }
0x18: {  	_ =	swait.ge @!p1 [sflag:s2], $0x400  }
0x19: {  	[sflag:s2] =	ssyncset.done @!p1 $0x0  }
0x1a: {  	s3 =	rddreg [dreg:$0x10];
	[sflag:s2] =	ssyncadd.s32 @!p1 $0xFFFFFC00  }
0x1b: {  	[hbm4b:s3+s0] =	stream.linear.scatter @!p1 [tilespmem:s1], [sflag:$0x5], $0x400, $0x38;
	[tilespmem:$0x1E400] =	vst v63  }
0x1c: {  	_ =	swait.ge @!p1 [sflag:s2], $0x400  }
0x1d: {  	[sflag:s2] =	ssyncset.done @!p1 $0x0  }
0x1e: {  	s1 =	rddreg [dreg:$0x12];
	[sflag:s2] =	ssyncadd.s32 @!p1 $0xFFFFFC00  }
.LBB2_21:
0x1f: {  	s1 =	sadd.s32 $0x1, s1;
	s0 =	rddreg [dreg:$0x11]  }
0x20: {  	p2 =	sne.s32 s1, s0  }
.Ltmp1:
0x21: {  	_ = 	snop;
	(pc) =	sbr.rel @!p2 .LBB2_22-.Ltmp1, $1  }
0x22: {  	_ =	sdelay $0x3  }
.LBB2_1:
0x23: {  	[dreg:$0x12] =	wrdreg s1  }
0x24: {  	s0 =	rddreg [dreg:$0x6];
	s29 =	simm.s32 $0x3C00;
	s2 =	simm.s32 $0x1E84800  }
0x25: {  	[tilespmem:s5], [sflag:$0x1] =	stream.strided.gather [hbm4b:s0+s29], $0x7800, s2, s29, $0x38;
	[tilespmem:$0x1E400] =	vst v63  }
0x26: {  	s30 =	rddreg [dreg:$0x7];
	s3 =	simm.s32 $0x7800;
	s31 =	simm.s32 $0x0  }
0x27: {  	[tilespmem:s3], [sflag:$0x2] =	stream.strided.gather [hbm4b:s30+s29], $0x7800, s2, s29, $0x38;
	[tilespmem:$0x1E400] =	vst v63  }
.LBB2_2:
0x28: {  	s0 =	simm.s32 $0x1  }
0x29: {  	p2 =	seq.s32 s31, $0x0;
	_ =	swait.ge [sflag:s0], $0x7800  }
0x2a: {  	s1 =	simm.s32 $0x0;
	s3 =	simm.s32 $0x0;
	[sflag:s0] =	ssyncset.done $0x0  }
0x2b: {  	s2 =	sand.u32 $0x3, s1;
	[sflag:s0] =	ssyncadd.s32 $0xFFFF8800;
	s0 =	simm.s32 @!p2 $0x3  }
0x2c: {  	s7 =	sand.u32 $0x3C00, s1;
	s3 =	sand.u32 $0x60, s3;
	_ =	swait.ge @!p2 [sflag:s0], $0x7800  }
0x2d: {  	s2 =	sshll.u32 s2, $0x5;
	s9 =	sadd.s32 $0x3F80, s7;
	[sflag:s0] =	ssyncset.done @!p2 $0x0  }
0x2e: {  	s14 =	sor.u32 s3, s9;
	s2 =	sadd.s32 $0x0, s2;
	[sflag:s0] =	ssyncadd.s32 @!p2 $0xFFFF8800  }
0x2f: {  	s16 =	sadd.s32 $0x3C00, s7;
	s8 =	sor.u32 $0x380, s2;
	v16 =	vld [tilespmem:s14+$0x0]  }
0x30: {  	s15 =	sor.u32 s3, s16;
	v17 =	vld [tilespmem:s8+$0x0]  }
0x31: {  	s17 =	sor.u32 s3, s7;
	v18 =	vld [tilespmem:s15+$0x0]  }
0x32: {  	v19 =	vld [tilespmem:s17+$0x280]  }
0x33: {  	s11 =	sadd.s32 $0x3D00, s7;
	v20 =	vld [tilespmem:s17+$0x200]  }
0x34: {  	s12 =	sadd.s32 $0x3E80, s7;
	s18 =	sor.u32 s3, s11;
	v21 =	vld [tilespmem:s17+$0x100]  }
0x35: {  	s13 =	sor.u32 s3, s12;
	v22 =	vld [tilespmem:s18+$0x0]  }
0x36: {  	v23 =	vld [tilespmem:s13+$0x0]  }
0x37: {  	v24 =	vld [tilespmem:s17+$0x180]  }
0x38: {  	v26 =	vld [tilespmem:s17+$0x80]  }
0x39: {  	s2 =	sor.u32 $0x300, s2;
	s14 =	sadd.s32 $0x3F00, s7;
	v27 =	vld [tilespmem:s17+$0x0]  }
0x3a: {  	s15 =	sadd.s32 $0x3D80, s7;
	v29 =	vld [tilespmem:s2+$0x0];
	s19 =	sor.u32 s3, s14  }
0x3b: {  	s18 =	sadd.s32 $0x3E00, s7;
	s20 =	sor.u32 s3, s15;
	v25 =	vld [tilespmem:s19+$0x0]  }
0x3c: {  	s13 =	sadd.s32 $0x3C80, s7;
	s21 =	sor.u32 s3, s18;
	v28 =	vld [tilespmem:s20+$0x0]  }
0x3d: {  	s22 =	sor.u32 s3, s13;
	s3 =	simm.s32 $0xF100;
	v30 =	vld [tilespmem:s21+$0x0]  }
0x3e: {  	v31 =	vld [tilespmem:s22+$0x0];
	[tilespmem:v0+s3+$0xFFFFFF00] =	vst.idx.msk $0xffff, v27  }
0x3f: {  	[tilespmem:v1+s3+$0xFFFFFF00] =	vst.idx.msk $0xffff, v26  }
0x40: {  	[tilespmem:v2+s3+$0xFFFFFF00] =	vst.idx.msk $0xffff, v21  }
0x41: {  	[tilespmem:v3+s3+$0xFFFFFF00] =	vst.idx.msk $0xffff, v24  }
0x42: {  	[tilespmem:v4+s3+$0xFFFFFF00] =	vst.idx.msk $0xffff, v20  }
0x43: {  	[tilespmem:v5+s3+$0xFFFFFF00] =	vst.idx.msk $0xffff, v19  }
0x44: {  	[tilespmem:v6+s3+$0xFFFFFF00] =	vst.idx.msk $0xffff, v29  }
0x45: {  	[tilespmem:v7+s3+$0xFFFFFF00] =	vst.idx.msk $0xffff, v17  }
0x46: {  	[tilespmem:v8+s3+$0xFFFFFF00] =	vst.idx.msk $0xffff, v18  }
0x47: {  	[tilespmem:v9+s3+$0xFFFFFF00] =	vst.idx.msk $0xffff, v31  }
0x48: {  	[tilespmem:v10+s3+$0xFFFFFF00] =	vst.idx.msk $0xffff, v22  }
0x49: {  	[tilespmem:v11+s3+$0xFFFFFF00] =	vst.idx.msk $0xffff, v28  }
0x4a: {  	[tilespmem:v12+s3+$0xFFFFFF00] =	vst.idx.msk $0xffff, v30  }
0x4b: {  	s17 =	simm.s32 $0x10;
	[tilespmem:v13+s3+$0xFFFFFF00] =	vst.idx.msk $0xffff, v23  }
0x4c: {  	s23 =	sshll.u32 s31, $0x6;
	s24 =	rddreg [dreg:$0x4];
	s28 =	sand.u32 $0x70, s17;
	[tilespmem:v14+s3+$0xFFFFFF00] =	vst.idx.msk $0xffff, v25  }
0x4d: {  	[dreg:$0x13] =	wrdreg s23;
	s0 =	sor.u32 s24, s23;
	s21 =	sor.u32 s28, s7;
	[tilespmem:v15+s3+$0xFFFFFF00] =	vst.idx.msk $0xffff, v16  }
0x4e: {  	s1 =	sand.u32 $0x7, s1;
	[dreg:$0x14] =	wrdreg s0;
	s25 =	sor.u32 s28, s9;
	v20 =	vld [tilespmem:s21+$0x0]  }
0x4f: {  	s8 =	simm.s32 $0x0;
	s30 =	sor.u32 s28, s11;
	s26 =	sor.u32 s28, s14;
	v16 =	vld [tilespmem:s25+$0x0]  }
0x50: {  	s29 =	sor.u32 s28, s12;
	s18 =	sor.u32 s28, s18;
	s11 =	simm.s32 $0x100;
	v17 =	vld [tilespmem:s26+$0x0]  }
0x51: {  	s12 =	simm.s32 $0x1;
	s9 =	sor.u32 s28, s15;
	s14 =	simm.s32 $0x110;
	v18 =	vld [tilespmem:s29+$0x0]  }
0x52: {  	s15 =	simm.s32 $0x10;
	s7 =	simm.s32 $0xF100;
	v19 =	vld [tilespmem:s18+$0x0];
	s18 =	simm.s32 $0x2  }
.LBB2_3:
0x53: {  	s8 =	sadd.s32 $0x2, s8;
	v21 =	vld [tilespmem:s9+$0x0];
	s3 =	sadd.s32 $0x200, s3;
	s17 =	sadd.s32 $0x20, s17  }
0x54: {  	s1 =	sshll.u32 s1, $0x4;
	s9 =	sor.u32 s28, s13;
	p3 =	slt.u32 s8, $0x76;
	v22 =	vld [tilespmem:s30+$0x0]  }
0x55: {  	s13 =	sor.u32 s28, s16;
	s1 =	sadd.s32 s1, s15;
	s15 =	smov.u32 s14;
	v23 =	vld [tilespmem:s9+$0x0]  }
0x56: {  	s9 =	sor.u32 $0x380, s1;
	v24 =	vld [tilespmem:s13+$0x0]  }
0x57: {  	s1 =	sor.u32 $0x300, s1;
	v25 =	vld [tilespmem:s9+$0x0]  }
0x58: {  	v26 =	vld [tilespmem:s1+$0x0]  }
0x59: {  	v27 =	vld [tilespmem:s21+$0x280]  }
0x5a: {  	v28 =	vld [tilespmem:s21+$0x80]  }
0x5b: {  	v29 =	vld [tilespmem:s21+$0x100]  }
0x5c: {  	v30 =	vld [tilespmem:s21+$0x180]  }
0x5d: {  	v31 =	vld [tilespmem:s21+$0x200]  }
0x5e: {  	[tilespmem:v0+s7+$0x0] =	vst.idx.msk $0xffff, v20  }
0x5f: {  	[tilespmem:v1+s7+$0x0] =	vst.idx.msk $0xffff, v28  }
0x60: {  	[tilespmem:v2+s7+$0x0] =	vst.idx.msk $0xffff, v29  }
0x61: {  	[tilespmem:v3+s7+$0x0] =	vst.idx.msk $0xffff, v30  }
0x62: {  	[tilespmem:v4+s7+$0x0] =	vst.idx.msk $0xffff, v31  }
0x63: {  	[tilespmem:v5+s7+$0x0] =	vst.idx.msk $0xffff, v27  }
0x64: {  	[tilespmem:v6+s7+$0x0] =	vst.idx.msk $0xffff, v26  }
0x65: {  	[tilespmem:v7+s7+$0x0] =	vst.idx.msk $0xffff, v25  }
0x66: {  	s28 =	sand.u32 $0x70, s17;
	[tilespmem:v8+s7+$0x0] =	vst.idx.msk $0xffff, v24  }
0x67: {  	s9 =	sadd.s32 $0xFFFFFFF0, s17;
	s1 =	sand.u32 $0x3, s12;
	s21 =	sand.u32 $0x3C00, s11;
	[tilespmem:v9+s7+$0x0] =	vst.idx.msk $0xffff, v23  }
0x68: {  	s30 =	sand.u32 $0x60, s9;
	s16 =	sadd.s32 $0x3C00, s21;
	s9 =	sadd.s32 $0x3E80, s21;
	[tilespmem:v10+s7+$0x0] =	vst.idx.msk $0xffff, v22  }
0x69: {  	s20 =	sshll.u32 s1, $0x5;
	s19 =	sor.u32 s30, s21;
	s10 =	sor.u32 s30, s16;
	[tilespmem:v11+s7+$0x0] =	vst.idx.msk $0xffff, v21  }
0x6a: {  	s29 =	sadd.s32 $0x3D80, s21;
	s26 =	sadd.s32 $0x3E00, s21;
	s23 =	sadd.s32 $0x3F80, s21;
	[tilespmem:v12+s7+$0x0] =	vst.idx.msk $0xffff, v19  }
0x6b: {  	s13 =	sadd.s32 $0x3C80, s21;
	s1 =	sadd.s32 $0x3F00, s21;
	s5 =	sor.u32 s30, s23;
	[tilespmem:v13+s7+$0x0] =	vst.idx.msk $0xffff, v18  }
0x6c: {  	s25 =	sor.u32 s30, s13;
	s4 =	sor.u32 s30, s29;
	s22 =	sor.u32 s30, s9;
	[tilespmem:v14+s7+$0x0] =	vst.idx.msk $0xffff, v17  }
0x6d: {  	s20 =	sadd.s32 s20, s11;
	s24 =	sadd.s32 $0x3D00, s21;
	s6 =	sor.u32 s30, s26;
	[tilespmem:v15+s7+$0x0] =	vst.idx.msk $0xffff, v16  }
0x6e: {  	s2 =	sor.u32 s30, s24;
	s0 =	sor.u32 s30, s1;
	s7 =	sor.u32 $0x380, s20;
	v16 =	vld [tilespmem:s5+$0x0]  }
0x6f: {  	s30 =	sor.u32 s28, s24;
	v17 =	vld [tilespmem:s7+$0x0];
	s7 =	smov.u32 s3  }
0x70: {  	v18 =	vld [tilespmem:s10+$0x0]  }
0x71: {  	v19 =	vld [tilespmem:s19+$0x280]  }
0x72: {  	v20 =	vld [tilespmem:s19+$0x200]  }
0x73: {  	v21 =	vld [tilespmem:s19+$0x100]  }
0x74: {  	v22 =	vld [tilespmem:s2+$0x0]  }
0x75: {  	v23 =	vld [tilespmem:s22+$0x0]  }
0x76: {  	v24 =	vld [tilespmem:s19+$0x180]  }
0x77: {  	v25 =	vld [tilespmem:s0+$0x0]  }
0x78: {  	v26 =	vld [tilespmem:s19+$0x80]  }
0x79: {  	v27 =	vld [tilespmem:s19+$0x0]  }
0x7a: {  	s0 =	sor.u32 $0x300, s20;
	v28 =	vld [tilespmem:s4+$0x0]  }
0x7b: {  	v29 =	vld [tilespmem:s0+$0x0]  }
0x7c: {  	v30 =	vld [tilespmem:s6+$0x0]  }
0x7d: {  	v31 =	vld [tilespmem:s25+$0x0]  }
0x7e: {  	[tilespmem:v0+s3+$0xFFFFFF00] =	vst.idx.msk $0xffff, v27  }
0x7f: {  	[tilespmem:v1+s3+$0xFFFFFF00] =	vst.idx.msk $0xffff, v26  }
0x80: {  	[tilespmem:v2+s3+$0xFFFFFF00] =	vst.idx.msk $0xffff, v21  }
0x81: {  	[tilespmem:v3+s3+$0xFFFFFF00] =	vst.idx.msk $0xffff, v24  }
0x82: {  	[tilespmem:v4+s3+$0xFFFFFF00] =	vst.idx.msk $0xffff, v20  }
0x83: {  	[tilespmem:v5+s3+$0xFFFFFF00] =	vst.idx.msk $0xffff, v19  }
0x84: {  	[tilespmem:v6+s3+$0xFFFFFF00] =	vst.idx.msk $0xffff, v29  }
0x85: {  	[tilespmem:v7+s3+$0xFFFFFF00] =	vst.idx.msk $0xffff, v17  }
0x86: {  	[tilespmem:v8+s3+$0xFFFFFF00] =	vst.idx.msk $0xffff, v18  }
0x87: {  	[tilespmem:v9+s3+$0xFFFFFF00] =	vst.idx.msk $0xffff, v31  }
0x88: {  	[tilespmem:v10+s3+$0xFFFFFF00] =	vst.idx.msk $0xffff, v22  }
0x89: {  	[tilespmem:v11+s3+$0xFFFFFF00] =	vst.idx.msk $0xffff, v28  }
0x8a: {  	[tilespmem:v12+s3+$0xFFFFFF00] =	vst.idx.msk $0xffff, v30  }
0x8b: {  	[tilespmem:v13+s3+$0xFFFFFF00] =	vst.idx.msk $0xffff, v23  }
0x8c: {  	[tilespmem:v14+s3+$0xFFFFFF00] =	vst.idx.msk $0xffff, v25  }
0x8d: {  	s21 =	sor.u32 s28, s21;
	[tilespmem:v15+s3+$0xFFFFFF00] =	vst.idx.msk $0xffff, v16  }
.Ltmp2:
0x8e: {  	s0 =	sor.u32 s28, s23;
	v20 =	vld [tilespmem:s21+$0x0];
	(pc) =	sbr.rel @p3 .LBB2_3-.Ltmp2, $4  }
0x8f: {  	s2 =	sor.u32 s28, s1;
	v16 =	vld [tilespmem:s0+$0x0]  }
0x90: {  	s1 =	sand.u32 $0x7, s18;
	s0 =	sor.u32 s28, s9;
	v17 =	vld [tilespmem:s2+$0x0]  }
0x91: {  	s12 =	sadd.s32 $0x1, s12;
	s11 =	sadd.s32 $0x100, s11;
	s2 =	sor.u32 s28, s26;
	v18 =	vld [tilespmem:s0+$0x0]  }
0x92: {  	s14 =	sadd.s32 $0x100, s14;
	s18 =	sadd.s32 $0x2, s18;
	s9 =	sor.u32 s28, s29;
	v19 =	vld [tilespmem:s2+$0x0]  }
0x93: {  	v21 =	vld [tilespmem:s9+$0x0]  }
0x94: {  	v22 =	vld [tilespmem:s30+$0x0]  }
0x95: {  	v27 =	vld [tilespmem:s21+$0x280]  }
0x96: {  	v28 =	vld [tilespmem:s21+$0x80]  }
0x97: {  	v29 =	vld [tilespmem:s21+$0x100]  }
0x98: {  	v30 =	vld [tilespmem:s21+$0x180]  }
0x99: {  	s0 =	sshll.u32 s1, $0x4;
	s25 =	sor.u32 s28, s13;
	v31 =	vld [tilespmem:s21+$0x200]  }
0x9a: {  	s2 =	sor.u32 s28, s16;
	s0 =	sadd.s32 s0, s15;
	v23 =	vld [tilespmem:s25+$0x0]  }
0x9b: {  	v24 =	vld [tilespmem:s2+$0x0];
	s26 =	sor.u32 $0x380, s0  }
0x9c: {  	s0 =	sor.u32 $0x300, s0;
	v25 =	vld [tilespmem:s26+$0x0]  }
0x9d: {  	v26 =	vld [tilespmem:s0+$0x0];
	[tilespmem:v0+s7+$0x0] =	vst.idx.msk $0xffff, v20  }
0x9e: {  	[tilespmem:v1+s7+$0x0] =	vst.idx.msk $0xffff, v28  }
0x9f: {  	[tilespmem:v2+s7+$0x0] =	vst.idx.msk $0xffff, v29  }
0xa0: {  	[tilespmem:v3+s7+$0x0] =	vst.idx.msk $0xffff, v30  }
0xa1: {  	[tilespmem:v4+s7+$0x0] =	vst.idx.msk $0xffff, v31  }
0xa2: {  	[tilespmem:v5+s7+$0x0] =	vst.idx.msk $0xffff, v27  }
0xa3: {  	[tilespmem:v6+s7+$0x0] =	vst.idx.msk $0xffff, v26  }
0xa4: {  	[tilespmem:v7+s7+$0x0] =	vst.idx.msk $0xffff, v25  }
0xa5: {  	[tilespmem:v8+s7+$0x0] =	vst.idx.msk $0xffff, v24  }
0xa6: {  	[tilespmem:v9+s7+$0x0] =	vst.idx.msk $0xffff, v23  }
0xa7: {  	[tilespmem:v10+s7+$0x0] =	vst.idx.msk $0xffff, v22  }
0xa8: {  	p3 =	sne.s32 s31, $0x1F;
	[tilespmem:v11+s7+$0x0] =	vst.idx.msk $0xffff, v21  }
.Ltmp3:
0xa9: {  	s28 =	rddreg [dreg:$0x14];
	[tilespmem:v12+s7+$0x0] =	vst.idx.msk $0xffff, v19;
	(pc) =	sbr.rel @p3 .LBB2_6-.Ltmp3, $4  }
0xaa: {  	s0 =	smul.u32 $0xF00, s28;
	[tilespmem:v13+s7+$0x0] =	vst.idx.msk $0xffff, v18  }
0xab: {  	s29 =	rddreg [dreg:$0x5];
	[tilespmem:v14+s7+$0x0] =	vst.idx.msk $0xffff, v17  }
0xac: {  	s24 =	simm.s32 $0x0;
	s30 =	simm.s32 $0xF000;
	s0 =	sadd.s32 s29, s0;
	[tilespmem:v15+s7+$0x0] =	vst.idx.msk $0xffff, v16  }
0xad: {  	[hbm4b:s0+s24] =	stream.linear.scatter [tilespmem:s30], [sflag:$0x3], $0x7800, $0x38;
	[tilespmem:$0x1E400] =	vst v63  }
.Ltmp4:
0xae: {  	(pc) =	sbr.rel .LBB2_7-.Ltmp4, $4  }
0xaf: {  	s0 =	simm.s32 $0x2  }
0xb0: {  	_ =	swait.ge [sflag:s0], $0x7800  }
0xb1: {  	[sflag:s0] =	ssyncset.done $0x0  }
0xb2: {  	s25 =	rddreg [dreg:$0x13];
	[sflag:s0] =	ssyncadd.s32 $0xFFFF8800  }
.LBB2_6:
0xb3: {  	s0 =	rddreg [dreg:$0x8]  }
0xb4: {  	s25 =	rddreg [dreg:$0x13]  }
0xb5: {  	s0 =	sadd.s32 s0, s25  }
0xb6: {  	s0 =	smul.u32 $0x780, s0  }
0xb7: {  	s1 =	rddreg [dreg:$0x0];
	s29 =	simm.s32 $0x3C00;
	s2 =	simm.s32 $0x1E84800  }
.Ltmp5:
0xb8: {  	s30 =	simm.s32 $0x2;
	s0 =	sadd.s32 s1, s0;
	(pc) =	sbr.rel @p2 .LBB2_8-.Ltmp5, $4  }
0xb9: {  	[tilespmem:s24], [sflag:$0x1] =	stream.strided.gather [hbm4b:s0+s29], $0x7800, s2, s29, $0x38;
	[tilespmem:$0x1E400] =	vst v63  }
0xba: {  	_ =	swait.ge [sflag:s30], $0x7800  }
0xbb: {  	[sflag:s30] =	ssyncset.done $0x0  }
0xbc: {  	[sflag:s30] =	ssyncadd.s32 $0xFFFF8800  }
.LBB2_7:
0xbd: {  	s0 =	simm.s32 $0x4  }
0xbe: {  	_ =	swait.ge [sflag:s0], $0x7800  }
0xbf: {  	[sflag:s0] =	ssyncset.done $0x0  }
0xc0: {  	[sflag:s0] =	ssyncadd.s32 $0xFFFF8800  }
.LBB2_8:
0xc1: {  	s1 =	simm.s32 $0x0  }
0xc2: {  	s2 =	simm.s32 $0x0;
	s3 =	sand.u32 $0x3C00, s1  }
0xc3: {  	s2 =	sand.u32 $0x60, s2;
	s5 =	sadd.s32 $0x7800, s3  }
0xc4: {  	s30 =	sor.u32 s2, s5  }
0xc5: {  	s17 =	sadd.s32 $0xB400, s3;
	v18 =	vld [tilespmem:s30+$0x280]  }
0xc6: {  	s11 =	sor.u32 s2, s17;
	v19 =	vld [tilespmem:s30+$0x180]  }
0xc7: {  	s6 =	sadd.s32 $0xB780, s3;
	v20 =	vld [tilespmem:s11+$0x0]  }
0xc8: {  	s12 =	sadd.s32 $0xB480, s3;
	s7 =	sor.u32 s2, s6;
	v21 =	vld [tilespmem:s30+$0x100]  }
0xc9: {  	s8 =	sadd.s32 $0xB700, s3;
	s9 =	sor.u32 s2, s12;
	v22 =	vld [tilespmem:s7+$0x0]  }
0xca: {  	s10 =	sadd.s32 $0xB600, s3;
	s13 =	sor.u32 s2, s8;
	v23 =	vld [tilespmem:s9+$0x0]  }
0xcb: {  	s14 =	sor.u32 s2, s10;
	v24 =	vld [tilespmem:s13+$0x0]  }
0xcc: {  	v25 =	vld [tilespmem:s14+$0x0]  }
0xcd: {  	s0 =	sand.u32 $0x3, s1;
	v26 =	vld [tilespmem:s30+$0x80]  }
0xce: {  	s0 =	sshll.u32 s0, $0x5;
	s15 =	sadd.s32 $0xB680, s3;
	v27 =	vld [tilespmem:s30+$0x0]  }
0xcf: {  	s0 =	sadd.s32 $0x0, s0;
	s18 =	sor.u32 s2, s15;
	v28 =	vld [tilespmem:s30+$0x200]  }
0xd0: {  	s4 =	sor.u32 $0x380, s0;
	v29 =	vld [tilespmem:s18+$0x0]  }
0xd1: {  	s0 =	sor.u32 $0x300, s0;
	s11 =	sadd.s32 $0xB500, s3;
	v16 =	vld [tilespmem:s4+$0x7800]  }
0xd2: {  	s19 =	sadd.s32 $0xB580, s3;
	v17 =	vld [tilespmem:s0+$0x7800];
	s20 =	sor.u32 s2, s11  }
0xd3: {  	s3 =	simm.s32 $0x16900;
	s2 =	sor.u32 s2, s19;
	v30 =	vld [tilespmem:s20+$0x0]  }
0xd4: {  	v31 =	vld [tilespmem:s2+$0x0];
	[tilespmem:v0+s3+$0xFFFFFF00] =	vst.idx.msk $0xffff, v27  }
0xd5: {  	[tilespmem:v1+s3+$0xFFFFFF00] =	vst.idx.msk $0xffff, v26  }
0xd6: {  	[tilespmem:v2+s3+$0xFFFFFF00] =	vst.idx.msk $0xffff, v21  }
0xd7: {  	[tilespmem:v3+s3+$0xFFFFFF00] =	vst.idx.msk $0xffff, v19  }
0xd8: {  	[tilespmem:v4+s3+$0xFFFFFF00] =	vst.idx.msk $0xffff, v28  }
0xd9: {  	[tilespmem:v5+s3+$0xFFFFFF00] =	vst.idx.msk $0xffff, v18  }
0xda: {  	[tilespmem:v6+s3+$0xFFFFFF00] =	vst.idx.msk $0xffff, v17  }
0xdb: {  	[tilespmem:v7+s3+$0xFFFFFF00] =	vst.idx.msk $0xffff, v16  }
0xdc: {  	[tilespmem:v8+s3+$0xFFFFFF00] =	vst.idx.msk $0xffff, v20  }
0xdd: {  	[tilespmem:v9+s3+$0xFFFFFF00] =	vst.idx.msk $0xffff, v23  }
0xde: {  	[tilespmem:v10+s3+$0xFFFFFF00] =	vst.idx.msk $0xffff, v30  }
0xdf: {  	[tilespmem:v11+s3+$0xFFFFFF00] =	vst.idx.msk $0xffff, v31  }
0xe0: {  	[tilespmem:v12+s3+$0xFFFFFF00] =	vst.idx.msk $0xffff, v25  }
0xe1: {  	s16 =	simm.s32 $0x10;
	[tilespmem:v13+s3+$0xFFFFFF00] =	vst.idx.msk $0xffff, v29  }
0xe2: {  	s28 =	sand.u32 $0x70, s16;
	[tilespmem:v14+s3+$0xFFFFFF00] =	vst.idx.msk $0xffff, v24  }
0xe3: {  	s21 =	sor.u32 s28, s6;
	[tilespmem:v15+s3+$0xFFFFFF00] =	vst.idx.msk $0xffff, v22  }
0xe4: {  	s29 =	sor.u32 s28, s5;
	v16 =	vld [tilespmem:s21+$0x0]  }
0xe5: {  	v20 =	vld [tilespmem:s29+$0x80]  }
0xe6: {  	v21 =	vld [tilespmem:s29+$0x100]  }
0xe7: {  	v22 =	vld [tilespmem:s29+$0x180]  }
0xe8: {  	s1 =	sand.u32 $0x7, s1;
	s22 =	sor.u32 s28, s8;
	v23 =	vld [tilespmem:s29+$0x200]  }
0xe9: {  	s23 =	sor.u32 s28, s15;
	s26 =	sor.u32 s28, s10;
	s8 =	simm.s32 $0x100;
	v17 =	vld [tilespmem:s22+$0x0]  }
0xea: {  	s15 =	simm.s32 $0x30;
	s7 =	simm.s32 $0x0;
	s13 =	sor.u32 s28, s12;
	v18 =	vld [tilespmem:s23+$0x0]  }
0xeb: {  	s30 =	sor.u32 s28, s19;
	s12 =	simm.s32 $0x110;
	s14 =	simm.s32 $0x2;
	v19 =	vld [tilespmem:s26+$0x0]  }
0xec: {  	s18 =	simm.s32 $0x1;
	s9 =	sor.u32 s28, s11;
	s11 =	simm.s32 $0x16900;
	v24 =	vld [tilespmem:s30+$0x0]  }
.LBB2_9:
0xed: {  	s0 =	sand.u32 $0x3, s18;
	s7 =	sadd.s32 $0x2, s7;
	v25 =	vld [tilespmem:s9+$0x0];
	s3 =	sadd.s32 $0x200, s3  }
0xee: {  	s1 =	sshll.u32 s1, $0x4;
	s0 =	sshll.u32 s0, $0x5;
	p2 =	slt.u32 s7, $0x76;
	v26 =	vld [tilespmem:s13+$0x0]  }
0xef: {  	s2 =	sor.u32 s28, s17;
	s1 =	sadd.s32 s1, s16;
	s16 =	smov.u32 s12;
	v27 =	vld [tilespmem:s29+$0x0]  }
0xf0: {  	s4 =	sor.u32 $0x380, s1;
	v28 =	vld [tilespmem:s2+$0x0]  }
0xf1: {  	s1 =	sor.u32 $0x300, s1;
	v29 =	vld [tilespmem:s4+$0x7800]  }
0xf2: {  	v30 =	vld [tilespmem:s1+$0x7800]  }
0xf3: {  	v31 =	vld [tilespmem:s29+$0x280]  }
0xf4: {  	[tilespmem:v0+s11+$0x0] =	vst.idx.msk $0xffff, v27  }
0xf5: {  	[tilespmem:v1+s11+$0x0] =	vst.idx.msk $0xffff, v20  }
0xf6: {  	[tilespmem:v2+s11+$0x0] =	vst.idx.msk $0xffff, v21  }
0xf7: {  	[tilespmem:v3+s11+$0x0] =	vst.idx.msk $0xffff, v22  }
0xf8: {  	[tilespmem:v4+s11+$0x0] =	vst.idx.msk $0xffff, v23  }
0xf9: {  	[tilespmem:v5+s11+$0x0] =	vst.idx.msk $0xffff, v31  }
0xfa: {  	[tilespmem:v6+s11+$0x0] =	vst.idx.msk $0xffff, v30  }
0xfb: {  	[tilespmem:v7+s11+$0x0] =	vst.idx.msk $0xffff, v29  }
0xfc: {  	[tilespmem:v8+s11+$0x0] =	vst.idx.msk $0xffff, v28  }
0xfd: {  	[tilespmem:v9+s11+$0x0] =	vst.idx.msk $0xffff, v26  }
0xfe: {  	[tilespmem:v10+s11+$0x0] =	vst.idx.msk $0xffff, v25  }
0xff: {  	s0 =	sadd.s32 s0, s8;
	[tilespmem:v11+s11+$0x0] =	vst.idx.msk $0xffff, v24  }
0x100: {  	s28 =	sand.u32 $0x70, s15;
	s2 =	sor.u32 $0x300, s0;
	[tilespmem:v12+s11+$0x0] =	vst.idx.msk $0xffff, v19  }
0x101: {  	s0 =	sor.u32 $0x380, s0;
	s4 =	sand.u32 $0x3C00, s8;
	s1 =	sadd.s32 $0xFFFFFFF0, s15;
	[tilespmem:v13+s11+$0x0] =	vst.idx.msk $0xffff, v18  }
0x102: {  	s23 =	sadd.s32 $0x7800, s4;
	s21 =	sadd.s32 $0xB680, s4;
	s5 =	sand.u32 $0x60, s1;
	[tilespmem:v14+s11+$0x0] =	vst.idx.msk $0xffff, v17  }
0x103: {  	s17 =	sadd.s32 $0xB400, s4;
	s6 =	sadd.s32 $0xB480, s4;
	s29 =	sadd.s32 $0xB780, s4;
	[tilespmem:v15+s11+$0x0] =	vst.idx.msk $0xffff, v16  }
0x104: {  	s9 =	sadd.s32 $0xB500, s4;
	s26 =	sadd.s32 $0xB580, s4;
	s1 =	sadd.s32 $0xB700, s4;
	v16 =	vld [tilespmem:s0+$0x7800]  }
0x105: {  	s10 =	sor.u32 s5, s1;
	s0 =	sor.u32 s5, s23;
	v17 =	vld [tilespmem:s2+$0x7800];
	s2 =	sor.u32 s5, s21  }
0x106: {  	s30 =	sadd.s32 $0xB600, s4;
	s19 =	sor.u32 s5, s9;
	s4 =	sor.u32 s5, s29;
	v18 =	vld [tilespmem:s0+$0x280]  }
0x107: {  	s20 =	sor.u32 s5, s26;
	s22 =	sor.u32 s5, s30;
	s11 =	sor.u32 s5, s17;
	v19 =	vld [tilespmem:s0+$0x180]  }
0x108: {  	s13 =	sor.u32 s28, s6;
	s5 =	sor.u32 s5, s6;
	v20 =	vld [tilespmem:s11+$0x0];
	s11 =	smov.u32 s3  }
0x109: {  	v21 =	vld [tilespmem:s0+$0x100]  }
0x10a: {  	v22 =	vld [tilespmem:s4+$0x0]  }
0x10b: {  	v23 =	vld [tilespmem:s5+$0x0]  }
0x10c: {  	v24 =	vld [tilespmem:s10+$0x0]  }
0x10d: {  	v25 =	vld [tilespmem:s22+$0x0]  }
0x10e: {  	v26 =	vld [tilespmem:s0+$0x80]  }
0x10f: {  	v27 =	vld [tilespmem:s0+$0x0]  }
0x110: {  	v28 =	vld [tilespmem:s0+$0x200]  }
0x111: {  	v29 =	vld [tilespmem:s2+$0x0]  }
0x112: {  	v30 =	vld [tilespmem:s19+$0x0]  }
0x113: {  	v31 =	vld [tilespmem:s20+$0x0]  }
0x114: {  	[tilespmem:v0+s3+$0xFFFFFF00] =	vst.idx.msk $0xffff, v27  }
0x115: {  	[tilespmem:v1+s3+$0xFFFFFF00] =	vst.idx.msk $0xffff, v26  }
0x116: {  	[tilespmem:v2+s3+$0xFFFFFF00] =	vst.idx.msk $0xffff, v21  }
0x117: {  	[tilespmem:v3+s3+$0xFFFFFF00] =	vst.idx.msk $0xffff, v19  }
0x118: {  	[tilespmem:v4+s3+$0xFFFFFF00] =	vst.idx.msk $0xffff, v28  }
0x119: {  	[tilespmem:v5+s3+$0xFFFFFF00] =	vst.idx.msk $0xffff, v18  }
0x11a: {  	[tilespmem:v6+s3+$0xFFFFFF00] =	vst.idx.msk $0xffff, v17  }
0x11b: {  	[tilespmem:v7+s3+$0xFFFFFF00] =	vst.idx.msk $0xffff, v16  }
0x11c: {  	[tilespmem:v8+s3+$0xFFFFFF00] =	vst.idx.msk $0xffff, v20  }
0x11d: {  	[tilespmem:v9+s3+$0xFFFFFF00] =	vst.idx.msk $0xffff, v23  }
0x11e: {  	[tilespmem:v10+s3+$0xFFFFFF00] =	vst.idx.msk $0xffff, v30  }
0x11f: {  	[tilespmem:v11+s3+$0xFFFFFF00] =	vst.idx.msk $0xffff, v31  }
0x120: {  	[tilespmem:v12+s3+$0xFFFFFF00] =	vst.idx.msk $0xffff, v25  }
0x121: {  	[tilespmem:v13+s3+$0xFFFFFF00] =	vst.idx.msk $0xffff, v29  }
0x122: {  	[tilespmem:v14+s3+$0xFFFFFF00] =	vst.idx.msk $0xffff, v24  }
0x123: {  	s0 =	sor.u32 s28, s29;
	[tilespmem:v15+s3+$0xFFFFFF00] =	vst.idx.msk $0xffff, v22  }
0x124: {  	s29 =	sor.u32 s28, s23;
	v16 =	vld [tilespmem:s0+$0x0]  }
0x125: {  	v20 =	vld [tilespmem:s29+$0x80]  }
0x126: {  	v21 =	vld [tilespmem:s29+$0x100]  }
0x127: {  	v22 =	vld [tilespmem:s29+$0x180]  }
.Ltmp6:
0x128: {  	s0 =	sor.u32 s28, s1;
	v23 =	vld [tilespmem:s29+$0x200];
	(pc) =	sbr.rel @p2 .LBB2_9-.Ltmp6, $4  }
0x129: {  	s2 =	sor.u32 s28, s21;
	v17 =	vld [tilespmem:s0+$0x0]  }
0x12a: {  	s8 =	sadd.s32 $0x100, s8;
	s1 =	sand.u32 $0x7, s14;
	s0 =	sor.u32 s28, s30;
	v18 =	vld [tilespmem:s2+$0x0]  }
0x12b: {  	s12 =	sadd.s32 $0x100, s12;
	s14 =	sadd.s32 $0x2, s14;
	s2 =	sor.u32 s28, s26;
	v19 =	vld [tilespmem:s0+$0x0]  }
0x12c: {  	s18 =	sadd.s32 $0x1, s18;
	s15 =	sadd.s32 $0x20, s15;
	s9 =	sor.u32 s28, s9;
	v24 =	vld [tilespmem:s2+$0x0]  }
0x12d: {  	v25 =	vld [tilespmem:s9+$0x0]  }
0x12e: {  	v27 =	vld [tilespmem:s29+$0x0]  }
0x12f: {  	s0 =	sshll.u32 s1, $0x4;
	v26 =	vld [tilespmem:s13+$0x0]  }
0x130: {  	s26 =	sor.u32 s28, s17;
	v31 =	vld [tilespmem:s29+$0x280];
	s0 =	sadd.s32 s0, s16  }
0x131: {  	v28 =	vld [tilespmem:s26+$0x0];
	s2 =	sor.u32 $0x380, s0  }
0x132: {  	s0 =	sor.u32 $0x300, s0;
	v29 =	vld [tilespmem:s2+$0x7800]  }
0x133: {  	v30 =	vld [tilespmem:s0+$0x7800];
	[tilespmem:v0+s11+$0x0] =	vst.idx.msk $0xffff, v27  }
0x134: {  	[tilespmem:v1+s11+$0x0] =	vst.idx.msk $0xffff, v20  }
0x135: {  	[tilespmem:v2+s11+$0x0] =	vst.idx.msk $0xffff, v21  }
0x136: {  	[tilespmem:v3+s11+$0x0] =	vst.idx.msk $0xffff, v22  }
0x137: {  	[tilespmem:v4+s11+$0x0] =	vst.idx.msk $0xffff, v23  }
0x138: {  	[tilespmem:v5+s11+$0x0] =	vst.idx.msk $0xffff, v31  }
0x139: {  	[tilespmem:v6+s11+$0x0] =	vst.idx.msk $0xffff, v30  }
0x13a: {  	[tilespmem:v7+s11+$0x0] =	vst.idx.msk $0xffff, v29  }
0x13b: {  	[tilespmem:v8+s11+$0x0] =	vst.idx.msk $0xffff, v28  }
0x13c: {  	[tilespmem:v9+s11+$0x0] =	vst.idx.msk $0xffff, v26  }
0x13d: {  	s28 =	rddreg [dreg:$0x14];
	[tilespmem:v10+s11+$0x0] =	vst.idx.msk $0xffff, v25  }
0x13e: {  	p2 =	seq.s32 s31, $0x1F;
	s0 =	smul.u32 $0x7800, s28;
	[tilespmem:v11+s11+$0x0] =	vst.idx.msk $0xffff, v24  }
.Ltmp7:
0x13f: {  	[tilespmem:v12+s11+$0x0] =	vst.idx.msk $0xffff, v19;
	(pc) =	sbr.rel @p2 .LBB2_12-.Ltmp7, $4  }
0x140: {  	s29 =	rddreg [dreg:$0x5];
	s0 =	sshrl.u32 s0, $0x3;
	[tilespmem:v13+s11+$0x0] =	vst.idx.msk $0xffff, v18  }
0x141: {  	s0 =	sadd.s32 s29, s0;
	[tilespmem:v14+s11+$0x0] =	vst.idx.msk $0xffff, v17  }
0x142: {  	s30 =	simm.s32 $0x16800;
	s0 =	sadd.s32 $0x1E000, s0;
	[tilespmem:v15+s11+$0x0] =	vst.idx.msk $0xffff, v16  }
0x143: {  	[hbm4b:s0+s24] =	stream.linear.scatter [tilespmem:s30], [sflag:$0x4], $0x7800, $0x38;
	[tilespmem:$0x1E400] =	vst v63  }
0x144: {  	s0 =	rddreg [dreg:$0x9]  }
.Ltmp8:
0x145: {  	s0 =	sadd.s32 s0, s25;
	(pc) =	sbr.rel .LBB2_2-.Ltmp8, $4  }
0x146: {  	s0 =	smul.u32 $0x780, s0  }
0x147: {  	s1 =	rddreg [dreg:$0x0];
	s30 =	simm.s32 $0x3C00;
	s2 =	simm.s32 $0x1E84800  }
0x148: {  	s3 =	simm.s32 $0x7800;
	s31 =	sadd.s32 $0x1, s31;
	s0 =	sadd.s32 s1, s0  }
0x149: {  	[tilespmem:s3], [sflag:$0x2] =	stream.strided.gather [hbm4b:s0+s30], $0x7800, s2, s30, $0x38;
	[tilespmem:$0x1E400] =	vst v63  }
.LBB2_12:
0x14a: {  	s0 =	simm.s32 $0x3  }
0x14b: {  	_ =	swait.ge [sflag:s0], $0x7800  }
0x14c: {  	[sflag:s0] =	ssyncset.done $0x0  }
0x14d: {  	s12 =	simm.s32 $0x4;
	s1 =	simm.s32 $0x0;
	[sflag:s0] =	ssyncadd.s32 $0xFFFF8800  }
0x14e: {  	s2 =	simm.s32 $0x3C00;
	s3 =	simm.s32 $0x1E84800;
	_ =	swait.ge [sflag:s12], $0x7800  }
0x14f: {  	s30 =	simm.s32 $0x5;
	s15 =	simm.s32 $0x0;
	[sflag:s12] =	ssyncset.done $0x0  }
0x150: {  	s14 =	sand.u32 $0x3, s1;
	s13 =	rddreg [dreg:$0xa];
	[sflag:s12] =	ssyncadd.s32 $0xFFFF8800  }
0x151: {  	[tilespmem:s1], [sflag:$0x5] =	stream.strided.gather [hbm4b:s13+s2], $0x7800, s3, s2, $0x38;
	[tilespmem:$0x1E400] =	vst v63  }
0x152: {  	s16 =	sand.u32 $0x3C00, s1;
	s4 =	sand.u32 $0x60, s15;
	_ =	swait.ge [sflag:s30], $0x7800  }
0x153: {  	s5 =	sadd.s32 $0x3F80, s16;
	s0 =	sshll.u32 s14, $0x5;
	[sflag:s30] =	ssyncset.done $0x0  }
0x154: {  	s6 =	sor.u32 s4, s5;
	s0 =	sadd.s32 $0x0, s0;
	[sflag:s30] =	ssyncadd.s32 $0xFFFF8800  }
0x155: {  	s7 =	sor.u32 $0x380, s0;
	s2 =	sadd.s32 $0x3C00, s16;
	v16 =	vld [tilespmem:s6+$0x0]  }
0x156: {  	s18 =	sor.u32 s4, s2;
	v17 =	vld [tilespmem:s7+$0x0]  }
0x157: {  	s19 =	sor.u32 s4, s16;
	v18 =	vld [tilespmem:s18+$0x0]  }
0x158: {  	v19 =	vld [tilespmem:s19+$0x280]  }
0x159: {  	s20 =	sadd.s32 $0x3D00, s16;
	v20 =	vld [tilespmem:s19+$0x200]  }
0x15a: {  	s9 =	sadd.s32 $0x3E80, s16;
	s8 =	sor.u32 s4, s20;
	v21 =	vld [tilespmem:s19+$0x100]  }
0x15b: {  	s10 =	sor.u32 s4, s9;
	v22 =	vld [tilespmem:s8+$0x0]  }
0x15c: {  	s11 =	sadd.s32 $0x3F00, s16;
	v23 =	vld [tilespmem:s10+$0x0]  }
0x15d: {  	s22 =	sor.u32 s4, s11;
	v24 =	vld [tilespmem:s19+$0x180]  }
0x15e: {  	v25 =	vld [tilespmem:s22+$0x0]  }
0x15f: {  	s23 =	sadd.s32 $0x3D80, s16;
	v27 =	vld [tilespmem:s19+$0x0]  }
0x160: {  	s24 =	sor.u32 s4, s23;
	v26 =	vld [tilespmem:s19+$0x80]  }
0x161: {  	s0 =	sor.u32 $0x300, s0;
	s12 =	sadd.s32 $0x3E00, s16;
	v28 =	vld [tilespmem:s24+$0x0]  }
0x162: {  	s13 =	sadd.s32 $0x3C80, s16;
	s25 =	sor.u32 s4, s12;
	v29 =	vld [tilespmem:s0+$0x0]  }
0x163: {  	s4 =	sor.u32 s4, s13;
	v30 =	vld [tilespmem:s25+$0x0];
	s0 =	simm.s32 $0xF100  }
0x164: {  	v31 =	vld [tilespmem:s4+$0x0];
	[tilespmem:v0+s0+$0xFFFFFF00] =	vst.idx.msk $0xffff, v27  }
0x165: {  	[tilespmem:v1+s0+$0xFFFFFF00] =	vst.idx.msk $0xffff, v26  }
0x166: {  	[tilespmem:v2+s0+$0xFFFFFF00] =	vst.idx.msk $0xffff, v21  }
0x167: {  	[tilespmem:v3+s0+$0xFFFFFF00] =	vst.idx.msk $0xffff, v24  }
0x168: {  	[tilespmem:v4+s0+$0xFFFFFF00] =	vst.idx.msk $0xffff, v20  }
0x169: {  	[tilespmem:v5+s0+$0xFFFFFF00] =	vst.idx.msk $0xffff, v19  }
0x16a: {  	[tilespmem:v6+s0+$0xFFFFFF00] =	vst.idx.msk $0xffff, v29  }
0x16b: {  	[tilespmem:v7+s0+$0xFFFFFF00] =	vst.idx.msk $0xffff, v17  }
0x16c: {  	[tilespmem:v8+s0+$0xFFFFFF00] =	vst.idx.msk $0xffff, v18  }
0x16d: {  	[tilespmem:v9+s0+$0xFFFFFF00] =	vst.idx.msk $0xffff, v31  }
0x16e: {  	[tilespmem:v10+s0+$0xFFFFFF00] =	vst.idx.msk $0xffff, v22  }
0x16f: {  	[tilespmem:v11+s0+$0xFFFFFF00] =	vst.idx.msk $0xffff, v28  }
0x170: {  	[tilespmem:v12+s0+$0xFFFFFF00] =	vst.idx.msk $0xffff, v30  }
0x171: {  	s7 =	simm.s32 $0x10;
	[tilespmem:v13+s0+$0xFFFFFF00] =	vst.idx.msk $0xffff, v23  }
0x172: {  	s17 =	sand.u32 $0x70, s7;
	[tilespmem:v14+s0+$0xFFFFFF00] =	vst.idx.msk $0xffff, v25  }
0x173: {  	s21 =	sor.u32 s17, s16;
	[tilespmem:v15+s0+$0xFFFFFF00] =	vst.idx.msk $0xffff, v16  }
0x174: {  	s15 =	simm.s32 $0x10;
	s26 =	sor.u32 s17, s5;
	v20 =	vld [tilespmem:s21+$0x0]  }
0x175: {  	s14 =	simm.s32 $0x110;
	s1 =	sand.u32 $0x7, s1;
	s28 =	sor.u32 s17, s11;
	v16 =	vld [tilespmem:s26+$0x0]  }
0x176: {  	s3 =	simm.s32 $0xF100;
	s8 =	simm.s32 $0x0;
	s29 =	sor.u32 s17, s9;
	v17 =	vld [tilespmem:s28+$0x0]  }
0x177: {  	s18 =	sor.u32 s17, s20;
	s31 =	sor.u32 s17, s12;
	s11 =	simm.s32 $0x100;
	v18 =	vld [tilespmem:s29+$0x0]  }
0x178: {  	s12 =	simm.s32 $0x1;
	s9 =	sor.u32 s17, s23;
	s16 =	simm.s32 $0x2;
	v19 =	vld [tilespmem:s31+$0x0]  }
.LBB2_13:
0x179: {  	s8 =	sadd.s32 $0x2, s8;
	v21 =	vld [tilespmem:s9+$0x0];
	s0 =	sadd.s32 $0x200, s0;
	s7 =	sadd.s32 $0x20, s7  }
0x17a: {  	s1 =	sshll.u32 s1, $0x4;
	s4 =	sor.u32 s17, s13;
	p2 =	slt.u32 s8, $0x76;
	v22 =	vld [tilespmem:s18+$0x0]  }
0x17b: {  	s2 =	sor.u32 s17, s2;
	s1 =	sadd.s32 s1, s15;
	s15 =	smov.u32 s14;
	v23 =	vld [tilespmem:s4+$0x0]  }
0x17c: {  	s4 =	sor.u32 $0x380, s1;
	v24 =	vld [tilespmem:s2+$0x0]  }
0x17d: {  	s1 =	sor.u32 $0x300, s1;
	v25 =	vld [tilespmem:s4+$0x0]  }
0x17e: {  	v26 =	vld [tilespmem:s1+$0x0]  }
0x17f: {  	v27 =	vld [tilespmem:s21+$0x280]  }
0x180: {  	v28 =	vld [tilespmem:s21+$0x80]  }
0x181: {  	v29 =	vld [tilespmem:s21+$0x100]  }
0x182: {  	v30 =	vld [tilespmem:s21+$0x180]  }
0x183: {  	v31 =	vld [tilespmem:s21+$0x200]  }
0x184: {  	[tilespmem:v0+s3+$0x0] =	vst.idx.msk $0xffff, v20  }
0x185: {  	[tilespmem:v1+s3+$0x0] =	vst.idx.msk $0xffff, v28  }
0x186: {  	[tilespmem:v2+s3+$0x0] =	vst.idx.msk $0xffff, v29  }
0x187: {  	[tilespmem:v3+s3+$0x0] =	vst.idx.msk $0xffff, v30  }
0x188: {  	[tilespmem:v4+s3+$0x0] =	vst.idx.msk $0xffff, v31  }
0x189: {  	[tilespmem:v5+s3+$0x0] =	vst.idx.msk $0xffff, v27  }
0x18a: {  	[tilespmem:v6+s3+$0x0] =	vst.idx.msk $0xffff, v26  }
0x18b: {  	[tilespmem:v7+s3+$0x0] =	vst.idx.msk $0xffff, v25  }
0x18c: {  	s17 =	sand.u32 $0x70, s7;
	[tilespmem:v8+s3+$0x0] =	vst.idx.msk $0xffff, v24  }
0x18d: {  	s2 =	sadd.s32 $0xFFFFFFF0, s7;
	s1 =	sand.u32 $0x3, s12;
	s21 =	sand.u32 $0x3C00, s11;
	[tilespmem:v9+s3+$0x0] =	vst.idx.msk $0xffff, v23  }
0x18e: {  	s4 =	sand.u32 $0x60, s2;
	s2 =	sadd.s32 $0x3C00, s21;
	s28 =	sadd.s32 $0x3E80, s21;
	[tilespmem:v10+s3+$0x0] =	vst.idx.msk $0xffff, v22  }
0x18f: {  	s5 =	sshll.u32 s1, $0x5;
	s6 =	sor.u32 s4, s21;
	s10 =	sor.u32 s4, s2;
	[tilespmem:v11+s3+$0x0] =	vst.idx.msk $0xffff, v21  }
0x190: {  	s9 =	sadd.s32 $0x3D80, s21;
	s26 =	sadd.s32 $0x3E00, s21;
	s23 =	sadd.s32 $0x3F80, s21;
	[tilespmem:v12+s3+$0x0] =	vst.idx.msk $0xffff, v19  }
0x191: {  	s13 =	sadd.s32 $0x3C80, s21;
	s1 =	sadd.s32 $0x3F00, s21;
	s18 =	sor.u32 s4, s23;
	[tilespmem:v13+s3+$0x0] =	vst.idx.msk $0xffff, v18  }
0x192: {  	s19 =	sor.u32 s4, s13;
	s20 =	sor.u32 s4, s9;
	s22 =	sor.u32 s4, s28;
	[tilespmem:v14+s3+$0x0] =	vst.idx.msk $0xffff, v17  }
0x193: {  	s5 =	sadd.s32 s5, s11;
	s24 =	sadd.s32 $0x3D00, s21;
	s25 =	sor.u32 s4, s26;
	[tilespmem:v15+s3+$0x0] =	vst.idx.msk $0xffff, v16  }
0x194: {  	s29 =	sor.u32 s4, s24;
	s4 =	sor.u32 s4, s1;
	s3 =	sor.u32 $0x380, s5;
	v16 =	vld [tilespmem:s18+$0x0]  }
0x195: {  	s18 =	sor.u32 s17, s24;
	v17 =	vld [tilespmem:s3+$0x0];
	s3 =	smov.u32 s0  }
0x196: {  	v18 =	vld [tilespmem:s10+$0x0]  }
0x197: {  	v19 =	vld [tilespmem:s6+$0x280]  }
0x198: {  	v20 =	vld [tilespmem:s6+$0x200]  }
0x199: {  	v21 =	vld [tilespmem:s6+$0x100]  }
0x19a: {  	v22 =	vld [tilespmem:s29+$0x0]  }
0x19b: {  	v23 =	vld [tilespmem:s22+$0x0]  }
0x19c: {  	v24 =	vld [tilespmem:s6+$0x180]  }
0x19d: {  	v25 =	vld [tilespmem:s4+$0x0]  }
0x19e: {  	v26 =	vld [tilespmem:s6+$0x80]  }
0x19f: {  	v27 =	vld [tilespmem:s6+$0x0]  }
0x1a0: {  	s4 =	sor.u32 $0x300, s5;
	v28 =	vld [tilespmem:s20+$0x0]  }
0x1a1: {  	v29 =	vld [tilespmem:s4+$0x0]  }
0x1a2: {  	v30 =	vld [tilespmem:s25+$0x0]  }
0x1a3: {  	v31 =	vld [tilespmem:s19+$0x0]  }
0x1a4: {  	[tilespmem:v0+s0+$0xFFFFFF00] =	vst.idx.msk $0xffff, v27  }
0x1a5: {  	[tilespmem:v1+s0+$0xFFFFFF00] =	vst.idx.msk $0xffff, v26  }
0x1a6: {  	[tilespmem:v2+s0+$0xFFFFFF00] =	vst.idx.msk $0xffff, v21  }
0x1a7: {  	[tilespmem:v3+s0+$0xFFFFFF00] =	vst.idx.msk $0xffff, v24  }
0x1a8: {  	[tilespmem:v4+s0+$0xFFFFFF00] =	vst.idx.msk $0xffff, v20  }
0x1a9: {  	[tilespmem:v5+s0+$0xFFFFFF00] =	vst.idx.msk $0xffff, v19  }
0x1aa: {  	[tilespmem:v6+s0+$0xFFFFFF00] =	vst.idx.msk $0xffff, v29  }
0x1ab: {  	[tilespmem:v7+s0+$0xFFFFFF00] =	vst.idx.msk $0xffff, v17  }
0x1ac: {  	[tilespmem:v8+s0+$0xFFFFFF00] =	vst.idx.msk $0xffff, v18  }
0x1ad: {  	[tilespmem:v9+s0+$0xFFFFFF00] =	vst.idx.msk $0xffff, v31  }
0x1ae: {  	[tilespmem:v10+s0+$0xFFFFFF00] =	vst.idx.msk $0xffff, v22  }
0x1af: {  	[tilespmem:v11+s0+$0xFFFFFF00] =	vst.idx.msk $0xffff, v28  }
0x1b0: {  	[tilespmem:v12+s0+$0xFFFFFF00] =	vst.idx.msk $0xffff, v30  }
0x1b1: {  	[tilespmem:v13+s0+$0xFFFFFF00] =	vst.idx.msk $0xffff, v23  }
0x1b2: {  	[tilespmem:v14+s0+$0xFFFFFF00] =	vst.idx.msk $0xffff, v25  }
0x1b3: {  	s21 =	sor.u32 s17, s21;
	[tilespmem:v15+s0+$0xFFFFFF00] =	vst.idx.msk $0xffff, v16  }
.Ltmp9:
0x1b4: {  	s4 =	sor.u32 s17, s23;
	v20 =	vld [tilespmem:s21+$0x0];
	(pc) =	sbr.rel @p2 .LBB2_13-.Ltmp9, $4  }
0x1b5: {  	s5 =	sor.u32 s17, s1;
	v16 =	vld [tilespmem:s4+$0x0]  }
0x1b6: {  	s1 =	sand.u32 $0x7, s16;
	s4 =	sor.u32 s17, s28;
	v17 =	vld [tilespmem:s5+$0x0]  }
0x1b7: {  	s12 =	sadd.s32 $0x1, s12;
	s11 =	sadd.s32 $0x100, s11;
	s5 =	sor.u32 s17, s26;
	v18 =	vld [tilespmem:s4+$0x0]  }
0x1b8: {  	s14 =	sadd.s32 $0x100, s14;
	s9 =	sor.u32 s17, s9;
	s16 =	sadd.s32 $0x2, s16;
	v19 =	vld [tilespmem:s5+$0x0]  }
0x1b9: {  	v21 =	vld [tilespmem:s9+$0x0]  }
0x1ba: {  	v22 =	vld [tilespmem:s18+$0x0]  }
0x1bb: {  	v27 =	vld [tilespmem:s21+$0x280]  }
0x1bc: {  	v28 =	vld [tilespmem:s21+$0x80]  }
0x1bd: {  	v29 =	vld [tilespmem:s21+$0x100]  }
0x1be: {  	v30 =	vld [tilespmem:s21+$0x180]  }
0x1bf: {  	s0 =	sshll.u32 s1, $0x4;
	s24 =	sor.u32 s17, s13;
	v31 =	vld [tilespmem:s21+$0x200]  }
0x1c0: {  	s2 =	sor.u32 s17, s2;
	s0 =	sadd.s32 s0, s15;
	v23 =	vld [tilespmem:s24+$0x0]  }
0x1c1: {  	v24 =	vld [tilespmem:s2+$0x0];
	s25 =	sor.u32 $0x380, s0  }
0x1c2: {  	s0 =	sor.u32 $0x300, s0;
	v25 =	vld [tilespmem:s25+$0x0]  }
0x1c3: {  	v26 =	vld [tilespmem:s0+$0x0];
	[tilespmem:v0+s3+$0x0] =	vst.idx.msk $0xffff, v20  }
0x1c4: {  	[tilespmem:v1+s3+$0x0] =	vst.idx.msk $0xffff, v28  }
0x1c5: {  	[tilespmem:v2+s3+$0x0] =	vst.idx.msk $0xffff, v29  }
0x1c6: {  	[tilespmem:v3+s3+$0x0] =	vst.idx.msk $0xffff, v30  }
0x1c7: {  	[tilespmem:v4+s3+$0x0] =	vst.idx.msk $0xffff, v31  }
0x1c8: {  	[tilespmem:v5+s3+$0x0] =	vst.idx.msk $0xffff, v27  }
0x1c9: {  	[tilespmem:v6+s3+$0x0] =	vst.idx.msk $0xffff, v26  }
0x1ca: {  	[tilespmem:v7+s3+$0x0] =	vst.idx.msk $0xffff, v25  }
0x1cb: {  	[tilespmem:v8+s3+$0x0] =	vst.idx.msk $0xffff, v24  }
0x1cc: {  	[tilespmem:v9+s3+$0x0] =	vst.idx.msk $0xffff, v23  }
0x1cd: {  	[tilespmem:v10+s3+$0x0] =	vst.idx.msk $0xffff, v22  }
0x1ce: {  	[tilespmem:v11+s3+$0x0] =	vst.idx.msk $0xffff, v21  }
0x1cf: {  	[tilespmem:v12+s3+$0x0] =	vst.idx.msk $0xffff, v19  }
0x1d0: {  	[tilespmem:v13+s3+$0x0] =	vst.idx.msk $0xffff, v18  }
0x1d1: {  	[tilespmem:v14+s3+$0x0] =	vst.idx.msk $0xffff, v17  }
0x1d2: {  	s5 =	simm.s32 $0x0;
	s26 =	rddreg [dreg:$0xb];
	s28 =	simm.s32 $0xF000;
	[tilespmem:v15+s3+$0x0] =	vst.idx.msk $0xffff, v16  }
0x1d3: {  	[hbm4b:s26+s5] =	stream.linear.scatter [tilespmem:s28], [sflag:$0x5], $0x7800, $0x38;
	[tilespmem:$0x1E400] =	vst v63  }
0x1d4: {  	_ =	swait.ge [sflag:s30], $0x7800  }
0x1d5: {  	[sflag:s30] =	ssyncset.done $0x0  }
0x1d6: {  	s29 =	rddreg [dreg:$0xc];
	[sflag:s30] =	ssyncadd.s32 $0xFFFF8800  }
0x1d7: {  	[tilespmem:s5], [sflag:$0x5] =	stream.linear.gather [hbm4b:s29+s5], $0x400, $0x38;
	[tilespmem:$0x1E400] =	vst v63  }
0x1d8: {  	s31 =	simm.s32 $0x3C00;
	s0 =	sadd.s32 $0x3D0900, s29  }
0x1d9: {  	[tilespmem:s31], [sflag:$0x5] =	stream.linear.gather [hbm4b:s0+s5], $0x400, $0x38;
	[tilespmem:$0x1E400] =	vst v63  }
0x1da: {  	_ =	swait.ge [sflag:s30], $0x800  }
0x1db: {  	[sflag:s30] =	ssyncset.done $0x0  }
0x1dc: {  	s0 =	simm.s32 $0x3F90;
	[sflag:s30] =	ssyncadd.s32 $0xFFFFF800  }
0x1dd: {  	v16 =	vld [tilespmem:s0+$0xFFFFFFF0]  }
0x1de: {  	v17 =	vld [tilespmem:s0+$0xFFFFFF70]  }
0x1df: {  	v18 =	vld [tilespmem:s0+$0xFFFFFEF0]  }
0x1e0: {  	v19 =	vld [tilespmem:s0+$0xFFFFFE70]  }
0x1e1: {  	v20 =	vld [tilespmem:s0+$0xFFFFFDF0]  }
0x1e2: {  	v21 =	vld [tilespmem:s0+$0xFFFFFD70]  }
0x1e3: {  	v22 =	vld [tilespmem:s0+$0xFFFFFCF0]  }
0x1e4: {  	v23 =	vld [tilespmem:s0+$0xFFFFFC70]  }
0x1e5: {  	v24 =	vld [tilespmem:s0+$0xFFFFC3F0]  }
0x1e6: {  	v25 =	vld [tilespmem:s0+$0xFFFFC370]  }
0x1e7: {  	v27 =	vld [tilespmem:s0+$0xFFFFC070]  }
0x1e8: {  	v28 =	vld [tilespmem:s0+$0xFFFFC0F0]  }
0x1e9: {  	v29 =	vld [tilespmem:s0+$0xFFFFC170]  }
0x1ea: {  	v62 =	vld [tilespmem:s0+$0xFFFFC1F0]  }
0x1eb: {  	s2 =	simm.s32 $0xF100;
	v63 =	vld [tilespmem:s0+$0xFFFFC270]  }
0x1ec: {  	v26 =	vld [tilespmem:s0+$0xFFFFC2F0];
	[tilespmem:v0+s2+$0xFFFFFF00] =	vst.idx.msk $0xffff, v27  }
0x1ed: {  	[tilespmem:v1+s2+$0xFFFFFF00] =	vst.idx.msk $0xffff, v28  }
0x1ee: {  	[tilespmem:v2+s2+$0xFFFFFF00] =	vst.idx.msk $0xffff, v29  }
0x1ef: {  	[tilespmem:v3+s2+$0xFFFFFF00] =	vst.idx.msk $0xffff, v62  }
0x1f0: {  	[tilespmem:v4+s2+$0xFFFFFF00] =	vst.idx.msk $0xffff, v63  }
0x1f1: {  	[tilespmem:v5+s2+$0xFFFFFF00] =	vst.idx.msk $0xffff, v26  }
0x1f2: {  	[tilespmem:v6+s2+$0xFFFFFF00] =	vst.idx.msk $0xffff, v25  }
0x1f3: {  	[tilespmem:v7+s2+$0xFFFFFF00] =	vst.idx.msk $0xffff, v24  }
0x1f4: {  	[tilespmem:v8+s2+$0xFFFFFF00] =	vst.idx.msk $0xffff, v23  }
0x1f5: {  	[tilespmem:v9+s2+$0xFFFFFF00] =	vst.idx.msk $0xffff, v22  }
0x1f6: {  	[tilespmem:v10+s2+$0xFFFFFF00] =	vst.idx.msk $0xffff, v21  }
0x1f7: {  	[tilespmem:v11+s2+$0xFFFFFF00] =	vst.idx.msk $0xffff, v20  }
0x1f8: {  	[tilespmem:v12+s2+$0xFFFFFF00] =	vst.idx.msk $0xffff, v19  }
0x1f9: {  	[tilespmem:v13+s2+$0xFFFFFF00] =	vst.idx.msk $0xffff, v18  }
0x1fa: {  	[tilespmem:v14+s2+$0xFFFFFF00] =	vst.idx.msk $0xffff, v17  }
0x1fb: {  	[tilespmem:v15+s2+$0xFFFFFF00] =	vst.idx.msk $0xffff, v16  }
0x1fc: {  	v22 =	vld [tilespmem:s0+$0xFFFFC280]  }
0x1fd: {  	v20 =	vld [tilespmem:s0+$0xFFFFC400]  }
0x1fe: {  	v16 =	vld [tilespmem:s0+$0x0]  }
0x1ff: {  	v17 =	vld [tilespmem:s0+$0xFFFFFF80]  }
0x200: {  	v18 =	vld [tilespmem:s0+$0xFFFFFF00]  }
0x201: {  	v19 =	vld [tilespmem:s0+$0xFFFFFE80]  }
0x202: {  	v21 =	vld [tilespmem:s0+$0xFFFFFE00]  }
0x203: {  	v23 =	vld [tilespmem:s0+$0xFFFFC380]  }
0x204: {  	v28 =	vld [tilespmem:s0+$0xFFFFC200]  }
0x205: {  	v29 =	vld [tilespmem:s0+$0xFFFFC180]  }
0x206: {  	v31 =	vld [tilespmem:s0+$0xFFFFC080]  }
0x207: {  	v30 =	vld [tilespmem:s0+$0xFFFFC100]  }
0x208: {  	v26 =	vld [tilespmem:s0+$0xFFFFC300]  }
0x209: {  	v24 =	vld [tilespmem:s0+$0xFFFFFD80]  }
0x20a: {  	v25 =	vld [tilespmem:s0+$0xFFFFFD00]  }
0x20b: {  	v27 =	vld [tilespmem:s0+$0xFFFFFC80];
	[tilespmem:v0+s2+$0x0] =	vst.idx.msk $0xffff, v31  }
0x20c: {  	[tilespmem:v1+s2+$0x0] =	vst.idx.msk $0xffff, v30  }
0x20d: {  	[tilespmem:v2+s2+$0x0] =	vst.idx.msk $0xffff, v29  }
0x20e: {  	s7 =	simm.s32 $0xF100;
	s3 =	simm.s32 $0x0;
	[tilespmem:v3+s2+$0x0] =	vst.idx.msk $0xffff, v28  }
.LBB2_15:
0x20f: {  	s3 =	sadd.s32 $0x2, s3;
	[tilespmem:v4+s2+$0x0] =	vst.idx.msk $0xffff, v22;
	s7 =	sadd.s32 $0x200, s7;
	s0 =	sadd.s32 $0x20, s0  }
0x210: {  	p2 =	slt.u32 s3, $0x6;
	[tilespmem:v5+s2+$0x0] =	vst.idx.msk $0xffff, v26  }
0x211: {  	[tilespmem:v6+s2+$0x0] =	vst.idx.msk $0xffff, v23  }
0x212: {  	[tilespmem:v7+s2+$0x0] =	vst.idx.msk $0xffff, v20  }
0x213: {  	[tilespmem:v8+s2+$0x0] =	vst.idx.msk $0xffff, v27  }
0x214: {  	[tilespmem:v9+s2+$0x0] =	vst.idx.msk $0xffff, v25  }
0x215: {  	[tilespmem:v10+s2+$0x0] =	vst.idx.msk $0xffff, v24  }
0x216: {  	[tilespmem:v11+s2+$0x0] =	vst.idx.msk $0xffff, v21  }
0x217: {  	[tilespmem:v12+s2+$0x0] =	vst.idx.msk $0xffff, v19  }
0x218: {  	[tilespmem:v13+s2+$0x0] =	vst.idx.msk $0xffff, v18  }
0x219: {  	[tilespmem:v14+s2+$0x0] =	vst.idx.msk $0xffff, v17  }
0x21a: {  	[tilespmem:v15+s2+$0x0] =	vst.idx.msk $0xffff, v16;
	s2 =	smov.u32 s7  }
0x21b: {  	v16 =	vld [tilespmem:s0+$0xFFFFFFF0]  }
0x21c: {  	v17 =	vld [tilespmem:s0+$0xFFFFFF70]  }
0x21d: {  	v18 =	vld [tilespmem:s0+$0xFFFFFEF0]  }
0x21e: {  	v19 =	vld [tilespmem:s0+$0xFFFFFE70]  }
0x21f: {  	v20 =	vld [tilespmem:s0+$0xFFFFFDF0]  }
0x220: {  	v21 =	vld [tilespmem:s0+$0xFFFFFD70]  }
0x221: {  	v22 =	vld [tilespmem:s0+$0xFFFFFCF0]  }
0x222: {  	v23 =	vld [tilespmem:s0+$0xFFFFFC70]  }
0x223: {  	v24 =	vld [tilespmem:s0+$0xFFFFC3F0]  }
0x224: {  	v25 =	vld [tilespmem:s0+$0xFFFFC370]  }
0x225: {  	v26 =	vld [tilespmem:s0+$0xFFFFC2F0]  }
0x226: {  	v27 =	vld [tilespmem:s0+$0xFFFFC070]  }
0x227: {  	v28 =	vld [tilespmem:s0+$0xFFFFC0F0]  }
0x228: {  	v29 =	vld [tilespmem:s0+$0xFFFFC170]  }
0x229: {  	v30 =	vld [tilespmem:s0+$0xFFFFC1F0]  }
0x22a: {  	v31 =	vld [tilespmem:s0+$0xFFFFC270]  }
0x22b: {  	[tilespmem:v0+s7+$0xFFFFFF00] =	vst.idx.msk $0xffff, v27  }
0x22c: {  	[tilespmem:v1+s7+$0xFFFFFF00] =	vst.idx.msk $0xffff, v28  }
0x22d: {  	[tilespmem:v2+s7+$0xFFFFFF00] =	vst.idx.msk $0xffff, v29  }
0x22e: {  	[tilespmem:v3+s7+$0xFFFFFF00] =	vst.idx.msk $0xffff, v30  }
0x22f: {  	[tilespmem:v4+s7+$0xFFFFFF00] =	vst.idx.msk $0xffff, v31  }
0x230: {  	[tilespmem:v5+s7+$0xFFFFFF00] =	vst.idx.msk $0xffff, v26  }
0x231: {  	[tilespmem:v6+s7+$0xFFFFFF00] =	vst.idx.msk $0xffff, v25  }
0x232: {  	[tilespmem:v7+s7+$0xFFFFFF00] =	vst.idx.msk $0xffff, v24  }
0x233: {  	[tilespmem:v8+s7+$0xFFFFFF00] =	vst.idx.msk $0xffff, v23  }
0x234: {  	[tilespmem:v9+s7+$0xFFFFFF00] =	vst.idx.msk $0xffff, v22  }
0x235: {  	[tilespmem:v10+s7+$0xFFFFFF00] =	vst.idx.msk $0xffff, v21  }
0x236: {  	[tilespmem:v11+s7+$0xFFFFFF00] =	vst.idx.msk $0xffff, v20  }
0x237: {  	[tilespmem:v12+s7+$0xFFFFFF00] =	vst.idx.msk $0xffff, v19  }
0x238: {  	[tilespmem:v13+s7+$0xFFFFFF00] =	vst.idx.msk $0xffff, v18  }
0x239: {  	[tilespmem:v14+s7+$0xFFFFFF00] =	vst.idx.msk $0xffff, v17  }
0x23a: {  	[tilespmem:v15+s7+$0xFFFFFF00] =	vst.idx.msk $0xffff, v16  }
0x23b: {  	v22 =	vld [tilespmem:s0+$0xFFFFC280]  }
0x23c: {  	v20 =	vld [tilespmem:s0+$0xFFFFC400]  }
0x23d: {  	v16 =	vld [tilespmem:s0+$0x0]  }
0x23e: {  	v17 =	vld [tilespmem:s0+$0xFFFFFF80]  }
0x23f: {  	v18 =	vld [tilespmem:s0+$0xFFFFFF00]  }
0x240: {  	v19 =	vld [tilespmem:s0+$0xFFFFFE80]  }
0x241: {  	v21 =	vld [tilespmem:s0+$0xFFFFFE00]  }
0x242: {  	v23 =	vld [tilespmem:s0+$0xFFFFC380]  }
0x243: {  	v28 =	vld [tilespmem:s0+$0xFFFFC200]  }
0x244: {  	v29 =	vld [tilespmem:s0+$0xFFFFC180]  }
0x245: {  	v30 =	vld [tilespmem:s0+$0xFFFFC100]  }
0x246: {  	v31 =	vld [tilespmem:s0+$0xFFFFC080]  }
0x247: {  	v26 =	vld [tilespmem:s0+$0xFFFFC300]  }
0x248: {  	v24 =	vld [tilespmem:s0+$0xFFFFFD80]  }
0x249: {  	v25 =	vld [tilespmem:s0+$0xFFFFFD00]  }
.Ltmp10:
0x24a: {  	v27 =	vld [tilespmem:s0+$0xFFFFFC80];
	(pc) =	sbr.rel @p2 .LBB2_15-.Ltmp10, $4  }
0x24b: {  	[tilespmem:v0+s7+$0x0] =	vst.idx.msk $0xffff, v31  }
0x24c: {  	[tilespmem:v1+s7+$0x0] =	vst.idx.msk $0xffff, v30  }
0x24d: {  	[tilespmem:v2+s7+$0x0] =	vst.idx.msk $0xffff, v29  }
0x24e: {  	[tilespmem:v3+s7+$0x0] =	vst.idx.msk $0xffff, v28  }
0x24f: {  	_ =	sdelay $0x3  }
0x250: {  	[tilespmem:v4+s2+$0x0] =	vst.idx.msk $0xffff, v22  }
0x251: {  	[tilespmem:v5+s2+$0x0] =	vst.idx.msk $0xffff, v26  }
0x252: {  	[tilespmem:v6+s2+$0x0] =	vst.idx.msk $0xffff, v23  }
0x253: {  	[tilespmem:v7+s2+$0x0] =	vst.idx.msk $0xffff, v20  }
0x254: {  	[tilespmem:v8+s2+$0x0] =	vst.idx.msk $0xffff, v27  }
0x255: {  	[tilespmem:v9+s2+$0x0] =	vst.idx.msk $0xffff, v25  }
0x256: {  	[tilespmem:v10+s2+$0x0] =	vst.idx.msk $0xffff, v24  }
0x257: {  	[tilespmem:v11+s2+$0x0] =	vst.idx.msk $0xffff, v21  }
0x258: {  	[tilespmem:v12+s2+$0x0] =	vst.idx.msk $0xffff, v19  }
0x259: {  	[tilespmem:v13+s2+$0x0] =	vst.idx.msk $0xffff, v18  }
0x25a: {  	[tilespmem:v14+s2+$0x0] =	vst.idx.msk $0xffff, v17  }
.Ltmp11:
0x25b: {  	s0 =	rddreg [dreg:$0xd];
	s1 =	simm.s32 $0xF000;
	[tilespmem:v15+s2+$0x0] =	vst.idx.msk $0xffff, v16;
	(pc) =	sbr.rel @p0 .LBB2_20-.Ltmp11, $4  }
0x25c: {  	[hbm4b:s0+s5] =	stream.linear.scatter [tilespmem:s1], [sflag:$0x5], $0x800, $0x38;
	[tilespmem:$0x1E400] =	vst v63  }
0x25d: {  	_ =	swait.ge [sflag:s30], $0x800  }
0x25e: {  	[sflag:s30] =	ssyncset.done $0x0  }
0x25f: {  	[sflag:s30] =	ssyncadd.s32 $0xFFFFF800  }
0x260: {  	s0 =	rddreg [dreg:$0xe]  }
0x261: {  	[tilespmem:s5], [sflag:$0x5] =	stream.linear.gather [hbm4b:s0+s5], $0x400, $0x38;
	[tilespmem:$0x1E400] =	vst v63  }
0x262: {  	s1 =	simm.s32 $0x3C00;
	s0 =	sadd.s32 $0x3D0900, s0  }
0x263: {  	[tilespmem:s1], [sflag:$0x5] =	stream.linear.gather [hbm4b:s0+s5], $0x400, $0x38;
	[tilespmem:$0x1E400] =	vst v63  }
0x264: {  	_ =	swait.ge [sflag:s30], $0x800  }
0x265: {  	[sflag:s30] =	ssyncset.done $0x0  }
0x266: {  	s0 =	simm.s32 $0x3F90;
	[sflag:s30] =	ssyncadd.s32 $0xFFFFF800  }
0x267: {  	v16 =	vld [tilespmem:s0+$0xFFFFFFF0]  }
0x268: {  	v17 =	vld [tilespmem:s0+$0xFFFFFF70]  }
0x269: {  	v18 =	vld [tilespmem:s0+$0xFFFFFEF0]  }
0x26a: {  	v19 =	vld [tilespmem:s0+$0xFFFFFE70]  }
0x26b: {  	v20 =	vld [tilespmem:s0+$0xFFFFFDF0]  }
0x26c: {  	v21 =	vld [tilespmem:s0+$0xFFFFFD70]  }
0x26d: {  	v22 =	vld [tilespmem:s0+$0xFFFFFCF0]  }
0x26e: {  	v23 =	vld [tilespmem:s0+$0xFFFFFC70]  }
0x26f: {  	v24 =	vld [tilespmem:s0+$0xFFFFC3F0]  }
0x270: {  	v25 =	vld [tilespmem:s0+$0xFFFFC370]  }
0x271: {  	v27 =	vld [tilespmem:s0+$0xFFFFC070]  }
0x272: {  	v28 =	vld [tilespmem:s0+$0xFFFFC0F0]  }
0x273: {  	v29 =	vld [tilespmem:s0+$0xFFFFC170]  }
0x274: {  	v30 =	vld [tilespmem:s0+$0xFFFFC1F0]  }
0x275: {  	s2 =	simm.s32 $0xF100;
	v31 =	vld [tilespmem:s0+$0xFFFFC270]  }
0x276: {  	v26 =	vld [tilespmem:s0+$0xFFFFC2F0];
	[tilespmem:v0+s2+$0xFFFFFF00] =	vst.idx.msk $0xffff, v27  }
0x277: {  	[tilespmem:v1+s2+$0xFFFFFF00] =	vst.idx.msk $0xffff, v28  }
0x278: {  	[tilespmem:v2+s2+$0xFFFFFF00] =	vst.idx.msk $0xffff, v29  }
0x279: {  	[tilespmem:v3+s2+$0xFFFFFF00] =	vst.idx.msk $0xffff, v30  }
0x27a: {  	[tilespmem:v4+s2+$0xFFFFFF00] =	vst.idx.msk $0xffff, v31  }
0x27b: {  	[tilespmem:v5+s2+$0xFFFFFF00] =	vst.idx.msk $0xffff, v26  }
0x27c: {  	[tilespmem:v6+s2+$0xFFFFFF00] =	vst.idx.msk $0xffff, v25  }
0x27d: {  	[tilespmem:v7+s2+$0xFFFFFF00] =	vst.idx.msk $0xffff, v24  }
0x27e: {  	[tilespmem:v8+s2+$0xFFFFFF00] =	vst.idx.msk $0xffff, v23  }
0x27f: {  	[tilespmem:v9+s2+$0xFFFFFF00] =	vst.idx.msk $0xffff, v22  }
0x280: {  	[tilespmem:v10+s2+$0xFFFFFF00] =	vst.idx.msk $0xffff, v21  }
0x281: {  	[tilespmem:v11+s2+$0xFFFFFF00] =	vst.idx.msk $0xffff, v20  }
0x282: {  	[tilespmem:v12+s2+$0xFFFFFF00] =	vst.idx.msk $0xffff, v19  }
0x283: {  	[tilespmem:v13+s2+$0xFFFFFF00] =	vst.idx.msk $0xffff, v18  }
0x284: {  	[tilespmem:v14+s2+$0xFFFFFF00] =	vst.idx.msk $0xffff, v17  }
0x285: {  	[tilespmem:v15+s2+$0xFFFFFF00] =	vst.idx.msk $0xffff, v16  }
0x286: {  	v22 =	vld [tilespmem:s0+$0xFFFFC280]  }
0x287: {  	v20 =	vld [tilespmem:s0+$0xFFFFC400]  }
0x288: {  	v16 =	vld [tilespmem:s0+$0x0]  }
0x289: {  	v17 =	vld [tilespmem:s0+$0xFFFFFF80]  }
0x28a: {  	v18 =	vld [tilespmem:s0+$0xFFFFFF00]  }
0x28b: {  	v19 =	vld [tilespmem:s0+$0xFFFFFE80]  }
0x28c: {  	v21 =	vld [tilespmem:s0+$0xFFFFFE00]  }
0x28d: {  	v23 =	vld [tilespmem:s0+$0xFFFFC380]  }
0x28e: {  	v28 =	vld [tilespmem:s0+$0xFFFFC200]  }
0x28f: {  	v29 =	vld [tilespmem:s0+$0xFFFFC180]  }
0x290: {  	v31 =	vld [tilespmem:s0+$0xFFFFC080]  }
0x291: {  	v30 =	vld [tilespmem:s0+$0xFFFFC100]  }
0x292: {  	v26 =	vld [tilespmem:s0+$0xFFFFC300]  }
0x293: {  	v24 =	vld [tilespmem:s0+$0xFFFFFD80]  }
0x294: {  	v25 =	vld [tilespmem:s0+$0xFFFFFD00]  }
0x295: {  	v27 =	vld [tilespmem:s0+$0xFFFFFC80];
	[tilespmem:v0+s2+$0x0] =	vst.idx.msk $0xffff, v31  }
0x296: {  	[tilespmem:v1+s2+$0x0] =	vst.idx.msk $0xffff, v30  }
0x297: {  	[tilespmem:v2+s2+$0x0] =	vst.idx.msk $0xffff, v29  }
0x298: {  	s3 =	simm.s32 $0x0;
	s7 =	simm.s32 $0xF100;
	[tilespmem:v3+s2+$0x0] =	vst.idx.msk $0xffff, v28  }
.LBB2_18:
0x299: {  	s3 =	sadd.s32 $0x2, s3;
	[tilespmem:v4+s2+$0x0] =	vst.idx.msk $0xffff, v22;
	s7 =	sadd.s32 $0x200, s7;
	s0 =	sadd.s32 $0x20, s0  }
0x29a: {  	p2 =	slt.u32 s3, $0x6;
	[tilespmem:v5+s2+$0x0] =	vst.idx.msk $0xffff, v26  }
0x29b: {  	[tilespmem:v6+s2+$0x0] =	vst.idx.msk $0xffff, v23  }
0x29c: {  	[tilespmem:v7+s2+$0x0] =	vst.idx.msk $0xffff, v20  }
0x29d: {  	[tilespmem:v8+s2+$0x0] =	vst.idx.msk $0xffff, v27  }
0x29e: {  	[tilespmem:v9+s2+$0x0] =	vst.idx.msk $0xffff, v25  }
0x29f: {  	[tilespmem:v10+s2+$0x0] =	vst.idx.msk $0xffff, v24  }
0x2a0: {  	[tilespmem:v11+s2+$0x0] =	vst.idx.msk $0xffff, v21  }
0x2a1: {  	[tilespmem:v12+s2+$0x0] =	vst.idx.msk $0xffff, v19  }
0x2a2: {  	[tilespmem:v13+s2+$0x0] =	vst.idx.msk $0xffff, v18  }
0x2a3: {  	[tilespmem:v14+s2+$0x0] =	vst.idx.msk $0xffff, v17  }
0x2a4: {  	[tilespmem:v15+s2+$0x0] =	vst.idx.msk $0xffff, v16;
	s2 =	smov.u32 s7  }
0x2a5: {  	v16 =	vld [tilespmem:s0+$0xFFFFFFF0]  }
0x2a6: {  	v17 =	vld [tilespmem:s0+$0xFFFFFF70]  }
0x2a7: {  	v18 =	vld [tilespmem:s0+$0xFFFFFEF0]  }
0x2a8: {  	v19 =	vld [tilespmem:s0+$0xFFFFFE70]  }
0x2a9: {  	v20 =	vld [tilespmem:s0+$0xFFFFFDF0]  }
0x2aa: {  	v21 =	vld [tilespmem:s0+$0xFFFFFD70]  }
0x2ab: {  	v22 =	vld [tilespmem:s0+$0xFFFFFCF0]  }
0x2ac: {  	v23 =	vld [tilespmem:s0+$0xFFFFFC70]  }
0x2ad: {  	v24 =	vld [tilespmem:s0+$0xFFFFC3F0]  }
0x2ae: {  	v25 =	vld [tilespmem:s0+$0xFFFFC370]  }
0x2af: {  	v26 =	vld [tilespmem:s0+$0xFFFFC2F0]  }
0x2b0: {  	v27 =	vld [tilespmem:s0+$0xFFFFC070]  }
0x2b1: {  	v28 =	vld [tilespmem:s0+$0xFFFFC0F0]  }
0x2b2: {  	v29 =	vld [tilespmem:s0+$0xFFFFC170]  }
0x2b3: {  	v30 =	vld [tilespmem:s0+$0xFFFFC1F0]  }
0x2b4: {  	v31 =	vld [tilespmem:s0+$0xFFFFC270]  }
0x2b5: {  	[tilespmem:v0+s7+$0xFFFFFF00] =	vst.idx.msk $0xffff, v27  }
0x2b6: {  	[tilespmem:v1+s7+$0xFFFFFF00] =	vst.idx.msk $0xffff, v28  }
0x2b7: {  	[tilespmem:v2+s7+$0xFFFFFF00] =	vst.idx.msk $0xffff, v29  }
0x2b8: {  	[tilespmem:v3+s7+$0xFFFFFF00] =	vst.idx.msk $0xffff, v30  }
0x2b9: {  	[tilespmem:v4+s7+$0xFFFFFF00] =	vst.idx.msk $0xffff, v31  }
0x2ba: {  	[tilespmem:v5+s7+$0xFFFFFF00] =	vst.idx.msk $0xffff, v26  }
0x2bb: {  	[tilespmem:v6+s7+$0xFFFFFF00] =	vst.idx.msk $0xffff, v25  }
0x2bc: {  	[tilespmem:v7+s7+$0xFFFFFF00] =	vst.idx.msk $0xffff, v24  }
0x2bd: {  	[tilespmem:v8+s7+$0xFFFFFF00] =	vst.idx.msk $0xffff, v23  }
0x2be: {  	[tilespmem:v9+s7+$0xFFFFFF00] =	vst.idx.msk $0xffff, v22  }
0x2bf: {  	[tilespmem:v10+s7+$0xFFFFFF00] =	vst.idx.msk $0xffff, v21  }
0x2c0: {  	[tilespmem:v11+s7+$0xFFFFFF00] =	vst.idx.msk $0xffff, v20  }
0x2c1: {  	[tilespmem:v12+s7+$0xFFFFFF00] =	vst.idx.msk $0xffff, v19  }
0x2c2: {  	[tilespmem:v13+s7+$0xFFFFFF00] =	vst.idx.msk $0xffff, v18  }
0x2c3: {  	[tilespmem:v14+s7+$0xFFFFFF00] =	vst.idx.msk $0xffff, v17  }
0x2c4: {  	[tilespmem:v15+s7+$0xFFFFFF00] =	vst.idx.msk $0xffff, v16  }
0x2c5: {  	v22 =	vld [tilespmem:s0+$0xFFFFC280]  }
0x2c6: {  	v20 =	vld [tilespmem:s0+$0xFFFFC400]  }
0x2c7: {  	v16 =	vld [tilespmem:s0+$0x0]  }
0x2c8: {  	v17 =	vld [tilespmem:s0+$0xFFFFFF80]  }
0x2c9: {  	v18 =	vld [tilespmem:s0+$0xFFFFFF00]  }
0x2ca: {  	v19 =	vld [tilespmem:s0+$0xFFFFFE80]  }
0x2cb: {  	v21 =	vld [tilespmem:s0+$0xFFFFFE00]  }
0x2cc: {  	v23 =	vld [tilespmem:s0+$0xFFFFC380]  }
0x2cd: {  	v28 =	vld [tilespmem:s0+$0xFFFFC200]  }
0x2ce: {  	v29 =	vld [tilespmem:s0+$0xFFFFC180]  }
0x2cf: {  	v30 =	vld [tilespmem:s0+$0xFFFFC100]  }
0x2d0: {  	v31 =	vld [tilespmem:s0+$0xFFFFC080]  }
0x2d1: {  	v26 =	vld [tilespmem:s0+$0xFFFFC300]  }
0x2d2: {  	v24 =	vld [tilespmem:s0+$0xFFFFFD80]  }
0x2d3: {  	v25 =	vld [tilespmem:s0+$0xFFFFFD00]  }
.Ltmp12:
0x2d4: {  	v27 =	vld [tilespmem:s0+$0xFFFFFC80];
	(pc) =	sbr.rel @p2 .LBB2_18-.Ltmp12, $4  }
0x2d5: {  	[tilespmem:v0+s7+$0x0] =	vst.idx.msk $0xffff, v31  }
0x2d6: {  	[tilespmem:v1+s7+$0x0] =	vst.idx.msk $0xffff, v30  }
0x2d7: {  	[tilespmem:v2+s7+$0x0] =	vst.idx.msk $0xffff, v29  }
0x2d8: {  	[tilespmem:v3+s7+$0x0] =	vst.idx.msk $0xffff, v28  }
0x2d9: {  	_ =	sdelay $0x3  }
0x2da: {  	[tilespmem:v4+s2+$0x0] =	vst.idx.msk $0xffff, v22  }
0x2db: {  	[tilespmem:v5+s2+$0x0] =	vst.idx.msk $0xffff, v26  }
0x2dc: {  	[tilespmem:v6+s2+$0x0] =	vst.idx.msk $0xffff, v23  }
0x2dd: {  	[tilespmem:v7+s2+$0x0] =	vst.idx.msk $0xffff, v20  }
0x2de: {  	[tilespmem:v8+s2+$0x0] =	vst.idx.msk $0xffff, v27  }
0x2df: {  	[tilespmem:v9+s2+$0x0] =	vst.idx.msk $0xffff, v25  }
0x2e0: {  	[tilespmem:v10+s2+$0x0] =	vst.idx.msk $0xffff, v24  }
0x2e1: {  	[tilespmem:v11+s2+$0x0] =	vst.idx.msk $0xffff, v21  }
0x2e2: {  	[tilespmem:v12+s2+$0x0] =	vst.idx.msk $0xffff, v19  }
0x2e3: {  	[tilespmem:v13+s2+$0x0] =	vst.idx.msk $0xffff, v18  }
0x2e4: {  	[tilespmem:v14+s2+$0x0] =	vst.idx.msk $0xffff, v17  }
.Ltmp13:
0x2e5: {  	s0 =	rddreg [dreg:$0xf];
	s1 =	simm.s32 $0xF000;
	[tilespmem:v15+s2+$0x0] =	vst.idx.msk $0xffff, v16;
	(pc) =	sbr.rel .LBB2_21-.Ltmp13, $4  }
0x2e6: {  	[hbm4b:s0+s5] =	stream.linear.scatter [tilespmem:s1], [sflag:$0x5], $0x800, $0x38;
	[tilespmem:$0x1E400] =	vst v63  }
0x2e7: {  	_ =	swait.ge [sflag:s30], $0x800  }
0x2e8: {  	[sflag:s30] =	ssyncset.done $0x0  }
0x2e9: {  	s1 =	rddreg [dreg:$0x12];
	[sflag:s30] =	ssyncadd.s32 $0xFFFFF800  }
.LBB2_22:
0x2ea: {  	_ =	sfence.sel $0x180000  }
0x2eb: {  	[bflag:$0x0] =	sbarrier.arrive $0xFFFF  }
0x2ec: {  	_ =	strace $0x90000047  }
0x2ed: {  	s0 =	stileid.u32;
	[bflag:$0x2] =	sbarrier.arrive $0xFFFF  }
0x2ee: {  	p0 =	sne.s32 s0, $0x0;
	s0 =	rddreg [dreg:$0x3]  }
0x2ef: {  	s0 =	sadd.s32 @!p0 $0x100000, s0  }
0x2f0: {  	[sflag:s0] =	ssyncadd.tile.s32 @!p0 $0x1;
	_ =	shalt  }
.Lfunc_end2:
_tile_overlayer_lowered:
.L_overlay_start_2:
0x2f1: {  	(tag) =	ssettag $0x2  }
0x2f2: {  	s0 =	rddreg [dreg:$0x0];
	s2 =	stileid.u32  }
0x2f3: {  	s1 =	rddreg [dreg:$0x1];
	p0 =	sne.s32 s2, $0x0  }
0x2f4: {  	s3 =	rddreg [dreg:$0x2];
	[bflag:$0x3] =	sbarrier.arrive $0xFFFF;
	s2 =	simm.s32 @!p0 $0x1C05  }
0x2f5: {  	[timem:s3], [sflag:s2] =	dma.local @!p0 [hbm:s0], s1  }
0x2f6: {  	s0 =	simm.s32 @!p0 $0x5  }
0x2f7: {  	_ =	swait.ge @!p0 [sflag:s0], s1  }
0x2f8: {  	s1 =	ssub.s32 @!p0 $0x0, s1;
	[sflag:s0] =	ssyncset.done @!p0 $0x0  }
0x2f9: {  	[sflag:s0] =	ssyncadd.s32 @!p0 s1  }
0x2fa: {  	[bflag:$0x3] =	sbarrier.arrive $0xFFFF  }
0x2fb: {  	_ =	shalt  }

// kernel: kernel.7.cloned.1.call-start
scs
__scs_entry_jumppad:
0x0: {  	(pc) =	sbr.rel $0x88, $3  }
0x1: {  	(tag) =	ssettag $0x0;
	lr =	simm.s32 $0x1  }
0x2: {  	[smem:$0x3F9F] =	sst lr;
	_ =	strace $0xD0000000  }
0x3: {  	_ = 	snop  }
0x4: {  	_ = 	snop  }
0x5: {  	_ = 	snop  }
0x6: {  	_ = 	snop  }
0x7: {  	_ = 	snop  }
__scs_overlays_trampoline_lowered:
0x8: {  	[smem:$0x3FAE] =	sst s0  }
0x9: {  	[smem:$0x3FAF] =	sst s1  }
0xa: {  	[smem:$0x3FB0] =	sst s2  }
0xb: {  	[smem:$0x3FB1] =	sst s3  }
0xc: {  	[smem:$0x3FB2] =	sst s4  }
0xd: {  	[smem:$0x3FB3] =	sst s5  }
0xe: {  	[smem:$0x3FB4] =	sst s6  }
0xf: {  	[smem:$0x3FB5] =	sst s7  }
0x10: {  	[smem:$0x3FB6] =	sst s8  }
0x11: {  	[smem:$0x3FB7] =	sst s9;
	s0 =	simm.s32 @!p0 $0x0  }
0x12: {  	s1 =	sld [smem:$0x3F9D];
	s0 =	simm.s32 @p0 $0x1  }
0x13: {  	[smem:$0x3FB8] =	sst s0;
	s0 =	simm.s32 @!p1 $0x0  }
0x14: {  	s2 =	sld [smem:$0x3F9C];
	s0 =	simm.s32 @p1 $0x1  }
0x15: {  	[smem:$0x3FB9] =	sst s0;
	s0 =	simm.s32 @!p2 $0x0  }
0x16: {  	s3 =	sld [smem:$0x3FDB];
	s0 =	simm.s32 @p2 $0x1  }
0x17: {  	s4 =	simm.s32 $0x1BF5;
	[smem:$0x3FBB] =	sst s0  }
0x18: {  	s0 =	sld [smem:$0x3F9E];
	_ =	swait.ge [sflag:s4], $0x0  }
0x19: {  	s7 =	sld [smem:$0x3F9F]  }
0x1a: {  	s8 =	sadd.s32 $0xFFFFE003, lr  }
0x1b: {  	s9 =	sadd.s32 $0xFFFFFEF7, lr;
	s5 =	simm.s32 $0xFFFFFFFF;
	p2 =	slt.u32 s8, $0xFFFFF086  }
0x1c: {  	p1 =	slt.u32 s9, $0xF7A;
	s5 =	simm.s32 @!p2 $0x0  }
0x1d: {  	s5 =	simm.s32 @p1 $0x1;
	p0 =	seq.s32 s7, s2  }
0x1e: {  	s7 =	smul.u32 @!p0 $0xF7A, s2;
	p2 =	seq.s32 @!p0 s5, $0x0  }
0x1f: {  	s9 =	smul.u32 $0xF7A, s1;
	s8 =	simm.s32 @!p0 $0x1BF5;
	p2 =	por !p2, p0  }
0x20: {  	[sflag:s8] =	ssyncset.s32 @!p0 $0xFFFFF086;
	s6 =	sadd.s32 @!p0 s3, s7;
	s7 =	simm.s32 @!p0 $0x108  }
0x21: {  	s3 =	sadd.s32 s3, s9;
	s6 =	sadd.s32 @!p0 $0x88, s6;
	s7 =	simm.s32 @p2 $0x1082  }
0x22: {  	[simem:s7], [sflag:s8] =	dma.local @!p0 [hbm:s6], $0xF7A  }
0x23: {  	s9 =	sor.u32 $0xD0000000, s2;
	s6 =	simm.s32 $0x108;
	_ =	swait.ge @!p0 [sflag:s8], $0x0  }
0x24: {  	s3 =	sadd.s32 $0x88, s3;
	s6 =	simm.s32 @!p1 $0x1082;
	[sflag:s4] =	ssyncset.s32 $0xFFFFF086  }
0x25: {  	[simem:s6], [sflag:s4] =	dma.local [hbm:s3], $0xF7A  }
0x26: {  	[smem:$0x3F9F] =	sst s1;
	(tag) =	ssettag s2;
	_ =	strace s9  }
0x27: {  	s1 =	sld [smem:$0x3FAF]  }
0x28: {  	s2 =	sld [smem:$0x3FB0]  }
0x29: {  	s4 =	sld [smem:$0x3FB2]  }
0x2a: {  	p0 =	seq.s32 s5, $0x0;
	s5 =	sld [smem:$0x3FB3]  }
0x2b: {  	s6 =	sld [smem:$0x3FB4]  }
0x2c: {  	s7 =	sld [smem:$0x3FB5]  }
0x2d: {  	s3 =	simm.s32 $0x108;
	s8 =	sld [smem:$0x3FB6]  }
0x2e: {  	s3 =	simm.s32 @!p0 $0x1082;
	s9 =	sld [smem:$0x3FB7]  }
0x2f: {  	lr =	sadd.s32 s0, s3;
	s0 =	sld [smem:$0x3FAE]  }
0x30: {  	s3 =	sld [smem:$0x3FB1]  }
0x31: {  	[smem:$0x3FBA] =	sst s10  }
0x32: {  	s10 =	sld [smem:$0x3FB8];
	_ =	sdelay $0x3  }
0x33: {  	p0 =	seq.s32 s10, $0x1;
	s10 =	sld [smem:$0x3FBA];
	_ =	sdelay $0x3  }
0x34: {  	[smem:$0x3FBA] =	sst s10  }
0x35: {  	s10 =	sld [smem:$0x3FB9];
	_ =	sdelay $0x3  }
0x36: {  	p1 =	seq.s32 s10, $0x1;
	s10 =	sld [smem:$0x3FBA];
	_ =	sdelay $0x3  }
0x37: {  	[smem:$0x3FBA] =	sst s10  }
0x38: {  	s10 =	sld [smem:$0x3FBB]  }
0x39: {  	_ = 	snop;
	(pc) =	sbr.ind lr, $3  }
0x3a: {  	_ = 	snop  }
0x3b: {  	_ = 	snop  }
0x3c: {  	p2 =	seq.s32 s10, $0x1;
	s10 =	sld [smem:$0x3FBA]  }
0x3d: {  	_ =	shalt  }
0x3e: {  	_ =	shalt  }
0x3f: {  	_ =	shalt  }
0x40: {  	_ =	shalt  }
0x41: {  	_ =	shalt  }
0x42: {  	_ =	shalt  }
0x43: {  	_ =	shalt  }
0x44: {  	_ =	shalt  }
0x45: {  	_ =	shalt  }
0x46: {  	_ =	shalt  }
0x47: {  	_ =	shalt  }
0x48: {  	_ =	shalt  }
0x49: {  	_ =	shalt  }
0x4a: {  	_ =	shalt  }
0x4b: {  	_ =	shalt  }
0x4c: {  	_ =	shalt  }
0x4d: {  	_ =	shalt  }
0x4e: {  	_ =	shalt  }
0x4f: {  	_ =	shalt  }
0x50: {  	_ =	shalt  }
0x51: {  	_ =	shalt  }
0x52: {  	_ =	shalt  }
0x53: {  	_ =	shalt  }
0x54: {  	_ =	shalt  }
0x55: {  	_ =	shalt  }
0x56: {  	_ =	shalt  }
0x57: {  	_ =	shalt  }
0x58: {  	_ =	shalt  }
0x59: {  	_ =	shalt  }
0x5a: {  	_ =	shalt  }
0x5b: {  	_ =	shalt  }
0x5c: {  	_ =	shalt  }
0x5d: {  	_ =	shalt  }
0x5e: {  	_ =	shalt  }
0x5f: {  	_ =	shalt  }
0x60: {  	_ =	shalt  }
0x61: {  	_ =	shalt  }
0x62: {  	_ =	shalt  }
0x63: {  	_ =	shalt  }
0x64: {  	_ =	shalt  }
0x65: {  	_ =	shalt  }
0x66: {  	_ =	shalt  }
0x67: {  	_ =	shalt  }
0x68: {  	_ =	shalt  }
0x69: {  	_ =	shalt  }
0x6a: {  	_ =	shalt  }
0x6b: {  	_ =	shalt  }
0x6c: {  	_ =	shalt  }
0x6d: {  	_ =	shalt  }
0x6e: {  	_ =	shalt  }
0x6f: {  	_ =	shalt  }
0x70: {  	_ =	shalt  }
0x71: {  	_ =	shalt  }
0x72: {  	_ =	shalt  }
0x73: {  	_ =	shalt  }
0x74: {  	_ =	shalt  }
0x75: {  	_ =	shalt  }
0x76: {  	_ =	shalt  }
0x77: {  	_ =	shalt  }
0x78: {  	_ =	shalt  }
0x79: {  	_ =	shalt  }
0x7a: {  	_ =	shalt  }
0x7b: {  	_ =	shalt  }
0x7c: {  	_ =	shalt  }
0x7d: {  	_ =	shalt  }
0x7e: {  	_ =	shalt  }
0x7f: {  	_ =	shalt  }
0x80: {  	_ =	shalt  }
0x81: {  	_ =	shalt  }
0x82: {  	_ =	shalt  }
0x83: {  	_ =	shalt  }
0x84: {  	_ =	shalt  }
0x85: {  	_ =	shalt  }
0x86: {  	_ =	shalt  }
0x87: {  	_ =	shalt  }
.Lfunc_end0:
.L_simem_size_0:
called_computation.2_lowered:
.L_overlay_start_0:
0x88: {  	s2 =	sld [smem:$0x3FD9]  }
0x89: {  	s3 =	sld [smem:$0x3FFE];
	_ =	sdelay $0x1  }
0x8a: {  	s1 =	srdreg.scid  }
0x8b: {  	s0 =	sand.u32 $0x1, s1  }
0x8c: {  	s17 =	sshll.u32 s0, $0xA;
	s2 =	sadd.s32 s3, s2  }
0x8d: {  	s2 =	sadd.s32 s2, s17  }
0x8e: {  	[smem:$0x3FC6] =	sst s2  }
0x8f: {  	_ = 	snop  }
0x90: {  	s2 =	sld [smem:$0x3FD0];
	(tm) =	ssettm $0x1  }
0x91: {  	s18 =	sld [smem:$0x3FFB];
	_ =	sdelay $0x3  }
0x92: {  	_ =	strace s18  }
0x93: {  	s3 =	sld [smem:$0x3FFC];
	_ =	sdelay $0x3  }
0x94: {  	_ =	strace s3  }
0x95: {  	s3 =	sld [smem:$0x3FFD];
	_ =	sdelay $0x3  }
0x96: {  	_ =	strace s3  }
0x97: {  	_ =	strace $0x8FFFFFFF  }
0x98: {  	s19 =	sld [smem:$0x3FDB];
	_ =	sdelay $0x1  }
0x99: {  	s4 =	simm.s32 $_scs_section_size  }
0x9a: {  	s5 =	simm.s32 $_size__tile_overlayer_lowered;
	s6 =	simm.s32 $_tile_overlayer_lowered  }
0x9b: {  	s22 =	simm.s32 $0x1BFF;
	s21 =	sshll.u32 s6, $0x1;
	s3 =	sadd.s32 s4, s19  }
0x9c: {  	s7 =	simm.s32 $0x0;
	s20 =	sshll.u32 s5, $0x1;
	s5 =	sadd.s32 s21, s3  }
0x9d: {  	[timem:s7], [sflag:s22] =	dma.local [hbm:s5], s20  }
0x9e: {  	_ =	swait.ge [sflag:s22], s20  }
0x9f: {  	s4 =	ssub.s32 $0x0, s20;
	[sflag:s22] =	ssyncset.done $0x0  }
0xa0: {  	[sflag:s22] =	ssyncadd.s32 s4;
	_ =	sdelay $0x1  }
0xa1: {  	s23 =	simm.s32 $0x1B8B  }
0xa2: {  	_ =	swait.ge [sflag:s23], $0x1  }
0xa3: {  	[sflag:s23] =	ssyncset.done $0x0  }
0xa4: {  	s25 =	simm.s32 $0x1B8E;
	s24 =	sld [smem:$0x3FFE];
	[sflag:s23] =	ssyncadd.s32 $0xFFFFFFFF  }
0xa5: {  	s26 =	simm.s32 $execute0_lowered;
	[smem:$0x3FD2] =	sst s25  }
0xa6: {  	s5 =	sshll.u32 s26, $0x1;
	_ =	strace $0x80000049;
	[dreg:$0x1] =	wrdreg $0xFFFFFFFF  }
0xa7: {  	s28 =	simm.s32 $_size_execute0_lowered;
	s3 =	sadd.s32 s3, s5;
	[dreg:$0x0] =	wrdreg $0x0  }
0xa8: {  	s5 =	sshll.u32 s28, $0x1;
	[dreg:$0x2] =	wrdreg s3  }
0xa9: {  	[dreg:$0x3] =	wrdreg s5  }
0xaa: {  	[dreg:$0x4] =	wrdreg $0xC0  }
0xab: {  	_ =	task [dreg:s7], $0x5FFFF  }
0xac: {  	[dreg:$0x1] =	wrdreg $0xFFFFFFFF  }
0xad: {  	[dreg:$0x0] =	wrdreg $0x60  }
0xae: {  	[dreg:$0x2] =	wrdreg s24  }
0xaf: {  	[dreg:$0x3] =	wrdreg s2  }
0xb0: {  	[dreg:$0x4] =	wrdreg $0x9  }
0xb1: {  	_ =	task.clear_ibuf [dreg:s7], $0x5FFFF;
	_ =	strace $0x90000049  }
0xb2: {  	s29 =	simm.s32 $0x9;
	_ =	strace $0x8000004B  }
0xb3: {  	_ =	swait.ge [sflag:s29], $0x1  }
0xb4: {  	[sflag:s29] =	ssyncadd.s32 $0xFFFFFFFF  }
0xb5: {  	_ =	strace $0x9000004B  }
0xb6: {  	_ =	sfence  }
0xb7: {  	s30 =	sld [smem:$0x0];
	_ =	sdelay $0x2  }
0xb8: {  	s31 =	sshll.u32 s1, $0xD;
	s1 =	sshrl.u32 s1, $0x2  }
0xb9: {  	s3 =	sand.u32 $0x4000, s31;
	s1 =	sadd.s32 s1, s30  }
0xba: {  	s0 =	sor.u32 s3, s0;
	s1 =	sshll.u32 s1, $0x11  }
0xbb: {  	s0 =	sor.u32 s1, s0  }
0xbc: {  	s0 =	sadd.s32 $0x8F2B, s0  }
0xbd: {  	[sflag:s0] =	ssyncadd.remote.s32 $0x1  }
0xbe: {  	_ =	sfence.sel $0xFFFF  }
0xbf: {  	[dreg:$0x0] =	wrdreg $0xFFFFFFFF;
	(pc) =	sbr.abs _section_cstart, $3  }
0xc0: {  	[dreg:$0x1] =	wrdreg $0xFFFFFFFF  }
0xc1: {  	_ =	task.clear_ibuf [dreg:s7], $0x2FFFF;
	_ =	strace $0x9FFFFFFF  }
0xc2: {  	(tm) =	ssettm $0x7FFFFFFF  }
0xc3: {  	_ =	shalt  }
tec
execute0_lowered:
.L_overlay_start_1:
0x0: {  	(tag) =	ssettag $0x1  }
0x1: {  	s6 =	rddreg [dreg:$0x0]  }
0x2: {  	s1 =	rddreg [dreg:$0x1]  }
0x3: {  	s0 =	rddreg [dreg:$0x2]  }
0x4: {  	s3 =	simm.s32 $0x0;
	s4 =	srdreg.scid;
	s2 =	stileid.u32  }
0x5: {  	s11 =	simm.s32 $0xC80;
	s12 =	simm.s32 $0x1;
	s13 =	simm.s32 $0x0  }
0x6: {  	[smem:$0x7FF] =	sst s3;
	s7 =	sand.u32 $0x1, s4;
	s4 =	sadd.s32 $0xB22200, s6  }
0x7: {  	s9 =	sshll.u32 s2, $0x1;
	s5 =	sadd.s32 $0x7A2200, s6;
	s8 =	ssub.s32 $0x2, s7  }
0x8: {  	s6 =	sadd.s32 $0x1000, s6;
	_ =	strace $0x8000004A;
	s10 =	sshrl.u32 s8, $0x1  }
0x9: {  	s7 =	sor.u32 s7, s9;
	s9 =	simm.s32 $0xD480;
	s8 =	ssub.s32 s8, s10  }
0xa: {  	s7 =	smul.u32 $0x6400, s7;
	s10 =	simm.s32 $0x2;
	s8 =	smax.u32 s8, $0x1  }
.LBB2_1:
0xb: {  	[tilespmem:s9], [sflag:$0x2] =	stream.linear.gather [hbm4b:s5+s3], $0x10, $0x38;
	[tilespmem:$0xD490] =	vst v63  }
0xc: {  	_ =	swait.ge [sflag:s10], $0x10  }
0xd: {  	[sflag:s10] =	ssyncset.done $0x0  }
0xe: {  	[sflag:s10] =	ssyncadd.s32 $0xFFFFFFF0  }
0xf: {  	v0 =	vld [tilespmem:$0xD480];
	_ =	sdelay $0x3  }
0x10: {  	s14 =	simm.s32 $0x0  }
.LBB2_2:
0x11: {  	s15 =	smul.u32 $0xC80, s14;
	_ =	sdelay $0x1  }
0x12: {  	s15 =	sadd.s32 s7, s15  }
0x13: {  	s16 =	sshrl.u32 s15, $0x3  }
0x14: {  	s16 =	sadd.s32 s4, s16  }
0x15: {  	[tilespmem:s3], [sflag:$0x2] =	stream.linear.gather [hbm4b:s16+s3], $0xC80, $0x38;
	[tilespmem:$0xD490] =	vst v63  }
0x16: {  	_ =	swait.ge [sflag:s10], $0xC80  }
0x17: {  	[sflag:s10] =	ssyncset.done $0x0  }
0x18: {  	s16 =	simm.s32 $0x40;
	[sflag:s10] =	ssyncadd.s32 $0xFFFFF380  }
0x19: {  	v3 =	vld [tilespmem:s16+$0xFFFFFFC0]  }
0x1a: {  	v4 =	vld [tilespmem:s16+$0xFFFFFFD0]  }
0x1b: {  	v5 =	vld [tilespmem:s16+$0xFFFFFFE0]  }
0x1c: {  	v2 =	vld [tilespmem:s16+$0x0]  }
0x1d: {  	v1 =	vld [tilespmem:s16+$0x10]  }
0x1e: {  	v6 =	vadd.s32 v0, v3;
	v3 =	vld [tilespmem:s16+$0x20]  }
0x1f: {  	[tilespmem:s16+$0xFFFFFFC0] =	vst v6;
	v6 =	vadd.s32 v0, v4;
	v4 =	vld [tilespmem:s16+$0x30]  }
0x20: {  	s17 =	simm.s32 $0x0;
	s18 =	simm.s32 $0xC0;
	[tilespmem:s16+$0xFFFFFFD0] =	vst v6;
	v6 =	vadd.s32 v0, v5;
	v5 =	vld [tilespmem:s16+$0xFFFFFFF0]  }
.LBB2_3:
0x21: {  	v7 =	vld [tilespmem:s18+$0xFFFFFFC0];
	[tilespmem:s16+$0xFFFFFFE0] =	vst v6;
	v2 =	vadd.s32 v0, v2  }
0x22: {  	s17 =	sadd.s32 $0x8, s17;
	v6 =	vld [tilespmem:s18+$0xFFFFFFD0];
	[tilespmem:s16+$0x0] =	vst v2;
	v1 =	vadd.s32 v0, v1  }
0x23: {  	p0 =	slt.u32 s17, $0xC0;
	v8 =	vld [tilespmem:s18+$0xFFFFFFE0];
	[tilespmem:s16+$0x10] =	vst v1;
	v1 =	vadd.s32 v0, v3  }
.Ltmp0:
0x24: {  	v2 =	vld [tilespmem:s18+$0x0];
	[tilespmem:s16+$0x20] =	vst v1;
	v3 =	vadd.s32 v0, v4;
	(pc) =	sbr.rel @p0 .LBB2_3-.Ltmp0, $4  }
0x25: {  	v1 =	vld [tilespmem:s18+$0x10];
	v4 =	vadd.s32 v0, v5;
	[tilespmem:s16+$0x30] =	vst v3  }
0x26: {  	v5 =	vadd.s32 v0, v7;
	v3 =	vld [tilespmem:s18+$0x20];
	[tilespmem:s16+$0xFFFFFFF0] =	vst v4;
	s16 =	smov.u32 s18  }
0x27: {  	[tilespmem:s18+$0xFFFFFFC0] =	vst v5;
	v5 =	vadd.s32 v0, v6;
	v4 =	vld [tilespmem:s18+$0x30]  }
0x28: {  	s18 =	sadd.s32 $0x80, s18;
	[tilespmem:s16+$0xFFFFFFD0] =	vst v5;
	v6 =	vadd.s32 v0, v8;
	v5 =	vld [tilespmem:s16+$0xFFFFFFF0]  }
0x29: {  	[tilespmem:s16+$0xFFFFFFE0] =	vst v6;
	v2 =	vadd.s32 v0, v2  }
0x2a: {  	[tilespmem:s16+$0x0] =	vst v2;
	v1 =	vadd.s32 v0, v1  }
0x2b: {  	[tilespmem:s16+$0x10] =	vst v1;
	v1 =	vadd.s32 v0, v3  }
0x2c: {  	[tilespmem:s16+$0x20] =	vst v1;
	v1 =	vadd.s32 v0, v4  }
0x2d: {  	v2 =	vadd.s32 v0, v5;
	[tilespmem:s16+$0x30] =	vst v1  }
0x2e: {  	[tilespmem:s16+$0xFFFFFFF0] =	vst v2  }
0x2f: {  	[tilespmem:s11], [sflag:$0x1] =	stream.indirect.gather [hbm4b:s6+s11], $0x10, s3, s11, $0xb8;
	[tilespmem:$0xD490] =	vst v63  }
0x30: {  	s14 =	sadd.s32 $0x1, s14;
	_ =	swait.ge [sflag:s12], $0xC800  }
0x31: {  	s15 =	sshll.u32 s15, $0x1;
	p0 =	sne.s32 s14, $0x8;
	[sflag:s12] =	ssyncset.done $0x0  }
.Ltmp1:
0x32: {  	s15 =	sadd.s32 s1, s15;
	[sflag:s12] =	ssyncadd.s32 $0xFFFF3800;
	(pc) =	sbr.rel @p0 .LBB2_2-.Ltmp1, $4  }
0x33: {  	[hbm4b:s15+s3] =	stream.linear.scatter [tilespmem:s11], [sflag:$0x2], $0xC800, $0x38;
	[tilespmem:$0xD490] =	vst v63  }
0x34: {  	_ =	swait.ge [sflag:s10], $0xC800  }
0x35: {  	[sflag:s10] =	ssyncset.done $0x0  }
0x36: {  	[sflag:s10] =	ssyncadd.s32 $0xFFFF3800  }
0x37: {  	s13 =	sadd.s32 $0x1, s13  }
0x38: {  	p0 =	sne.s32 s13, s8  }
.Ltmp2:
0x39: {  	_ = 	snop;
	(pc) =	sbr.rel @p0 .LBB2_1-.Ltmp2, $1  }
0x3a: {  	_ =	sdelay $0x3  }
0x3b: {  	_ =	sfence.sel $0x180000  }
0x3c: {  	[bflag:$0x0] =	sbarrier.arrive $0xFFFF  }
0x3d: {  	p0 =	sne.s32 s2, $0x0;
	_ =	strace $0x9000004A  }
0x3e: {  	s0 =	sadd.s32 @!p0 $0x100000, s0;
	[bflag:$0x2] =	sbarrier.arrive $0xFFFF  }
0x3f: {  	[sflag:s0] =	ssyncadd.tile.s32 @!p0 $0x1;
	_ =	shalt  }
.Lfunc_end2:
_tile_overlayer_lowered:
.L_overlay_start_2:
0x40: {  	(tag) =	ssettag $0x2  }
0x41: {  	s0 =	rddreg [dreg:$0x0];
	s2 =	stileid.u32  }
0x42: {  	s1 =	rddreg [dreg:$0x1];
	p0 =	sne.s32 s2, $0x0  }
0x43: {  	s3 =	rddreg [dreg:$0x2];
	[bflag:$0x3] =	sbarrier.arrive $0xFFFF;
	s2 =	simm.s32 @!p0 $0x1C02  }
0x44: {  	[timem:s3], [sflag:s2] =	dma.local @!p0 [hbm:s0], s1  }
0x45: {  	s0 =	simm.s32 @!p0 $0x2  }
0x46: {  	_ =	swait.ge @!p0 [sflag:s0], s1  }
0x47: {  	s1 =	ssub.s32 @!p0 $0x0, s1;
	[sflag:s0] =	ssyncset.done @!p0 $0x0  }
0x48: {  	[sflag:s0] =	ssyncadd.s32 @!p0 s1  }
0x49: {  	[bflag:$0x3] =	sbarrier.arrive $0xFFFF  }
0x4a: {  	_ =	shalt  }

// kernel: sparse-core-data-format-call.cloned.1.call-start
scs
called_computation_lowered:
.L_overlay_start_0:
0x0: {  	s2 =	sld [smem:$0x3FD9]  }
0x1: {  	s3 =	sld [smem:$0x3FFE];
	_ =	sdelay $0x1  }
0x2: {  	s1 =	srdreg.scid  }
0x3: {  	s0 =	sand.u32 $0x1, s1  }
0x4: {  	s18 =	sshll.u32 s0, $0xA;
	s2 =	sadd.s32 s3, s2  }
0x5: {  	s2 =	sadd.s32 s2, s18  }
0x6: {  	[smem:$0x3FC6] =	sst s2  }
0x7: {  	_ = 	snop  }
0x8: {  	s2 =	sld [smem:$0x3FD0];
	(tm) =	ssettm $0x1  }
0x9: {  	s19 =	sld [smem:$0x3FFB];
	_ =	sdelay $0x3  }
0xa: {  	_ =	strace s19  }
0xb: {  	s3 =	sld [smem:$0x3FFC];
	_ =	sdelay $0x3  }
0xc: {  	_ =	strace s3  }
0xd: {  	s3 =	sld [smem:$0x3FFD];
	_ =	sdelay $0x3  }
0xe: {  	_ =	strace s3  }
0xf: {  	_ =	strace $0x8FFFFFFF  }
0x10: {  	s20 =	sld [smem:$0x3FDB];
	_ =	sdelay $0x1  }
0x11: {  	s4 =	simm.s32 $_scs_section_size  }
0x12: {  	s5 =	simm.s32 $_size__tile_overlayer_lowered;
	s6 =	simm.s32 $_tile_overlayer_lowered  }
0x13: {  	s23 =	simm.s32 $0x1BFF;
	s22 =	sshll.u32 s6, $0x1;
	s3 =	sadd.s32 s4, s20  }
0x14: {  	s7 =	simm.s32 $0x0;
	s21 =	sshll.u32 s5, $0x1;
	s5 =	sadd.s32 s22, s3  }
0x15: {  	[timem:s7], [sflag:s23] =	dma.local [hbm:s5], s21  }
0x16: {  	_ =	swait.ge [sflag:s23], s21  }
0x17: {  	s4 =	ssub.s32 $0x0, s21;
	[sflag:s23] =	ssyncset.done $0x0  }
0x18: {  	[sflag:s23] =	ssyncadd.s32 s4;
	_ =	sdelay $0x1  }
0x19: {  	s24 =	simm.s32 $0x1B8B  }
0x1a: {  	_ =	swait.ge [sflag:s24], $0x1  }
0x1b: {  	[sflag:s24] =	ssyncset.done $0x0  }
0x1c: {  	s26 =	simm.s32 $0x1B8E;
	s25 =	sld [smem:$0x3FFE];
	[sflag:s24] =	ssyncadd.s32 $0xFFFFFFFF  }
0x1d: {  	s27 =	simm.s32 $execute0_lowered;
	[smem:$0x3FD2] =	sst s26  }
0x1e: {  	s5 =	sshll.u32 s27, $0x1;
	_ =	strace $0x8000004C;
	[dreg:$0x1] =	wrdreg $0xFFFFFFFF  }
0x1f: {  	s28 =	simm.s32 $_size_execute0_lowered;
	s3 =	sadd.s32 s3, s5;
	[dreg:$0x0] =	wrdreg $0x0  }
0x20: {  	s5 =	sshll.u32 s28, $0x1;
	[dreg:$0x2] =	wrdreg s3  }
0x21: {  	[dreg:$0x3] =	wrdreg s5  }
0x22: {  	[dreg:$0x4] =	wrdreg $0xC0  }
0x23: {  	_ =	task [dreg:s7], $0x5FFFF  }
0x24: {  	[dreg:$0x1] =	wrdreg $0xFFFFFFFF  }
0x25: {  	[dreg:$0x0] =	wrdreg $0x60  }
0x26: {  	[dreg:$0x2] =	wrdreg s25  }
0x27: {  	[dreg:$0x3] =	wrdreg s2  }
0x28: {  	[dreg:$0x4] =	wrdreg $0x9  }
0x29: {  	_ =	task.clear_ibuf [dreg:s7], $0x5FFFF;
	_ =	strace $0x9000004C  }
0x2a: {  	s29 =	simm.s32 $0x9;
	_ =	strace $0x8000004E  }
0x2b: {  	_ =	swait.ge [sflag:s29], $0x1  }
0x2c: {  	[sflag:s29] =	ssyncadd.s32 $0xFFFFFFFF  }
0x2d: {  	_ =	strace $0x9000004E  }
0x2e: {  	_ =	sfence  }
0x2f: {  	s30 =	sld [smem:$0x0];
	_ =	sdelay $0x2  }
0x30: {  	s31 =	sshll.u32 s1, $0xD;
	s1 =	sshrl.u32 s1, $0x2  }
0x31: {  	s3 =	sand.u32 $0x4000, s31;
	s1 =	sadd.s32 s1, s30  }
0x32: {  	s0 =	sor.u32 s3, s0;
	s1 =	sshll.u32 s1, $0x11  }
0x33: {  	s0 =	sor.u32 s1, s0  }
0x34: {  	s0 =	sadd.s32 $0x8F2B, s0  }
0x35: {  	[sflag:s0] =	ssyncadd.remote.s32 $0x1  }
0x36: {  	_ =	sfence.sel $0xFFFF  }
0x37: {  	[dreg:$0x0] =	wrdreg $0xFFFFFFFF;
	(pc) =	sbr.abs _section_cstart, $3  }
0x38: {  	[dreg:$0x1] =	wrdreg $0xFFFFFFFF  }
0x39: {  	_ =	task.clear_ibuf [dreg:s7], $0x2FFFF;
	_ =	strace $0x9FFFFFFF  }
0x3a: {  	(tm) =	ssettm $0x7FFFFFFF  }
0x3b: {  	_ =	shalt  }
tec
execute0_lowered:
.L_overlay_start_1:
0x0: {  	(tag) =	ssettag $0x1  }
0x1: {  	s0 =	srdreg.scid  }
0x2: {  	s1 =	sshll.u32 s0, $0x4  }
0x3: {  	s0 =	stileid.u32;
	s1 =	sand.u32 $0x10, s1  }
0x4: {  	s1 =	sor.u32 s0, s1  }
0x5: {  	s6 =	rddreg [dreg:$0x0];
	s4 =	simm.s32 $0x1;
	s2 =	sshll.u32 s1, $0x7  }
0x6: {  	s7 =	simm.s32 $0x2;
	s12 =	simm.s32 $0x0;
	s1 =	ssub.s32 $0x1000, s2  }
0x7: {  	s8 =	simm.s32 $0x8000;
	s13 =	simm.s32 $0x0;
	s3 =	sand.u32 $0xF80, s1  }
0x8: {  	s9 =	simm.s32 $0x0;
	s5 =	sshrl.u32 s1, $0xC;
	p0 =	sne.s32 s3, $0x0  }
.Ltmp0:
0x9: {  	s1 =	rddreg [dreg:$0x2];
	s4 =	simm.s32 @!p0 $0x0;
	(pc) =	sbr.rel .LBB1_1-.Ltmp0, $4  }
0xa: {  	s11 =	simm.s32 $0x0;
	s3 =	rddreg [dreg:$0x1];
	s5 =	sadd.s32 s4, s5  }
0xb: {  	_ =	strace $0x8000004D;
	s4 =	simm.s32 $0x1;
	s5 =	smul.u32 $0x32, s5  }
0xc: {  	s6 =	sadd.s32 $0x1000, s6;
	s10 =	smov.u32 s2;
	[sflag:s4] =	ssyncpa.u1 $0x0  }
0xd: {  	p0 =	por $0x0, $0x0;
	[sflag:s7] =	ssyncpa.u1 $0x0;
	s7 =	sor.u32 $0x1, s5  }
.LBB1_4:
0xe: {  	s16 =	sshll.u32 s13, $0x3;
	s17 =	sand.u32 $0x78, s13  }
0xf: {  	s30 =	sand.u32 $0x7E00, s13;
	s12 =	sshll.u32 s12, $0xF;
	s16 =	sand.u32 $0xC00, s16  }
0x10: {  	[tilespmem:s15+$0x810 ss:$0x81] =	vst.msk $0xffff, v2;
	s31 =	sand.u32 $0x7, s13;
	s16 =	sor.u32 s17, s16;
	s17 =	sadd.s32 s3, s30  }
0x11: {  	[tilespmem:s15+$0x1020 ss:$0x81] =	vst.msk $0xffff, v0;
	s13 =	sshll.u32 s31, $0x12;
	s12 =	sadd.s32 s12, s17;
	s16 =	sshrl.u32 s16, $0x3  }
0x12: {  	[tilespmem:s15+$0x0 ss:$0x81] =	vst.msk $0xffff, v1;
	s13 =	sor.u32 $0x400, s13;
	s12 =	sadd.s32 s16, s12  }
0x13: {  	[hbm4b:s12+s13] =	stream.strided.scatter [tilespmem:s14], [sflag:$0x2], $0x2000, s8, s13, $0x20;
	[tilespmem:$0x8080] =	vst v63  }
.LBB1_5:
0x14: {  	s14 =	sadd.s32 $0x1, s9  }
0x15: {  	s12 =	sadd.s32 $0x1000, s10;
	s16 =	smov.u32 s10;
	p2 =	sgt.s32 s14, $0x31  }
0x16: {  	s16 =	smov.u32 @p2 s12  }
0x17: {  	s14 =	simm.s32 @p2 $0x0;
	p2 =	sgt.s32 s16, $0xFFF  }
0x18: {  	s16 =	smov.u32 @p2 s2;
	p2 =	sne.s32 s11, s7  }
.Ltmp1:
0x19: {  	p1 =	slt.u32 s11, $0x2;
	(pc) =	sbr.rel @!p2 .LBB1_6-.Ltmp1, $4  }
0x1a: {  	s15 =	simm.s32 @!p1 $0x2  }
0x1b: {  	s13 =	smov.u32 s10;
	p0 =	por !p0, !p0;
	_ =	swait.ge @!p1 [sflag:s15], $0x2000  }
0x1c: {  	s12 =	smov.u32 s9;
	[sflag:s15] =	ssyncset.done @!p1 $0x0;
	s9 =	smov.u32 s14  }
0x1d: {  	s11 =	sadd.s32 $0x1, s11;
	[sflag:s15] =	ssyncadd.s32 @!p1 $0xFFFFE000;
	s10 =	smov.u32 s16  }
.LBB1_1:
0x1e: {  	p1 =	sge.u32 s11, s5  }
0x1f: {  	s14 =	sand.u32 @!p1 $0x1FFFFFF, s9  }
0x20: {  	s15 =	smulhi.u32 @!p1 $0x4924925, s14;
	_ =	sdelay $0x1  }
0x21: {  	s15 =	smul.u32 @!p1 $0x38, s15  }
0x22: {  	s16 =	sxor.u32 @!p1 $0xFFFFFFFF, s11;
	s17 =	smul.u32 @!p1 $0x380, s10  }
0x23: {  	s31 =	sadd.s32 $0xFFFFFFFF, s11;
	s16 =	sshll.u32 @!p1 s16, $0xD;
	s14 =	ssub.s32 @!p1 s14, s15  }
0x24: {  	s15 =	sand.u32 @!p1 $0x2000, s16;
	s16 =	sadd.s32 @!p1 s6, s17;
	s14 =	sshll.u32 @!p1 s14, $0x4  }
0x25: {  	s17 =	simm.s32 @!p1 $0x1C00;
	s14 =	sadd.s32 @!p1 s14, s16;
	s16 =	simm.s32 @!p1 $0x40  }
0x26: {  	[tilespmem:s15], [sflag:$0x1] =	stream.strided.gather @!p1 [hbm4b:s14+s16], $0x2000, s17, s16, $0x38;
	[tilespmem:$0x8080] =	vst v63  }
0x27: {  	p1 =	sge.u32 s31, s5  }
.Ltmp2:
0x28: {  	_ = 	snop;
	(pc) =	sbr.rel @p1 .LBB1_5-.Ltmp2, $1  }
0x29: {  	_ =	sdelay $0x3  }
0x2a: {  	s14 =	simm.s32 $0x1  }
0x2b: {  	_ =	swait.ge [sflag:s4], $0x2000;
	s14 =	simm.s32 @!p0 $0x0  }
0x2c: {  	[sflag:s4] =	ssyncset.done $0x0;
	s15 =	sshll.u32 s14, $0xD  }
0x2d: {  	[sflag:s4] =	ssyncadd.s32 $0xFFFFE000;
	s18 =	sor.u32 $0x20, s15  }
0x2e: {  	s14 =	smul.u32 $0x8100, s14;
	v3 =	vld [tilespmem:s18+$0x10]  }
0x2f: {  	s30 =	sand.u32 $0x1, s11;
	v2 =	vld [tilespmem:s18+$0xFFFFFFF0]  }
0x30: {  	s15 =	smul.u32 $0x8100, s30;
	s14 =	sshrl.u32 s14, $0x2;
	v0 =	vld [tilespmem:s18+$0x0]  }
0x31: {  	v1 =	vld [tilespmem:s18+$0xFFFFFFE0];
	s16 =	sor.u32 $0x4000, s14  }
0x32: {  	s31 =	sshrl.u32 s15, $0x2;
	s15 =	sadd.s32 $0x0, s16  }
0x33: {  	s17 =	simm.s32 $0x4;
	s18 =	sadd.s32 $0x40, s18;
	s14 =	sor.u32 $0x4000, s31;
	[tilespmem:s15+$0x1830 ss:$0x81] =	vst.msk $0xffff, v3  }
.LBB1_3:
0x34: {  	v3 =	vld [tilespmem:s18+$0x10];
	p1 =	sne.s32 s17, $0x1FC;
	[tilespmem:s15+$0x810 ss:$0x81] =	vst.msk $0xffff, v2;
	s19 =	smov.u32 s17;
	s17 =	sadd.s32 $0x4, s17  }
.Ltmp3:
0x35: {  	v2 =	vld [tilespmem:s18+$0xFFFFFFF0];
	[tilespmem:s15+$0x1020 ss:$0x81] =	vst.msk $0xffff, v0;
	(pc) =	sbr.rel @p1 .LBB1_3-.Ltmp3, $4  }
0x36: {  	v0 =	vld [tilespmem:s18+$0x0];
	[tilespmem:s15+$0x0 ss:$0x81] =	vst.msk $0xffff, v1  }
0x37: {  	s15 =	sshra.s32 s19, $0x2;
	v1 =	vld [tilespmem:s18+$0xFFFFFFE0]  }
0x38: {  	s15 =	sadd.s32 s15, s16  }
0x39: {  	s18 =	sadd.s32 $0x40, s18;
	[tilespmem:s15+$0x1830 ss:$0x81] =	vst.msk $0xffff, v3  }
.Ltmp4:
0x3a: {  	_ = 	snop;
	(pc) =	sbr.rel .LBB1_4-.Ltmp4, $1  }
0x3b: {  	_ =	sdelay $0x3  }
.LBB1_6:
0x3c: {  	_ =	sfence.sel $0x180000  }
0x3d: {  	s2 =	simm.s32 $0x1;
	[bflag:$0x0] =	sbarrier.arrive $0xFFFF  }
0x3e: {  	s31 =	simm.s32 $0x2;
	[sflag:s2] =	ssyncpa.u1 $0x1  }
0x3f: {  	[sflag:s31] =	ssyncpa.u1 $0x1  }
0x40: {  	p0 =	sne.s32 s0, $0x0;
	_ =	strace $0x9000004D  }
0x41: {  	s0 =	sadd.s32 @!p0 $0x100000, s1;
	[bflag:$0x2] =	sbarrier.arrive $0xFFFF  }
0x42: {  	[sflag:s0] =	ssyncadd.tile.s32 @!p0 $0x1;
	_ =	shalt  }
.Lfunc_end1:
_tile_overlayer_lowered:
.L_overlay_start_2:
0x43: {  	(tag) =	ssettag $0x2  }
0x44: {  	s0 =	rddreg [dreg:$0x0];
	s2 =	stileid.u32  }
0x45: {  	s1 =	rddreg [dreg:$0x1];
	p0 =	sne.s32 s2, $0x0  }
0x46: {  	s3 =	rddreg [dreg:$0x2];
	[bflag:$0x3] =	sbarrier.arrive $0xFFFF;
	s2 =	simm.s32 @!p0 $0x1C01  }
0x47: {  	[timem:s3], [sflag:s2] =	dma.local @!p0 [hbm:s0], s1  }
0x48: {  	s0 =	simm.s32 @!p0 $0x1  }
0x49: {  	_ =	swait.ge @!p0 [sflag:s0], s1  }
0x4a: {  	s1 =	ssub.s32 @!p0 $0x0, s1;
	[sflag:s0] =	ssyncset.done @!p0 $0x0  }
0x4b: {  	[sflag:s0] =	ssyncadd.s32 @!p0 s1  }
0x4c: {  	[bflag:$0x3] =	sbarrier.arrive $0xFFFF  }
0x4d: {  	_ =	shalt  }

</sc_bundles>
